<compile_context>
chip_gen: v7x
topology: tpu7x:2x2x1
jax: 0.10.2.dev20260603
libtpu: 0.0.44.dev20260713+nightly
codegen_flags: <defaults>
</compile_context>

<pallas_src>
import functools
import jax
import jax.numpy as jnp
from jax import lax
from jax.experimental import pallas as pl
from jax.experimental.pallas import tpu as pltpu
from jax.experimental.pallas import tpu_sc as plsc

B = 16384
D = 64
L = 16


@jax.jit
def _bprmf_gather(user, pos_item, neg_item, embed_user, embed_item):
    info = plsc.get_sparse_core_info()
    nc, ns = info.num_cores, info.num_subcores
    nw = nc * ns
    bpw = B // nw
    mesh = plsc.VectorSubcoreMesh(core_axis_name="c", subcore_axis_name="s")

    @functools.partial(
        pl.kernel,
        mesh=mesh,
        out_type=(
            jax.ShapeDtypeStruct((B, D), jnp.float32),
            jax.ShapeDtypeStruct((B, D), jnp.float32),
            jax.ShapeDtypeStruct((B, D), jnp.float32),
        ),
        scratch_types=[
            pltpu.VMEM((bpw,), jnp.int32),
            pltpu.VMEM((bpw, D), jnp.float32),
            pltpu.SemaphoreType.DMA,
        ],
    )
    def k(user_hbm, pos_hbm, neg_hbm, eu_hbm, ei_hbm,
          out_u, out_p, out_n, idx_v, rows_v, sem):
        wid = lax.axis_index("s") * nc + lax.axis_index("c")
        base = wid * bpw

        def one_table(idx_hbm, tab_hbm, out_hbm):
            pltpu.sync_copy(idx_hbm.at[pl.ds(base, bpw)], idx_v)

            @plsc.parallel_loop(0, bpw // L, unroll=2)
            def group_body(g):
                v16 = idx_v[pl.ds(g * L, L)]
                for jj in range(L):
                    pltpu.async_copy(
                        tab_hbm.at[v16[jj]], rows_v.at[g * L + jj], sem)

            pltpu.make_async_copy(
                tab_hbm.at[pl.ds(0, bpw)], rows_v, sem).wait()
            pltpu.sync_copy(rows_v, out_hbm.at[pl.ds(base, bpw)])

        one_table(user_hbm, eu_hbm, out_u)
        one_table(pos_hbm, ei_hbm, out_p)
        one_table(neg_hbm, ei_hbm, out_n)

    return k(user, pos_item, neg_item, embed_user, embed_item)


def kernel(user, pos_item, neg_item, embed_user, embed_item):
    return _bprmf_gather(user, pos_item, neg_item, embed_user, embed_item)

# --- scband reference (transcript-rebuilt; emitter-appended) ---
"""Pipeline reference for scband-bprmf-26439818674721 (READ-ONLY COPY).

The authoritative reference and input builder live on the scoring server;
editing this copy changes nothing except your own understanding.
"""

import jax, jax.numpy as jnp
import numpy as np

N_USER = 1000000
N_ITEM = 1000000
EMBED_DIM = 64
BATCH = 16384


def setup_inputs(seed: int = 0) -> dict:
    key = jax.random.key(seed)
    k1, k2, k3, k4, k5 = jax.random.split(key, 5)
    user = jax.random.randint(k1, (BATCH,), 0, N_USER, dtype=jnp.int64 if jax.config.jax_enable_x64 else jnp.int32)
    pos_item = jax.random.randint(k2, (BATCH,), 0, N_ITEM, dtype=jnp.int64 if jax.config.jax_enable_x64 else jnp.int32)
    neg_item = jax.random.randint(k3, (BATCH,), 0, N_ITEM, dtype=jnp.int64 if jax.config.jax_enable_x64 else jnp.int32)
    embed_user = jax.random.normal(k4, (N_USER, EMBED_DIM), dtype=jnp.float32) * 0.01
    embed_item = jax.random.normal(k5, (N_ITEM, EMBED_DIM), dtype=jnp.float32) * 0.01
    return {
        "user": user,
        "pos_item": pos_item,
        "neg_item": neg_item,
        "embed_user": embed_user,
        "embed_item": embed_item,
    }


def reference(user, pos_item, neg_item, embed_user, embed_item):
    # Faithful translation of BPRMF.forward: three embedding lookups.
    user_embeddings = jnp.take(embed_user, user, axis=0)
    pos_item_embeddings = jnp.take(embed_item, pos_item, axis=0)
    neg_item_embeddings = jnp.take(embed_item, neg_item, axis=0)
    return (user_embeddings, pos_item_embeddings, neg_item_embeddings)

if __name__ == "__main__":
    import jax
    _d = setup_inputs()
    print(jax.jit(kernel)(*tuple(_d.values())))

</pallas_src>

<mosaic_0001>
#map = affine_map<(d0, d1) -> (0)>
#map1 = affine_map<(d0, d1) -> (0, 0)>
module attributes {stable_mosaic.version = 14 : i64} {
  func.func @k(%arg0: i32, %arg1: i32, %arg2: memref<16384xi32, #tpu.memory_space<hbm>>, %arg3: memref<16384xi32, #tpu.memory_space<hbm>>, %arg4: memref<16384xi32, #tpu.memory_space<hbm>>, %arg5: memref<1000000x64xf32, #tpu.memory_space<hbm>>, %arg6: memref<1000000x64xf32, #tpu.memory_space<hbm>>, %arg7: memref<16384x64xf32, #tpu.memory_space<hbm>>, %arg8: memref<16384x64xf32, #tpu.memory_space<hbm>>, %arg9: memref<16384x64xf32, #tpu.memory_space<hbm>>, %arg10: memref<512xi32, #tpu.memory_space<vmem>>, %arg11: memref<512x64xf32, #tpu.memory_space<vmem>>, %arg12: memref<!tpu.dma_semaphore, #tpu.memory_space<semaphore_mem>>) attributes {dimension_semantics = [#tpu.dimension_semantics<core_parallel>, #tpu.dimension_semantics<subcore_parallel>], iteration_bounds = array<i64: 2, 16>, scalar_prefetch = 0 : i64, scratch_operands = 3 : i64, tpu.core_type = #tpu.core_type<sc_vector_subcore>, window_params = [{transform_indices = #map}, {transform_indices = #map}, {transform_indices = #map}, {transform_indices = #map1}, {transform_indices = #map1}, {transform_indices = #map1}, {transform_indices = #map1}, {transform_indices = #map1}]} {
    %mul3A = arith.constant 2 : i32
    %mul3A_0 = arith.muli %arg1, %mul3A : i32
    %add3A = arith.addi %mul3A_0, %arg0 : i32
    %mul3A_1 = arith.constant 512 : i32
    %mul3A_2 = arith.muli %add3A, %mul3A_1 : i32
    "tpu.region"() ({
      %run_scoped3A = tpu.sem_alloc : memref<!tpu.dma_semaphore, #tpu.memory_space<semaphore_mem>>
      %dma_start3A = tpu.memref_slice %arg2[%mul3A_2] : memref<16384xi32, #tpu.memory_space<hbm>> -> memref<512xi32, #tpu.memory_space<hbm>>
      %dma_start3A_28 = tpu.memref_slice %arg2[%mul3A_2] : memref<16384xi32, #tpu.memory_space<hbm>> -> memref<512xi32, #tpu.memory_space<hbm>>
      tpu.enqueue_dma source(%dma_start3A_28 : memref<512xi32, #tpu.memory_space<hbm>>) target(%arg10 : memref<512xi32, #tpu.memory_space<vmem>>) target_semaphore(%run_scoped3A : memref<!tpu.dma_semaphore, #tpu.memory_space<semaphore_mem>>)
      %dma_wait3A_29 = tpu.memref_slice %arg2[%mul3A_2] : memref<16384xi32, #tpu.memory_space<hbm>> -> memref<512xi32, #tpu.memory_space<hbm>>
      %dma_wait3A_30 = tpu.memref_slice %arg2[%mul3A_2] : memref<16384xi32, #tpu.memory_space<hbm>> -> memref<512xi32, #tpu.memory_space<hbm>>
      tpu.wait_dma2 semaphore(%run_scoped3A : memref<!tpu.dma_semaphore, #tpu.memory_space<semaphore_mem>>) src(%dma_wait3A_30 : memref<512xi32, #tpu.memory_space<hbm>>) dst(%arg10 : memref<512xi32, #tpu.memory_space<vmem>>)
      tpu.yield
    }) : () -> ()
    %parallel_loop3A = arith.constant 0 : i32
    %parallel_loop3A_3 = arith.constant 32 : i32
    %parallel_loop3A_4 = arith.constant 1 : i32
    scf.for %parallel_loop3A_28 = %parallel_loop3A to %parallel_loop3A_3 step %parallel_loop3A_4  : i32 {
      %parallel_loop3A_29 = arith.constant 16 : i32
      %parallel_loop3A_30 = arith.muli %parallel_loop3A_28, %parallel_loop3A_29 : i32
      %parallel_loop3A_31 = arith.index_cast %parallel_loop3A_30 : i32 to index
      %parallel_loop3A_32 = tpu.vector_load %arg10[%parallel_loop3A_31] {strides = array<i32>} : memref<512xi32, #tpu.memory_space<vmem>>, vector<16xi32>,
      %parallel_loop3A_33 = vector.shape_cast %parallel_loop3A_32 : vector<16xi32> to vector<16xi32>
      %parallel_loop3A_34 = vector.extract_strided_slice %parallel_loop3A_33 {offsets = [0], sizes = [1], strides = [1]} : vector<16xi32> to vector<1xi32>
      %parallel_loop3A_35 = vector.extract %parallel_loop3A_34[0] : i32 from vector<1xi32>
      %parallel_loop3A_36 = arith.constant 16 : i32
      %parallel_loop3A_37 = arith.muli %parallel_loop3A_28, %parallel_loop3A_36 : i32
      %parallel_loop3A_38 = arith.constant 0 : i32
      %parallel_loop3A_39 = arith.addi %parallel_loop3A_37, %parallel_loop3A_38 : i32
      %parallel_loop3A_40 = arith.constant 0 : i32
      %parallel_loop3A_41 = tpu.memref_slice %arg11[%parallel_loop3A_39, %parallel_loop3A_40] : memref<512x64xf32, #tpu.memory_space<vmem>> -> memref<1x64xf32, #tpu.memory_space<vmem>>
      %parallel_loop3A_42 = tpu.memref_squeeze %parallel_loop3A_41 : memref<1x64xf32, #tpu.memory_space<vmem>> -> memref<64xf32, #tpu.memory_space<vmem>>
      %parallel_loop3A_43 = arith.constant 0 : i32
      %parallel_loop3A_44 = tpu.memref_slice %arg5[%parallel_loop3A_35, %parallel_loop3A_43] : memref<1000000x64xf32, #tpu.memory_space<hbm>> -> memref<1x64xf32, #tpu.memory_space<hbm>>
      %parallel_loop3A_45 = tpu.memref_squeeze %parallel_loop3A_44 : memref<1x64xf32, #tpu.memory_space<hbm>> -> memref<64xf32, #tpu.memory_space<hbm>>
      %parallel_loop3A_46 = arith.constant 0 : i32
      %parallel_loop3A_47 = tpu.memref_slice %arg11[%parallel_loop3A_39, %parallel_loop3A_46] : memref<512x64xf32, #tpu.memory_space<vmem>> -> memref<1x64xf32, #tpu.memory_space<vmem>>
      %parallel_loop3A_48 = tpu.memref_squeeze %parallel_loop3A_47 : memref<1x64xf32, #tpu.memory_space<vmem>> -> memref<64xf32, #tpu.memory_space<vmem>>
      %parallel_loop3A_49 = arith.constant 0 : i32
      %parallel_loop3A_50 = tpu.memref_slice %arg5[%parallel_loop3A_35, %parallel_loop3A_49] : memref<1000000x64xf32, #tpu.memory_space<hbm>> -> memref<1x64xf32, #tpu.memory_space<hbm>>
      %parallel_loop3A_51 = tpu.memref_squeeze %parallel_loop3A_50 : memref<1x64xf32, #tpu.memory_space<hbm>> -> memref<64xf32, #tpu.memory_space<hbm>>
      tpu.enqueue_dma source(%parallel_loop3A_51 : memref<64xf32, #tpu.memory_space<hbm>>) target(%parallel_loop3A_48 : memref<64xf32, #tpu.memory_space<vmem>>) target_semaphore(%arg12 : memref<!tpu.dma_semaphore, #tpu.memory_space<semaphore_mem>>)
      %parallel_loop3A_52 = vector.extract_strided_slice %parallel_loop3A_33 {offsets = [1], sizes = [1], strides = [1]} : vector<16xi32> to vector<1xi32>
      %parallel_loop3A_53 = vector.extract %parallel_loop3A_52[0] : i32 from vector<1xi32>
      %parallel_loop3A_54 = arith.constant 16 : i32
      %parallel_loop3A_55 = arith.muli %parallel_loop3A_28, %parallel_loop3A_54 : i32
      %parallel_loop3A_56 = arith.constant 1 : i32
      %parallel_loop3A_57 = arith.addi %parallel_loop3A_55, %parallel_loop3A_56 : i32
      %parallel_loop3A_58 = arith.constant 0 : i32
      %parallel_loop3A_59 = tpu.memref_slice %arg11[%parallel_loop3A_57, %parallel_loop3A_58] : memref<512x64xf32, #tpu.memory_space<vmem>> -> memref<1x64xf32, #tpu.memory_space<vmem>>
      %parallel_loop3A_60 = tpu.memref_squeeze %parallel_loop3A_59 : memref<1x64xf32, #tpu.memory_space<vmem>> -> memref<64xf32, #tpu.memory_space<vmem>>
      %parallel_loop3A_61 = arith.constant 0 : i32
      %parallel_loop3A_62 = tpu.memref_slice %arg5[%parallel_loop3A_53, %parallel_loop3A_61] : memref<1000000x64xf32, #tpu.memory_space<hbm>> -> memref<1x64xf32, #tpu.memory_space<hbm>>
      %parallel_loop3A_63 = tpu.memref_squeeze %parallel_loop3A_62 : memref<1x64xf32, #tpu.memory_space<hbm>> -> memref<64xf32, #tpu.memory_space<hbm>>
      %parallel_loop3A_64 = arith.constant 0 : i32
      %parallel_loop3A_65 = tpu.memref_slice %arg11[%parallel_loop3A_57, %parallel_loop3A_64] : memref<512x64xf32, #tpu.memory_space<vmem>> -> memref<1x64xf32, #tpu.memory_space<vmem>>
      %parallel_loop3A_66 = tpu.memref_squeeze %parallel_loop3A_65 : memref<1x64xf32, #tpu.memory_space<vmem>> -> memref<64xf32, #tpu.memory_space<vmem>>
      %parallel_loop3A_67 = arith.constant 0 : i32
      %parallel_loop3A_68 = tpu.memref_slice %arg5[%parallel_loop3A_53, %parallel_loop3A_67] : memref<1000000x64xf32, #tpu.memory_space<hbm>> -> memref<1x64xf32, #tpu.memory_space<hbm>>
      %parallel_loop3A_69 = tpu.memref_squeeze %parallel_loop3A_68 : memref<1x64xf32, #tpu.memory_space<hbm>> -> memref<64xf32, #tpu.memory_space<hbm>>
      tpu.enqueue_dma source(%parallel_loop3A_69 : memref<64xf32, #tpu.memory_space<hbm>>) target(%parallel_loop3A_66 : memref<64xf32, #tpu.memory_space<vmem>>) target_semaphore(%arg12 : memref<!tpu.dma_semaphore, #tpu.memory_space<semaphore_mem>>)
      %parallel_loop3A_70 = vector.extract_strided_slice %parallel_loop3A_33 {offsets = [2], sizes = [1], strides = [1]} : vector<16xi32> to vector<1xi32>
      %parallel_loop3A_71 = vector.extract %parallel_loop3A_70[0] : i32 from vector<1xi32>
      %parallel_loop3A_72 = arith.constant 16 : i32
      %parallel_loop3A_73 = arith.muli %parallel_loop3A_28, %parallel_loop3A_72 : i32
      %parallel_loop3A_74 = arith.constant 2 : i32
      %parallel_loop3A_75 = arith.addi %parallel_loop3A_73, %parallel_loop3A_74 : i32
      %parallel_loop3A_76 = arith.constant 0 : i32
      %parallel_loop3A_77 = tpu.memref_slice %arg11[%parallel_loop3A_75, %parallel_loop3A_76] : memref<512x64xf32, #tpu.memory_space<vmem>> -> memref<1x64xf32, #tpu.memory_space<vmem>>
      %parallel_loop3A_78 = tpu.memref_squeeze %parallel_loop3A_77 : memref<1x64xf32, #tpu.memory_space<vmem>> -> memref<64xf32, #tpu.memory_space<vmem>>
      %parallel_loop3A_79 = arith.constant 0 : i32
      %parallel_loop3A_80 = tpu.memref_slice %arg5[%parallel_loop3A_71, %parallel_loop3A_79] : memref<1000000x64xf32, #tpu.memory_space<hbm>> -> memref<1x64xf32, #tpu.memory_space<hbm>>
      %parallel_loop3A_81 = tpu.memref_squeeze %parallel_loop3A_80 : memref<1x64xf32, #tpu.memory_space<hbm>> -> memref<64xf32, #tpu.memory_space<hbm>>
      %parallel_loop3A_82 = arith.constant 0 : i32
      %parallel_loop3A_83 = tpu.memref_slice %arg11[%parallel_loop3A_75, %parallel_loop3A_82] : memref<512x64xf32, #tpu.memory_space<vmem>> -> memref<1x64xf32, #tpu.memory_space<vmem>>
      %parallel_loop3A_84 = tpu.memref_squeeze %parallel_loop3A_83 : memref<1x64xf32, #tpu.memory_space<vmem>> -> memref<64xf32, #tpu.memory_space<vmem>>
      %parallel_loop3A_85 = arith.constant 0 : i32
      %parallel_loop3A_86 = tpu.memref_slice %arg5[%parallel_loop3A_71, %parallel_loop3A_85] : memref<1000000x64xf32, #tpu.memory_space<hbm>> -> memref<1x64xf32, #tpu.memory_space<hbm>>
      %parallel_loop3A_87 = tpu.memref_squeeze %parallel_loop3A_86 : memref<1x64xf32, #tpu.memory_space<hbm>> -> memref<64xf32, #tpu.memory_space<hbm>>
      tpu.enqueue_dma source(%parallel_loop3A_87 : memref<64xf32, #tpu.memory_space<hbm>>) target(%parallel_loop3A_84 : memref<64xf32, #tpu.memory_space<vmem>>) target_semaphore(%arg12 : memref<!tpu.dma_semaphore, #tpu.memory_space<semaphore_mem>>)
      %parallel_loop3A_88 = vector.extract_strided_slice %parallel_loop3A_33 {offsets = [3], sizes = [1], strides = [1]} : vector<16xi32> to vector<1xi32>
      %parallel_loop3A_89 = vector.extract %parallel_loop3A_88[0] : i32 from vector<1xi32>
      %parallel_loop3A_90 = arith.constant 16 : i32
      %parallel_loop3A_91 = arith.muli %parallel_loop3A_28, %parallel_loop3A_90 : i32
      %parallel_loop3A_92 = arith.constant 3 : i32
      %parallel_loop3A_93 = arith.addi %parallel_loop3A_91, %parallel_loop3A_92 : i32
      %parallel_loop3A_94 = arith.constant 0 : i32
      %parallel_loop3A_95 = tpu.memref_slice %arg11[%parallel_loop3A_93, %parallel_loop3A_94] : memref<512x64xf32, #tpu.memory_space<vmem>> -> memref<1x64xf32, #tpu.memory_space<vmem>>
      %parallel_loop3A_96 = tpu.memref_squeeze %parallel_loop3A_95 : memref<1x64xf32, #tpu.memory_space<vmem>> -> memref<64xf32, #tpu.memory_space<vmem>>
      %parallel_loop3A_97 = arith.constant 0 : i32
      %parallel_loop3A_98 = tpu.memref_slice %arg5[%parallel_loop3A_89, %parallel_loop3A_97] : memref<1000000x64xf32, #tpu.memory_space<hbm>> -> memref<1x64xf32, #tpu.memory_space<hbm>>
      %parallel_loop3A_99 = tpu.memref_squeeze %parallel_loop3A_98 : memref<1x64xf32, #tpu.memory_space<hbm>> -> memref<64xf32, #tpu.memory_space<hbm>>
      %parallel_loop3A_100 = arith.constant 0 : i32
      %parallel_loop3A_101 = tpu.memref_slice %arg11[%parallel_loop3A_93, %parallel_loop3A_100] : memref<512x64xf32, #tpu.memory_space<vmem>> -> memref<1x64xf32, #tpu.memory_space<vmem>>
      %parallel_loop3A_102 = tpu.memref_squeeze %parallel_loop3A_101 : memref<1x64xf32, #tpu.memory_space<vmem>> -> memref<64xf32, #tpu.memory_space<vmem>>
      %parallel_loop3A_103 = arith.constant 0 : i32
      %parallel_loop3A_104 = tpu.memref_slice %arg5[%parallel_loop3A_89, %parallel_loop3A_103] : memref<1000000x64xf32, #tpu.memory_space<hbm>> -> memref<1x64xf32, #tpu.memory_space<hbm>>
      %parallel_loop3A_105 = tpu.memref_squeeze %parallel_loop3A_104 : memref<1x64xf32, #tpu.memory_space<hbm>> -> memref<64xf32, #tpu.memory_space<hbm>>
      tpu.enqueue_dma source(%parallel_loop3A_105 : memref<64xf32, #tpu.memory_space<hbm>>) target(%parallel_loop3A_102 : memref<64xf32, #tpu.memory_space<vmem>>) target_semaphore(%arg12 : memref<!tpu.dma_semaphore, #tpu.memory_space<semaphore_mem>>)
      %parallel_loop3A_106 = vector.extract_strided_slice %parallel_loop3A_33 {offsets = [4], sizes = [1], strides = [1]} : vector<16xi32> to vector<1xi32>
      %parallel_loop3A_107 = vector.extract %parallel_loop3A_106[0] : i32 from vector<1xi32>
      %parallel_loop3A_108 = arith.constant 16 : i32
      %parallel_loop3A_109 = arith.muli %parallel_loop3A_28, %parallel_loop3A_108 : i32
      %parallel_loop3A_110 = arith.constant 4 : i32
      %parallel_loop3A_111 = arith.addi %parallel_loop3A_109, %parallel_loop3A_110 : i32
      %parallel_loop3A_112 = arith.constant 0 : i32
      %parallel_loop3A_113 = tpu.memref_slice %arg11[%parallel_loop3A_111, %parallel_loop3A_112] : memref<512x64xf32, #tpu.memory_space<vmem>> -> memref<1x64xf32, #tpu.memory_space<vmem>>
      %parallel_loop3A_114 = tpu.memref_squeeze %parallel_loop3A_113 : memref<1x64xf32, #tpu.memory_space<vmem>> -> memref<64xf32, #tpu.memory_space<vmem>>
      %parallel_loop3A_115 = arith.constant 0 : i32
      %parallel_loop3A_116 = tpu.memref_slice %arg5[%parallel_loop3A_107, %parallel_loop3A_115] : memref<1000000x64xf32, #tpu.memory_space<hbm>> -> memref<1x64xf32, #tpu.memory_space<hbm>>
      %parallel_loop3A_117 = tpu.memref_squeeze %parallel_loop3A_116 : memref<1x64xf32, #tpu.memory_space<hbm>> -> memref<64xf32, #tpu.memory_space<hbm>>
      %parallel_loop3A_118 = arith.constant 0 : i32
      %parallel_loop3A_119 = tpu.memref_slice %arg11[%parallel_loop3A_111, %parallel_loop3A_118] : memref<512x64xf32, #tpu.memory_space<vmem>> -> memref<1x64xf32, #tpu.memory_space<vmem>>
      %parallel_loop3A_120 = tpu.memref_squeeze %parallel_loop3A_119 : memref<1x64xf32, #tpu.memory_space<vmem>> -> memref<64xf32, #tpu.memory_space<vmem>>
      %parallel_loop3A_121 = arith.constant 0 : i32
      %parallel_loop3A_122 = tpu.memref_slice %arg5[%parallel_loop3A_107, %parallel_loop3A_121] : memref<1000000x64xf32, #tpu.memory_space<hbm>> -> memref<1x64xf32, #tpu.memory_space<hbm>>
      %parallel_loop3A_123 = tpu.memref_squeeze %parallel_loop3A_122 : memref<1x64xf32, #tpu.memory_space<hbm>> -> memref<64xf32, #tpu.memory_space<hbm>>
      tpu.enqueue_dma source(%parallel_loop3A_123 : memref<64xf32, #tpu.memory_space<hbm>>) target(%parallel_loop3A_120 : memref<64xf32, #tpu.memory_space<vmem>>) target_semaphore(%arg12 : memref<!tpu.dma_semaphore, #tpu.memory_space<semaphore_mem>>)
      %parallel_loop3A_124 = vector.extract_strided_slice %parallel_loop3A_33 {offsets = [5], sizes = [1], strides = [1]} : vector<16xi32> to vector<1xi32>
      %parallel_loop3A_125 = vector.extract %parallel_loop3A_124[0] : i32 from vector<1xi32>
      %parallel_loop3A_126 = arith.constant 16 : i32
      %parallel_loop3A_127 = arith.muli %parallel_loop3A_28, %parallel_loop3A_126 : i32
      %parallel_loop3A_128 = arith.constant 5 : i32
      %parallel_loop3A_129 = arith.addi %parallel_loop3A_127, %parallel_loop3A_128 : i32
      %parallel_loop3A_130 = arith.constant 0 : i32
      %parallel_loop3A_131 = tpu.memref_slice %arg11[%parallel_loop3A_129, %parallel_loop3A_130] : memref<512x64xf32, #tpu.memory_space<vmem>> -> memref<1x64xf32, #tpu.memory_space<vmem>>
      %parallel_loop3A_132 = tpu.memref_squeeze %parallel_loop3A_131 : memref<1x64xf32, #tpu.memory_space<vmem>> -> memref<64xf32, #tpu.memory_space<vmem>>
      %parallel_loop3A_133 = arith.constant 0 : i32
      %parallel_loop3A_134 = tpu.memref_slice %arg5[%parallel_loop3A_125, %parallel_loop3A_133] : memref<1000000x64xf32, #tpu.memory_space<hbm>> -> memref<1x64xf32, #tpu.memory_space<hbm>>
      %parallel_loop3A_135 = tpu.memref_squeeze %parallel_loop3A_134 : memref<1x64xf32, #tpu.memory_space<hbm>> -> memref<64xf32, #tpu.memory_space<hbm>>
      %parallel_loop3A_136 = arith.constant 0 : i32
      %parallel_loop3A_137 = tpu.memref_slice %arg11[%parallel_loop3A_129, %parallel_loop3A_136] : memref<512x64xf32, #tpu.memory_space<vmem>> -> memref<1x64xf32, #tpu.memory_space<vmem>>
      %parallel_loop3A_138 = tpu.memref_squeeze %parallel_loop3A_137 : memref<1x64xf32, #tpu.memory_space<vmem>> -> memref<64xf32, #tpu.memory_space<vmem>>
      %parallel_loop3A_139 = arith.constant 0 : i32
      %parallel_loop3A_140 = tpu.memref_slice %arg5[%parallel_loop3A_125, %parallel_loop3A_139] : memref<1000000x64xf32, #tpu.memory_space<hbm>> -> memref<1x64xf32, #tpu.memory_space<hbm>>
      %parallel_loop3A_141 = tpu.memref_squeeze %parallel_loop3A_140 : memref<1x64xf32, #tpu.memory_space<hbm>> -> memref<64xf32, #tpu.memory_space<hbm>>
      tpu.enqueue_dma source(%parallel_loop3A_141 : memref<64xf32, #tpu.memory_space<hbm>>) target(%parallel_loop3A_138 : memref<64xf32, #tpu.memory_space<vmem>>) target_semaphore(%arg12 : memref<!tpu.dma_semaphore, #tpu.memory_space<semaphore_mem>>)
      %parallel_loop3A_142 = vector.extract_strided_slice %parallel_loop3A_33 {offsets = [6], sizes = [1], strides = [1]} : vector<16xi32> to vector<1xi32>
      %parallel_loop3A_143 = vector.extract %parallel_loop3A_142[0] : i32 from vector<1xi32>
      %parallel_loop3A_144 = arith.constant 16 : i32
      %parallel_loop3A_145 = arith.muli %parallel_loop3A_28, %parallel_loop3A_144 : i32
      %parallel_loop3A_146 = arith.constant 6 : i32
      %parallel_loop3A_147 = arith.addi %parallel_loop3A_145, %parallel_loop3A_146 : i32
      %parallel_loop3A_148 = arith.constant 0 : i32
      %parallel_loop3A_149 = tpu.memref_slice %arg11[%parallel_loop3A_147, %parallel_loop3A_148] : memref<512x64xf32, #tpu.memory_space<vmem>> -> memref<1x64xf32, #tpu.memory_space<vmem>>
      %parallel_loop3A_150 = tpu.memref_squeeze %parallel_loop3A_149 : memref<1x64xf32, #tpu.memory_space<vmem>> -> memref<64xf32, #tpu.memory_space<vmem>>
      %parallel_loop3A_151 = arith.constant 0 : i32
      %parallel_loop3A_152 = tpu.memref_slice %arg5[%parallel_loop3A_143, %parallel_loop3A_151] : memref<1000000x64xf32, #tpu.memory_space<hbm>> -> memref<1x64xf32, #tpu.memory_space<hbm>>
      %parallel_loop3A_153 = tpu.memref_squeeze %parallel_loop3A_152 : memref<1x64xf32, #tpu.memory_space<hbm>> -> memref<64xf32, #tpu.memory_space<hbm>>
      %parallel_loop3A_154 = arith.constant 0 : i32
      %parallel_loop3A_155 = tpu.memref_slice %arg11[%parallel_loop3A_147, %parallel_loop3A_154] : memref<512x64xf32, #tpu.memory_space<vmem>> -> memref<1x64xf32, #tpu.memory_space<vmem>>
      %parallel_loop3A_156 = tpu.memref_squeeze %parallel_loop3A_155 : memref<1x64xf32, #tpu.memory_space<vmem>> -> memref<64xf32, #tpu.memory_space<vmem>>
      %parallel_loop3A_157 = arith.constant 0 : i32
      %parallel_loop3A_158 = tpu.memref_slice %arg5[%parallel_loop3A_143, %parallel_loop3A_157] : memref<1000000x64xf32, #tpu.memory_space<hbm>> -> memref<1x64xf32, #tpu.memory_space<hbm>>
      %parallel_loop3A_159 = tpu.memref_squeeze %parallel_loop3A_158 : memref<1x64xf32, #tpu.memory_space<hbm>> -> memref<64xf32, #tpu.memory_space<hbm>>
      tpu.enqueue_dma source(%parallel_loop3A_159 : memref<64xf32, #tpu.memory_space<hbm>>) target(%parallel_loop3A_156 : memref<64xf32, #tpu.memory_space<vmem>>) target_semaphore(%arg12 : memref<!tpu.dma_semaphore, #tpu.memory_space<semaphore_mem>>)
      %parallel_loop3A_160 = vector.extract_strided_slice %parallel_loop3A_33 {offsets = [7], sizes = [1], strides = [1]} : vector<16xi32> to vector<1xi32>
      %parallel_loop3A_161 = vector.extract %parallel_loop3A_160[0] : i32 from vector<1xi32>
      %parallel_loop3A_162 = arith.constant 16 : i32
      %parallel_loop3A_163 = arith.muli %parallel_loop3A_28, %parallel_loop3A_162 : i32
      %parallel_loop3A_164 = arith.constant 7 : i32
      %parallel_loop3A_165 = arith.addi %parallel_loop3A_163, %parallel_loop3A_164 : i32
      %parallel_loop3A_166 = arith.constant 0 : i32
      %parallel_loop3A_167 = tpu.memref_slice %arg11[%parallel_loop3A_165, %parallel_loop3A_166] : memref<512x64xf32, #tpu.memory_space<vmem>> -> memref<1x64xf32, #tpu.memory_space<vmem>>
      %parallel_loop3A_168 = tpu.memref_squeeze %parallel_loop3A_167 : memref<1x64xf32, #tpu.memory_space<vmem>> -> memref<64xf32, #tpu.memory_space<vmem>>
      %parallel_loop3A_169 = arith.constant 0 : i32
      %parallel_loop3A_170 = tpu.memref_slice %arg5[%parallel_loop3A_161, %parallel_loop3A_169] : memref<1000000x64xf32, #tpu.memory_space<hbm>> -> memref<1x64xf32, #tpu.memory_space<hbm>>
      %parallel_loop3A_171 = tpu.memref_squeeze %parallel_loop3A_170 : memref<1x64xf32, #tpu.memory_space<hbm>> -> memref<64xf32, #tpu.memory_space<hbm>>
      %parallel_loop3A_172 = arith.constant 0 : i32
      %parallel_loop3A_173 = tpu.memref_slice %arg11[%parallel_loop3A_165, %parallel_loop3A_172] : memref<512x64xf32, #tpu.memory_space<vmem>> -> memref<1x64xf32, #tpu.memory_space<vmem>>
      %parallel_loop3A_174 = tpu.memref_squeeze %parallel_loop3A_173 : memref<1x64xf32, #tpu.memory_space<vmem>> -> memref<64xf32, #tpu.memory_space<vmem>>
      %parallel_loop3A_175 = arith.constant 0 : i32
      %parallel_loop3A_176 = tpu.memref_slice %arg5[%parallel_loop3A_161, %parallel_loop3A_175] : memref<1000000x64xf32, #tpu.memory_space<hbm>> -> memref<1x64xf32, #tpu.memory_space<hbm>>
      %parallel_loop3A_177 = tpu.memref_squeeze %parallel_loop3A_176 : memref<1x64xf32, #tpu.memory_space<hbm>> -> memref<64xf32, #tpu.memory_space<hbm>>
      tpu.enqueue_dma source(%parallel_loop3A_177 : memref<64xf32, #tpu.memory_space<hbm>>) target(%parallel_loop3A_174 : memref<64xf32, #tpu.memory_space<vmem>>) target_semaphore(%arg12 : memref<!tpu.dma_semaphore, #tpu.memory_space<semaphore_mem>>)
      %parallel_loop3A_178 = vector.extract_strided_slice %parallel_loop3A_33 {offsets = [8], sizes = [1], strides = [1]} : vector<16xi32> to vector<1xi32>
      %parallel_loop3A_179 = vector.extract %parallel_loop3A_178[0] : i32 from vector<1xi32>
      %parallel_loop3A_180 = arith.constant 16 : i32
      %parallel_loop3A_181 = arith.muli %parallel_loop3A_28, %parallel_loop3A_180 : i32
      %parallel_loop3A_182 = arith.constant 8 : i32
      %parallel_loop3A_183 = arith.addi %parallel_loop3A_181, %parallel_loop3A_182 : i32
      %parallel_loop3A_184 = arith.constant 0 : i32
      %parallel_loop3A_185 = tpu.memref_slice %arg11[%parallel_loop3A_183, %parallel_loop3A_184] : memref<512x64xf32, #tpu.memory_space<vmem>> -> memref<1x64xf32, #tpu.memory_space<vmem>>
      %parallel_loop3A_186 = tpu.memref_squeeze %parallel_loop3A_185 : memref<1x64xf32, #tpu.memory_space<vmem>> -> memref<64xf32, #tpu.memory_space<vmem>>
      %parallel_loop3A_187 = arith.constant 0 : i32
      %parallel_loop3A_188 = tpu.memref_slice %arg5[%parallel_loop3A_179, %parallel_loop3A_187] : memref<1000000x64xf32, #tpu.memory_space<hbm>> -> memref<1x64xf32, #tpu.memory_space<hbm>>
      %parallel_loop3A_189 = tpu.memref_squeeze %parallel_loop3A_188 : memref<1x64xf32, #tpu.memory_space<hbm>> -> memref<64xf32, #tpu.memory_space<hbm>>
      %parallel_loop3A_190 = arith.constant 0 : i32
      %parallel_loop3A_191 = tpu.memref_slice %arg11[%parallel_loop3A_183, %parallel_loop3A_190] : memref<512x64xf32, #tpu.memory_space<vmem>> -> memref<1x64xf32, #tpu.memory_space<vmem>>
      %parallel_loop3A_192 = tpu.memref_squeeze %parallel_loop3A_191 : memref<1x64xf32, #tpu.memory_space<vmem>> -> memref<64xf32, #tpu.memory_space<vmem>>
      %parallel_loop3A_193 = arith.constant 0 : i32
      %parallel_loop3A_194 = tpu.memref_slice %arg5[%parallel_loop3A_179, %parallel_loop3A_193] : memref<1000000x64xf32, #tpu.memory_space<hbm>> -> memref<1x64xf32, #tpu.memory_space<hbm>>
      %parallel_loop3A_195 = tpu.memref_squeeze %parallel_loop3A_194 : memref<1x64xf32, #tpu.memory_space<hbm>> -> memref<64xf32, #tpu.memory_space<hbm>>
      tpu.enqueue_dma source(%parallel_loop3A_195 : memref<64xf32, #tpu.memory_space<hbm>>) target(%parallel_loop3A_192 : memref<64xf32, #tpu.memory_space<vmem>>) target_semaphore(%arg12 : memref<!tpu.dma_semaphore, #tpu.memory_space<semaphore_mem>>)
      %parallel_loop3A_196 = vector.extract_strided_slice %parallel_loop3A_33 {offsets = [9], sizes = [1], strides = [1]} : vector<16xi32> to vector<1xi32>
      %parallel_loop3A_197 = vector.extract %parallel_loop3A_196[0] : i32 from vector<1xi32>
      %parallel_loop3A_198 = arith.constant 16 : i32
      %parallel_loop3A_199 = arith.muli %parallel_loop3A_28, %parallel_loop3A_198 : i32
      %parallel_loop3A_200 = arith.constant 9 : i32
      %parallel_loop3A_201 = arith.addi %parallel_loop3A_199, %parallel_loop3A_200 : i32
      %parallel_loop3A_202 = arith.constant 0 : i32
      %parallel_loop3A_203 = tpu.memref_slice %arg11[%parallel_loop3A_201, %parallel_loop3A_202] : memref<512x64xf32, #tpu.memory_space<vmem>> -> memref<1x64xf32, #tpu.memory_space<vmem>>
      %parallel_loop3A_204 = tpu.memref_squeeze %parallel_loop3A_203 : memref<1x64xf32, #tpu.memory_space<vmem>> -> memref<64xf32, #tpu.memory_space<vmem>>
      %parallel_loop3A_205 = arith.constant 0 : i32
      %parallel_loop3A_206 = tpu.memref_slice %arg5[%parallel_loop3A_197, %parallel_loop3A_205] : memref<1000000x64xf32, #tpu.memory_space<hbm>> -> memref<1x64xf32, #tpu.memory_space<hbm>>
      %parallel_loop3A_207 = tpu.memref_squeeze %parallel_loop3A_206 : memref<1x64xf32, #tpu.memory_space<hbm>> -> memref<64xf32, #tpu.memory_space<hbm>>
      %parallel_loop3A_208 = arith.constant 0 : i32
      %parallel_loop3A_209 = tpu.memref_slice %arg11[%parallel_loop3A_201, %parallel_loop3A_208] : memref<512x64xf32, #tpu.memory_space<vmem>> -> memref<1x64xf32, #tpu.memory_space<vmem>>
      %parallel_loop3A_210 = tpu.memref_squeeze %parallel_loop3A_209 : memref<1x64xf32, #tpu.memory_space<vmem>> -> memref<64xf32, #tpu.memory_space<vmem>>
      %parallel_loop3A_211 = arith.constant 0 : i32
      %parallel_loop3A_212 = tpu.memref_slice %arg5[%parallel_loop3A_197, %parallel_loop3A_211] : memref<1000000x64xf32, #tpu.memory_space<hbm>> -> memref<1x64xf32, #tpu.memory_space<hbm>>
      %parallel_loop3A_213 = tpu.memref_squeeze %parallel_loop3A_212 : memref<1x64xf32, #tpu.memory_space<hbm>> -> memref<64xf32, #tpu.memory_space<hbm>>
      tpu.enqueue_dma source(%parallel_loop3A_213 : memref<64xf32, #tpu.memory_space<hbm>>) target(%parallel_loop3A_210 : memref<64xf32, #tpu.memory_space<vmem>>) target_semaphore(%arg12 : memref<!tpu.dma_semaphore, #tpu.memory_space<semaphore_mem>>)
      %parallel_loop3A_214 = vector.extract_strided_slice %parallel_loop3A_33 {offsets = [10], sizes = [1], strides = [1]} : vector<16xi32> to vector<1xi32>
      %parallel_loop3A_215 = vector.extract %parallel_loop3A_214[0] : i32 from vector<1xi32>
      %parallel_loop3A_216 = arith.constant 16 : i32
      %parallel_loop3A_217 = arith.muli %parallel_loop3A_28, %parallel_loop3A_216 : i32
      %parallel_loop3A_218 = arith.constant 10 : i32
      %parallel_loop3A_219 = arith.addi %parallel_loop3A_217, %parallel_loop3A_218 : i32
      %parallel_loop3A_220 = arith.constant 0 : i32
      %parallel_loop3A_221 = tpu.memref_slice %arg11[%parallel_loop3A_219, %parallel_loop3A_220] : memref<512x64xf32, #tpu.memory_space<vmem>> -> memref<1x64xf32, #tpu.memory_space<vmem>>
      %parallel_loop3A_222 = tpu.memref_squeeze %parallel_loop3A_221 : memref<1x64xf32, #tpu.memory_space<vmem>> -> memref<64xf32, #tpu.memory_space<vmem>>
      %parallel_loop3A_223 = arith.constant 0 : i32
      %parallel_loop3A_224 = tpu.memref_slice %arg5[%parallel_loop3A_215, %parallel_loop3A_223] : memref<1000000x64xf32, #tpu.memory_space<hbm>> -> memref<1x64xf32, #tpu.memory_space<hbm>>
      %parallel_loop3A_225 = tpu.memref_squeeze %parallel_loop3A_224 : memref<1x64xf32, #tpu.memory_space<hbm>> -> memref<64xf32, #tpu.memory_space<hbm>>
      %parallel_loop3A_226 = arith.constant 0 : i32
      %parallel_loop3A_227 = tpu.memref_slice %arg11[%parallel_loop3A_219, %parallel_loop3A_226] : memref<512x64xf32, #tpu.memory_space<vmem>> -> memref<1x64xf32, #tpu.memory_space<vmem>>
      %parallel_loop3A_228 = tpu.memref_squeeze %parallel_loop3A_227 : memref<1x64xf32, #tpu.memory_space<vmem>> -> memref<64xf32, #tpu.memory_space<vmem>>
      %parallel_loop3A_229 = arith.constant 0 : i32
      %parallel_loop3A_230 = tpu.memref_slice %arg5[%parallel_loop3A_215, %parallel_loop3A_229] : memref<1000000x64xf32, #tpu.memory_space<hbm>> -> memref<1x64xf32, #tpu.memory_space<hbm>>
      %parallel_loop3A_231 = tpu.memref_squeeze %parallel_loop3A_230 : memref<1x64xf32, #tpu.memory_space<hbm>> -> memref<64xf32, #tpu.memory_space<hbm>>
      tpu.enqueue_dma source(%parallel_loop3A_231 : memref<64xf32, #tpu.memory_space<hbm>>) target(%parallel_loop3A_228 : memref<64xf32, #tpu.memory_space<vmem>>) target_semaphore(%arg12 : memref<!tpu.dma_semaphore, #tpu.memory_space<semaphore_mem>>)
      %parallel_loop3A_232 = vector.extract_strided_slice %parallel_loop3A_33 {offsets = [11], sizes = [1], strides = [1]} : vector<16xi32> to vector<1xi32>
      %parallel_loop3A_233 = vector.extract %parallel_loop3A_232[0] : i32 from vector<1xi32>
      %parallel_loop3A_234 = arith.constant 16 : i32
      %parallel_loop3A_235 = arith.muli %parallel_loop3A_28, %parallel_loop3A_234 : i32
      %parallel_loop3A_236 = arith.constant 11 : i32
      %parallel_loop3A_237 = arith.addi %parallel_loop3A_235, %parallel_loop3A_236 : i32
      %parallel_loop3A_238 = arith.constant 0 : i32
      %parallel_loop3A_239 = tpu.memref_slice %arg11[%parallel_loop3A_237, %parallel_loop3A_238] : memref<512x64xf32, #tpu.memory_space<vmem>> -> memref<1x64xf32, #tpu.memory_space<vmem>>
      %parallel_loop3A_240 = tpu.memref_squeeze %parallel_loop3A_239 : memref<1x64xf32, #tpu.memory_space<vmem>> -> memref<64xf32, #tpu.memory_space<vmem>>
      %parallel_loop3A_241 = arith.constant 0 : i32
      %parallel_loop3A_242 = tpu.memref_slice %arg5[%parallel_loop3A_233, %parallel_loop3A_241] : memref<1000000x64xf32, #tpu.memory_space<hbm>> -> memref<1x64xf32, #tpu.memory_space<hbm>>
      %parallel_loop3A_243 = tpu.memref_squeeze %parallel_loop3A_242 : memref<1x64xf32, #tpu.memory_space<hbm>> -> memref<64xf32, #tpu.memory_space<hbm>>
      %parallel_loop3A_244 = arith.constant 0 : i32
      %parallel_loop3A_245 = tpu.memref_slice %arg11[%parallel_loop3A_237, %parallel_loop3A_244] : memref<512x64xf32, #tpu.memory_space<vmem>> -> memref<1x64xf32, #tpu.memory_space<vmem>>
      %parallel_loop3A_246 = tpu.memref_squeeze %parallel_loop3A_245 : memref<1x64xf32, #tpu.memory_space<vmem>> -> memref<64xf32, #tpu.memory_space<vmem>>
      %parallel_loop3A_247 = arith.constant 0 : i32
      %parallel_loop3A_248 = tpu.memref_slice %arg5[%parallel_loop3A_233, %parallel_loop3A_247] : memref<1000000x64xf32, #tpu.memory_space<hbm>> -> memref<1x64xf32, #tpu.memory_space<hbm>>
      %parallel_loop3A_249 = tpu.memref_squeeze %parallel_loop3A_248 : memref<1x64xf32, #tpu.memory_space<hbm>> -> memref<64xf32, #tpu.memory_space<hbm>>
      tpu.enqueue_dma source(%parallel_loop3A_249 : memref<64xf32, #tpu.memory_space<hbm>>) target(%parallel_loop3A_246 : memref<64xf32, #tpu.memory_space<vmem>>) target_semaphore(%arg12 : memref<!tpu.dma_semaphore, #tpu.memory_space<semaphore_mem>>)
      %parallel_loop3A_250 = vector.extract_strided_slice %parallel_loop3A_33 {offsets = [12], sizes = [1], strides = [1]} : vector<16xi32> to vector<1xi32>
      %parallel_loop3A_251 = vector.extract %parallel_loop3A_250[0] : i32 from vector<1xi32>
      %parallel_loop3A_252 = arith.constant 16 : i32
      %parallel_loop3A_253 = arith.muli %parallel_loop3A_28, %parallel_loop3A_252 : i32
      %parallel_loop3A_254 = arith.constant 12 : i32
      %parallel_loop3A_255 = arith.addi %parallel_loop3A_253, %parallel_loop3A_254 : i32
      %parallel_loop3A_256 = arith.constant 0 : i32
      %parallel_loop3A_257 = tpu.memref_slice %arg11[%parallel_loop3A_255, %parallel_loop3A_256] : memref<512x64xf32, #tpu.memory_space<vmem>> -> memref<1x64xf32, #tpu.memory_space<vmem>>
      %parallel_loop3A_258 = tpu.memref_squeeze %parallel_loop3A_257 : memref<1x64xf32, #tpu.memory_space<vmem>> -> memref<64xf32, #tpu.memory_space<vmem>>
      %parallel_loop3A_259 = arith.constant 0 : i32
      %parallel_loop3A_260 = tpu.memref_slice %arg5[%parallel_loop3A_251, %parallel_loop3A_259] : memref<1000000x64xf32, #tpu.memory_space<hbm>> -> memref<1x64xf32, #tpu.memory_space<hbm>>
      %parallel_loop3A_261 = tpu.memref_squeeze %parallel_loop3A_260 : memref<1x64xf32, #tpu.memory_space<hbm>> -> memref<64xf32, #tpu.memory_space<hbm>>
      %parallel_loop3A_262 = arith.constant 0 : i32
      %parallel_loop3A_263 = tpu.memref_slice %arg11[%parallel_loop3A_255, %parallel_loop3A_262] : memref<512x64xf32, #tpu.memory_space<vmem>> -> memref<1x64xf32, #tpu.memory_space<vmem>>
      %parallel_loop3A_264 = tpu.memref_squeeze %parallel_loop3A_263 : memref<1x64xf32, #tpu.memory_space<vmem>> -> memref<64xf32, #tpu.memory_space<vmem>>
      %parallel_loop3A_265 = arith.constant 0 : i32
      %parallel_loop3A_266 = tpu.memref_slice %arg5[%parallel_loop3A_251, %parallel_loop3A_265] : memref<1000000x64xf32, #tpu.memory_space<hbm>> -> memref<1x64xf32, #tpu.memory_space<hbm>>
      %parallel_loop3A_267 = tpu.memref_squeeze %parallel_loop3A_266 : memref<1x64xf32, #tpu.memory_space<hbm>> -> memref<64xf32, #tpu.memory_space<hbm>>
      tpu.enqueue_dma source(%parallel_loop3A_267 : memref<64xf32, #tpu.memory_space<hbm>>) target(%parallel_loop3A_264 : memref<64xf32, #tpu.memory_space<vmem>>) target_semaphore(%arg12 : memref<!tpu.dma_semaphore, #tpu.memory_space<semaphore_mem>>)
      %parallel_loop3A_268 = vector.extract_strided_slice %parallel_loop3A_33 {offsets = [13], sizes = [1], strides = [1]} : vector<16xi32> to vector<1xi32>
      %parallel_loop3A_269 = vector.extract %parallel_loop3A_268[0] : i32 from vector<1xi32>
      %parallel_loop3A_270 = arith.constant 16 : i32
      %parallel_loop3A_271 = arith.muli %parallel_loop3A_28, %parallel_loop3A_270 : i32
      %parallel_loop3A_272 = arith.constant 13 : i32
      %parallel_loop3A_273 = arith.addi %parallel_loop3A_271, %parallel_loop3A_272 : i32
      %parallel_loop3A_274 = arith.constant 0 : i32
      %parallel_loop3A_275 = tpu.memref_slice %arg11[%parallel_loop3A_273, %parallel_loop3A_274] : memref<512x64xf32, #tpu.memory_space<vmem>> -> memref<1x64xf32, #tpu.memory_space<vmem>>
      %parallel_loop3A_276 = tpu.memref_squeeze %parallel_loop3A_275 : memref<1x64xf32, #tpu.memory_space<vmem>> -> memref<64xf32, #tpu.memory_space<vmem>>
      %parallel_loop3A_277 = arith.constant 0 : i32
      %parallel_loop3A_278 = tpu.memref_slice %arg5[%parallel_loop3A_269, %parallel_loop3A_277] : memref<1000000x64xf32, #tpu.memory_space<hbm>> -> memref<1x64xf32, #tpu.memory_space<hbm>>
      %parallel_loop3A_279 = tpu.memref_squeeze %parallel_loop3A_278 : memref<1x64xf32, #tpu.memory_space<hbm>> -> memref<64xf32, #tpu.memory_space<hbm>>
      %parallel_loop3A_280 = arith.constant 0 : i32
      %parallel_loop3A_281 = tpu.memref_slice %arg11[%parallel_loop3A_273, %parallel_loop3A_280] : memref<512x64xf32, #tpu.memory_space<vmem>> -> memref<1x64xf32, #tpu.memory_space<vmem>>
      %parallel_loop3A_282 = tpu.memref_squeeze %parallel_loop3A_281 : memref<1x64xf32, #tpu.memory_space<vmem>> -> memref<64xf32, #tpu.memory_space<vmem>>
      %parallel_loop3A_283 = arith.constant 0 : i32
      %parallel_loop3A_284 = tpu.memref_slice %arg5[%parallel_loop3A_269, %parallel_loop3A_283] : memref<1000000x64xf32, #tpu.memory_space<hbm>> -> memref<1x64xf32, #tpu.memory_space<hbm>>
      %parallel_loop3A_285 = tpu.memref_squeeze %parallel_loop3A_284 : memref<1x64xf32, #tpu.memory_space<hbm>> -> memref<64xf32, #tpu.memory_space<hbm>>
      tpu.enqueue_dma source(%parallel_loop3A_285 : memref<64xf32, #tpu.memory_space<hbm>>) target(%parallel_loop3A_282 : memref<64xf32, #tpu.memory_space<vmem>>) target_semaphore(%arg12 : memref<!tpu.dma_semaphore, #tpu.memory_space<semaphore_mem>>)
      %parallel_loop3A_286 = vector.extract_strided_slice %parallel_loop3A_33 {offsets = [14], sizes = [1], strides = [1]} : vector<16xi32> to vector<1xi32>
      %parallel_loop3A_287 = vector.extract %parallel_loop3A_286[0] : i32 from vector<1xi32>
      %parallel_loop3A_288 = arith.constant 16 : i32
      %parallel_loop3A_289 = arith.muli %parallel_loop3A_28, %parallel_loop3A_288 : i32
      %parallel_loop3A_290 = arith.constant 14 : i32
      %parallel_loop3A_291 = arith.addi %parallel_loop3A_289, %parallel_loop3A_290 : i32
      %parallel_loop3A_292 = arith.constant 0 : i32
      %parallel_loop3A_293 = tpu.memref_slice %arg11[%parallel_loop3A_291, %parallel_loop3A_292] : memref<512x64xf32, #tpu.memory_space<vmem>> -> memref<1x64xf32, #tpu.memory_space<vmem>>
      %parallel_loop3A_294 = tpu.memref_squeeze %parallel_loop3A_293 : memref<1x64xf32, #tpu.memory_space<vmem>> -> memref<64xf32, #tpu.memory_space<vmem>>
      %parallel_loop3A_295 = arith.constant 0 : i32
      %parallel_loop3A_296 = tpu.memref_slice %arg5[%parallel_loop3A_287, %parallel_loop3A_295] : memref<1000000x64xf32, #tpu.memory_space<hbm>> -> memref<1x64xf32, #tpu.memory_space<hbm>>
      %parallel_loop3A_297 = tpu.memref_squeeze %parallel_loop3A_296 : memref<1x64xf32, #tpu.memory_space<hbm>> -> memref<64xf32, #tpu.memory_space<hbm>>
      %parallel_loop3A_298 = arith.constant 0 : i32
      %parallel_loop3A_299 = tpu.memref_slice %arg11[%parallel_loop3A_291, %parallel_loop3A_298] : memref<512x64xf32, #tpu.memory_space<vmem>> -> memref<1x64xf32, #tpu.memory_space<vmem>>
      %parallel_loop3A_300 = tpu.memref_squeeze %parallel_loop3A_299 : memref<1x64xf32, #tpu.memory_space<vmem>> -> memref<64xf32, #tpu.memory_space<vmem>>
      %parallel_loop3A_301 = arith.constant 0 : i32
      %parallel_loop3A_302 = tpu.memref_slice %arg5[%parallel_loop3A_287, %parallel_loop3A_301] : memref<1000000x64xf32, #tpu.memory_space<hbm>> -> memref<1x64xf32, #tpu.memory_space<hbm>>
      %parallel_loop3A_303 = tpu.memref_squeeze %parallel_loop3A_302 : memref<1x64xf32, #tpu.memory_space<hbm>> -> memref<64xf32, #tpu.memory_space<hbm>>
      tpu.enqueue_dma source(%parallel_loop3A_303 : memref<64xf32, #tpu.memory_space<hbm>>) target(%parallel_loop3A_300 : memref<64xf32, #tpu.memory_space<vmem>>) target_semaphore(%arg12 : memref<!tpu.dma_semaphore, #tpu.memory_space<semaphore_mem>>)
      %parallel_loop3A_304 = vector.extract_strided_slice %parallel_loop3A_33 {offsets = [15], sizes = [1], strides = [1]} : vector<16xi32> to vector<1xi32>
      %parallel_loop3A_305 = vector.extract %parallel_loop3A_304[0] : i32 from vector<1xi32>
      %parallel_loop3A_306 = arith.constant 16 : i32
      %parallel_loop3A_307 = arith.muli %parallel_loop3A_28, %parallel_loop3A_306 : i32
      %parallel_loop3A_308 = arith.constant 15 : i32
      %parallel_loop3A_309 = arith.addi %parallel_loop3A_307, %parallel_loop3A_308 : i32
      %parallel_loop3A_310 = arith.constant 0 : i32
      %parallel_loop3A_311 = tpu.memref_slice %arg11[%parallel_loop3A_309, %parallel_loop3A_310] : memref<512x64xf32, #tpu.memory_space<vmem>> -> memref<1x64xf32, #tpu.memory_space<vmem>>
      %parallel_loop3A_312 = tpu.memref_squeeze %parallel_loop3A_311 : memref<1x64xf32, #tpu.memory_space<vmem>> -> memref<64xf32, #tpu.memory_space<vmem>>
      %parallel_loop3A_313 = arith.constant 0 : i32
      %parallel_loop3A_314 = tpu.memref_slice %arg5[%parallel_loop3A_305, %parallel_loop3A_313] : memref<1000000x64xf32, #tpu.memory_space<hbm>> -> memref<1x64xf32, #tpu.memory_space<hbm>>
      %parallel_loop3A_315 = tpu.memref_squeeze %parallel_loop3A_314 : memref<1x64xf32, #tpu.memory_space<hbm>> -> memref<64xf32, #tpu.memory_space<hbm>>
      %parallel_loop3A_316 = arith.constant 0 : i32
      %parallel_loop3A_317 = tpu.memref_slice %arg11[%parallel_loop3A_309, %parallel_loop3A_316] : memref<512x64xf32, #tpu.memory_space<vmem>> -> memref<1x64xf32, #tpu.memory_space<vmem>>
      %parallel_loop3A_318 = tpu.memref_squeeze %parallel_loop3A_317 : memref<1x64xf32, #tpu.memory_space<vmem>> -> memref<64xf32, #tpu.memory_space<vmem>>
      %parallel_loop3A_319 = arith.constant 0 : i32
      %parallel_loop3A_320 = tpu.memref_slice %arg5[%parallel_loop3A_305, %parallel_loop3A_319] : memref<1000000x64xf32, #tpu.memory_space<hbm>> -> memref<1x64xf32, #tpu.memory_space<hbm>>
      %parallel_loop3A_321 = tpu.memref_squeeze %parallel_loop3A_320 : memref<1x64xf32, #tpu.memory_space<hbm>> -> memref<64xf32, #tpu.memory_space<hbm>>
      tpu.enqueue_dma source(%parallel_loop3A_321 : memref<64xf32, #tpu.memory_space<hbm>>) target(%parallel_loop3A_318 : memref<64xf32, #tpu.memory_space<vmem>>) target_semaphore(%arg12 : memref<!tpu.dma_semaphore, #tpu.memory_space<semaphore_mem>>)
    } {sc.loop_unroll_factor = 2 : i64, sc.parallel_access}
    %dma_wait3A = arith.constant 0 : i32
    %dma_wait3A_5 = arith.constant 0 : i32
    %dma_wait3A_6 = tpu.memref_slice %arg5[%dma_wait3A, %dma_wait3A_5] : memref<1000000x64xf32, #tpu.memory_space<hbm>> -> memref<512x64xf32, #tpu.memory_space<hbm>>
    %dma_wait3A_7 = arith.constant 0 : i32
    %dma_wait3A_8 = arith.constant 0 : i32
    %dma_wait3A_9 = tpu.memref_slice %arg5[%dma_wait3A_7, %dma_wait3A_8] : memref<1000000x64xf32, #tpu.memory_space<hbm>> -> memref<512x64xf32, #tpu.memory_space<hbm>>
    tpu.wait_dma2 semaphore(%arg12 : memref<!tpu.dma_semaphore, #tpu.memory_space<semaphore_mem>>) src(%dma_wait3A_9 : memref<512x64xf32, #tpu.memory_space<hbm>>) dst(%arg11 : memref<512x64xf32, #tpu.memory_space<vmem>>)
    "tpu.region"() ({
      %run_scoped3A = tpu.sem_alloc : memref<!tpu.dma_semaphore, #tpu.memory_space<semaphore_mem>>
      %dma_start3A = arith.constant 0 : i32
      %dma_start3A_28 = tpu.memref_slice %arg7[%mul3A_2, %dma_start3A] : memref<16384x64xf32, #tpu.memory_space<hbm>> -> memref<512x64xf32, #tpu.memory_space<hbm>>
      %dma_start3A_29 = arith.constant 0 : i32
      %dma_start3A_30 = tpu.memref_slice %arg7[%mul3A_2, %dma_start3A_29] : memref<16384x64xf32, #tpu.memory_space<hbm>> -> memref<512x64xf32, #tpu.memory_space<hbm>>
      tpu.enqueue_dma source(%arg11 : memref<512x64xf32, #tpu.memory_space<vmem>>) target(%dma_start3A_30 : memref<512x64xf32, #tpu.memory_space<hbm>>) target_semaphore(%run_scoped3A : memref<!tpu.dma_semaphore, #tpu.memory_space<semaphore_mem>>)
      %dma_wait3A_31 = arith.constant 0 : i32
      %dma_wait3A_32 = tpu.memref_slice %arg7[%mul3A_2, %dma_wait3A_31] : memref<16384x64xf32, #tpu.memory_space<hbm>> -> memref<512x64xf32, #tpu.memory_space<hbm>>
      %dma_wait3A_33 = arith.constant 0 : i32
      %dma_wait3A_34 = tpu.memref_slice %arg7[%mul3A_2, %dma_wait3A_33] : memref<16384x64xf32, #tpu.memory_space<hbm>> -> memref<512x64xf32, #tpu.memory_space<hbm>>
      tpu.wait_dma2 semaphore(%run_scoped3A : memref<!tpu.dma_semaphore, #tpu.memory_space<semaphore_mem>>) src(%arg11 : memref<512x64xf32, #tpu.memory_space<vmem>>) dst(%dma_wait3A_34 : memref<512x64xf32, #tpu.memory_space<hbm>>)
      tpu.yield
    }) : () -> ()
    "tpu.region"() ({
      %run_scoped3A = tpu.sem_alloc : memref<!tpu.dma_semaphore, #tpu.memory_space<semaphore_mem>>
      %dma_start3A = tpu.memref_slice %arg3[%mul3A_2] : memref<16384xi32, #tpu.memory_space<hbm>> -> memref<512xi32, #tpu.memory_space<hbm>>
      %dma_start3A_28 = tpu.memref_slice %arg3[%mul3A_2] : memref<16384xi32, #tpu.memory_space<hbm>> -> memref<512xi32, #tpu.memory_space<hbm>>
      tpu.enqueue_dma source(%dma_start3A_28 : memref<512xi32, #tpu.memory_space<hbm>>) target(%arg10 : memref<512xi32, #tpu.memory_space<vmem>>) target_semaphore(%run_scoped3A : memref<!tpu.dma_semaphore, #tpu.memory_space<semaphore_mem>>)
      %dma_wait3A_29 = tpu.memref_slice %arg3[%mul3A_2] : memref<16384xi32, #tpu.memory_space<hbm>> -> memref<512xi32, #tpu.memory_space<hbm>>
      %dma_wait3A_30 = tpu.memref_slice %arg3[%mul3A_2] : memref<16384xi32, #tpu.memory_space<hbm>> -> memref<512xi32, #tpu.memory_space<hbm>>
      tpu.wait_dma2 semaphore(%run_scoped3A : memref<!tpu.dma_semaphore, #tpu.memory_space<semaphore_mem>>) src(%dma_wait3A_30 : memref<512xi32, #tpu.memory_space<hbm>>) dst(%arg10 : memref<512xi32, #tpu.memory_space<vmem>>)
      tpu.yield
    }) : () -> ()
    %parallel_loop3A_10 = arith.constant 0 : i32
    %parallel_loop3A_11 = arith.constant 32 : i32
    %parallel_loop3A_12 = arith.constant 1 : i32
    scf.for %parallel_loop3A_28 = %parallel_loop3A_10 to %parallel_loop3A_11 step %parallel_loop3A_12  : i32 {
      %parallel_loop3A_29 = arith.constant 16 : i32
      %parallel_loop3A_30 = arith.muli %parallel_loop3A_28, %parallel_loop3A_29 : i32
      %parallel_loop3A_31 = arith.index_cast %parallel_loop3A_30 : i32 to index
      %parallel_loop3A_32 = tpu.vector_load %arg10[%parallel_loop3A_31] {strides = array<i32>} : memref<512xi32, #tpu.memory_space<vmem>>, vector<16xi32>,
      %parallel_loop3A_33 = vector.shape_cast %parallel_loop3A_32 : vector<16xi32> to vector<16xi32>
      %parallel_loop3A_34 = vector.extract_strided_slice %parallel_loop3A_33 {offsets = [0], sizes = [1], strides = [1]} : vector<16xi32> to vector<1xi32>
      %parallel_loop3A_35 = vector.extract %parallel_loop3A_34[0] : i32 from vector<1xi32>
      %parallel_loop3A_36 = arith.constant 16 : i32
      %parallel_loop3A_37 = arith.muli %parallel_loop3A_28, %parallel_loop3A_36 : i32
      %parallel_loop3A_38 = arith.constant 0 : i32
      %parallel_loop3A_39 = arith.addi %parallel_loop3A_37, %parallel_loop3A_38 : i32
      %parallel_loop3A_40 = arith.constant 0 : i32
      %parallel_loop3A_41 = tpu.memref_slice %arg11[%parallel_loop3A_39, %parallel_loop3A_40] : memref<512x64xf32, #tpu.memory_space<vmem>> -> memref<1x64xf32, #tpu.memory_space<vmem>>
      %parallel_loop3A_42 = tpu.memref_squeeze %parallel_loop3A_41 : memref<1x64xf32, #tpu.memory_space<vmem>> -> memref<64xf32, #tpu.memory_space<vmem>>
      %parallel_loop3A_43 = arith.constant 0 : i32
      %parallel_loop3A_44 = tpu.memref_slice %arg6[%parallel_loop3A_35, %parallel_loop3A_43] : memref<1000000x64xf32, #tpu.memory_space<hbm>> -> memref<1x64xf32, #tpu.memory_space<hbm>>
      %parallel_loop3A_45 = tpu.memref_squeeze %parallel_loop3A_44 : memref<1x64xf32, #tpu.memory_space<hbm>> -> memref<64xf32, #tpu.memory_space<hbm>>
      %parallel_loop3A_46 = arith.constant 0 : i32
      %parallel_loop3A_47 = tpu.memref_slice %arg11[%parallel_loop3A_39, %parallel_loop3A_46] : memref<512x64xf32, #tpu.memory_space<vmem>> -> memref<1x64xf32, #tpu.memory_space<vmem>>
      %parallel_loop3A_48 = tpu.memref_squeeze %parallel_loop3A_47 : memref<1x64xf32, #tpu.memory_space<vmem>> -> memref<64xf32, #tpu.memory_space<vmem>>
      %parallel_loop3A_49 = arith.constant 0 : i32
      %parallel_loop3A_50 = tpu.memref_slice %arg6[%parallel_loop3A_35, %parallel_loop3A_49] : memref<1000000x64xf32, #tpu.memory_space<hbm>> -> memref<1x64xf32, #tpu.memory_space<hbm>>
      %parallel_loop3A_51 = tpu.memref_squeeze %parallel_loop3A_50 : memref<1x64xf32, #tpu.memory_space<hbm>> -> memref<64xf32, #tpu.memory_space<hbm>>
      tpu.enqueue_dma source(%parallel_loop3A_51 : memref<64xf32, #tpu.memory_space<hbm>>) target(%parallel_loop3A_48 : memref<64xf32, #tpu.memory_space<vmem>>) target_semaphore(%arg12 : memref<!tpu.dma_semaphore, #tpu.memory_space<semaphore_mem>>)
      %parallel_loop3A_52 = vector.extract_strided_slice %parallel_loop3A_33 {offsets = [1], sizes = [1], strides = [1]} : vector<16xi32> to vector<1xi32>
      %parallel_loop3A_53 = vector.extract %parallel_loop3A_52[0] : i32 from vector<1xi32>
      %parallel_loop3A_54 = arith.constant 16 : i32
      %parallel_loop3A_55 = arith.muli %parallel_loop3A_28, %parallel_loop3A_54 : i32
      %parallel_loop3A_56 = arith.constant 1 : i32
      %parallel_loop3A_57 = arith.addi %parallel_loop3A_55, %parallel_loop3A_56 : i32
      %parallel_loop3A_58 = arith.constant 0 : i32
      %parallel_loop3A_59 = tpu.memref_slice %arg11[%parallel_loop3A_57, %parallel_loop3A_58] : memref<512x64xf32, #tpu.memory_space<vmem>> -> memref<1x64xf32, #tpu.memory_space<vmem>>
      %parallel_loop3A_60 = tpu.memref_squeeze %parallel_loop3A_59 : memref<1x64xf32, #tpu.memory_space<vmem>> -> memref<64xf32, #tpu.memory_space<vmem>>
      %parallel_loop3A_61 = arith.constant 0 : i32
      %parallel_loop3A_62 = tpu.memref_slice %arg6[%parallel_loop3A_53, %parallel_loop3A_61] : memref<1000000x64xf32, #tpu.memory_space<hbm>> -> memref<1x64xf32, #tpu.memory_space<hbm>>
      %parallel_loop3A_63 = tpu.memref_squeeze %parallel_loop3A_62 : memref<1x64xf32, #tpu.memory_space<hbm>> -> memref<64xf32, #tpu.memory_space<hbm>>
      %parallel_loop3A_64 = arith.constant 0 : i32
      %parallel_loop3A_65 = tpu.memref_slice %arg11[%parallel_loop3A_57, %parallel_loop3A_64] : memref<512x64xf32, #tpu.memory_space<vmem>> -> memref<1x64xf32, #tpu.memory_space<vmem>>
      %parallel_loop3A_66 = tpu.memref_squeeze %parallel_loop3A_65 : memref<1x64xf32, #tpu.memory_space<vmem>> -> memref<64xf32, #tpu.memory_space<vmem>>
      %parallel_loop3A_67 = arith.constant 0 : i32
      %parallel_loop3A_68 = tpu.memref_slice %arg6[%parallel_loop3A_53, %parallel_loop3A_67] : memref<1000000x64xf32, #tpu.memory_space<hbm>> -> memref<1x64xf32, #tpu.memory_space<hbm>>
      %parallel_loop3A_69 = tpu.memref_squeeze %parallel_loop3A_68 : memref<1x64xf32, #tpu.memory_space<hbm>> -> memref<64xf32, #tpu.memory_space<hbm>>
      tpu.enqueue_dma source(%parallel_loop3A_69 : memref<64xf32, #tpu.memory_space<hbm>>) target(%parallel_loop3A_66 : memref<64xf32, #tpu.memory_space<vmem>>) target_semaphore(%arg12 : memref<!tpu.dma_semaphore, #tpu.memory_space<semaphore_mem>>)
      %parallel_loop3A_70 = vector.extract_strided_slice %parallel_loop3A_33 {offsets = [2], sizes = [1], strides = [1]} : vector<16xi32> to vector<1xi32>
      %parallel_loop3A_71 = vector.extract %parallel_loop3A_70[0] : i32 from vector<1xi32>
      %parallel_loop3A_72 = arith.constant 16 : i32
      %parallel_loop3A_73 = arith.muli %parallel_loop3A_28, %parallel_loop3A_72 : i32
      %parallel_loop3A_74 = arith.constant 2 : i32
      %parallel_loop3A_75 = arith.addi %parallel_loop3A_73, %parallel_loop3A_74 : i32
      %parallel_loop3A_76 = arith.constant 0 : i32
      %parallel_loop3A_77 = tpu.memref_slice %arg11[%parallel_loop3A_75, %parallel_loop3A_76] : memref<512x64xf32, #tpu.memory_space<vmem>> -> memref<1x64xf32, #tpu.memory_space<vmem>>
      %parallel_loop3A_78 = tpu.memref_squeeze %parallel_loop3A_77 : memref<1x64xf32, #tpu.memory_space<vmem>> -> memref<64xf32, #tpu.memory_space<vmem>>
      %parallel_loop3A_79 = arith.constant 0 : i32
      %parallel_loop3A_80 = tpu.memref_slice %arg6[%parallel_loop3A_71, %parallel_loop3A_79] : memref<1000000x64xf32, #tpu.memory_space<hbm>> -> memref<1x64xf32, #tpu.memory_space<hbm>>
      %parallel_loop3A_81 = tpu.memref_squeeze %parallel_loop3A_80 : memref<1x64xf32, #tpu.memory_space<hbm>> -> memref<64xf32, #tpu.memory_space<hbm>>
      %parallel_loop3A_82 = arith.constant 0 : i32
      %parallel_loop3A_83 = tpu.memref_slice %arg11[%parallel_loop3A_75, %parallel_loop3A_82] : memref<512x64xf32, #tpu.memory_space<vmem>> -> memref<1x64xf32, #tpu.memory_space<vmem>>
      %parallel_loop3A_84 = tpu.memref_squeeze %parallel_loop3A_83 : memref<1x64xf32, #tpu.memory_space<vmem>> -> memref<64xf32, #tpu.memory_space<vmem>>
      %parallel_loop3A_85 = arith.constant 0 : i32
      %parallel_loop3A_86 = tpu.memref_slice %arg6[%parallel_loop3A_71, %parallel_loop3A_85] : memref<1000000x64xf32, #tpu.memory_space<hbm>> -> memref<1x64xf32, #tpu.memory_space<hbm>>
      %parallel_loop3A_87 = tpu.memref_squeeze %parallel_loop3A_86 : memref<1x64xf32, #tpu.memory_space<hbm>> -> memref<64xf32, #tpu.memory_space<hbm>>
      tpu.enqueue_dma source(%parallel_loop3A_87 : memref<64xf32, #tpu.memory_space<hbm>>) target(%parallel_loop3A_84 : memref<64xf32, #tpu.memory_space<vmem>>) target_semaphore(%arg12 : memref<!tpu.dma_semaphore, #tpu.memory_space<semaphore_mem>>)
      %parallel_loop3A_88 = vector.extract_strided_slice %parallel_loop3A_33 {offsets = [3], sizes = [1], strides = [1]} : vector<16xi32> to vector<1xi32>
      %parallel_loop3A_89 = vector.extract %parallel_loop3A_88[0] : i32 from vector<1xi32>
      %parallel_loop3A_90 = arith.constant 16 : i32
      %parallel_loop3A_91 = arith.muli %parallel_loop3A_28, %parallel_loop3A_90 : i32
      %parallel_loop3A_92 = arith.constant 3 : i32
      %parallel_loop3A_93 = arith.addi %parallel_loop3A_91, %parallel_loop3A_92 : i32
      %parallel_loop3A_94 = arith.constant 0 : i32
      %parallel_loop3A_95 = tpu.memref_slice %arg11[%parallel_loop3A_93, %parallel_loop3A_94] : memref<512x64xf32, #tpu.memory_space<vmem>> -> memref<1x64xf32, #tpu.memory_space<vmem>>
      %parallel_loop3A_96 = tpu.memref_squeeze %parallel_loop3A_95 : memref<1x64xf32, #tpu.memory_space<vmem>> -> memref<64xf32, #tpu.memory_space<vmem>>
      %parallel_loop3A_97 = arith.constant 0 : i32
      %parallel_loop3A_98 = tpu.memref_slice %arg6[%parallel_loop3A_89, %parallel_loop3A_97] : memref<1000000x64xf32, #tpu.memory_space<hbm>> -> memref<1x64xf32, #tpu.memory_space<hbm>>
      %parallel_loop3A_99 = tpu.memref_squeeze %parallel_loop3A_98 : memref<1x64xf32, #tpu.memory_space<hbm>> -> memref<64xf32, #tpu.memory_space<hbm>>
      %parallel_loop3A_100 = arith.constant 0 : i32
      %parallel_loop3A_101 = tpu.memref_slice %arg11[%parallel_loop3A_93, %parallel_loop3A_100] : memref<512x64xf32, #tpu.memory_space<vmem>> -> memref<1x64xf32, #tpu.memory_space<vmem>>
      %parallel_loop3A_102 = tpu.memref_squeeze %parallel_loop3A_101 : memref<1x64xf32, #tpu.memory_space<vmem>> -> memref<64xf32, #tpu.memory_space<vmem>>
      %parallel_loop3A_103 = arith.constant 0 : i32
      %parallel_loop3A_104 = tpu.memref_slice %arg6[%parallel_loop3A_89, %parallel_loop3A_103] : memref<1000000x64xf32, #tpu.memory_space<hbm>> -> memref<1x64xf32, #tpu.memory_space<hbm>>
      %parallel_loop3A_105 = tpu.memref_squeeze %parallel_loop3A_104 : memref<1x64xf32, #tpu.memory_space<hbm>> -> memref<64xf32, #tpu.memory_space<hbm>>
      tpu.enqueue_dma source(%parallel_loop3A_105 : memref<64xf32, #tpu.memory_space<hbm>>) target(%parallel_loop3A_102 : memref<64xf32, #tpu.memory_space<vmem>>) target_semaphore(%arg12 : memref<!tpu.dma_semaphore, #tpu.memory_space<semaphore_mem>>)
      %parallel_loop3A_106 = vector.extract_strided_slice %parallel_loop3A_33 {offsets = [4], sizes = [1], strides = [1]} : vector<16xi32> to vector<1xi32>
      %parallel_loop3A_107 = vector.extract %parallel_loop3A_106[0] : i32 from vector<1xi32>
      %parallel_loop3A_108 = arith.constant 16 : i32
      %parallel_loop3A_109 = arith.muli %parallel_loop3A_28, %parallel_loop3A_108 : i32
      %parallel_loop3A_110 = arith.constant 4 : i32
      %parallel_loop3A_111 = arith.addi %parallel_loop3A_109, %parallel_loop3A_110 : i32
      %parallel_loop3A_112 = arith.constant 0 : i32
      %parallel_loop3A_113 = tpu.memref_slice %arg11[%parallel_loop3A_111, %parallel_loop3A_112] : memref<512x64xf32, #tpu.memory_space<vmem>> -> memref<1x64xf32, #tpu.memory_space<vmem>>
      %parallel_loop3A_114 = tpu.memref_squeeze %parallel_loop3A_113 : memref<1x64xf32, #tpu.memory_space<vmem>> -> memref<64xf32, #tpu.memory_space<vmem>>
      %parallel_loop3A_115 = arith.constant 0 : i32
      %parallel_loop3A_116 = tpu.memref_slice %arg6[%parallel_loop3A_107, %parallel_loop3A_115] : memref<1000000x64xf32, #tpu.memory_space<hbm>> -> memref<1x64xf32, #tpu.memory_space<hbm>>
      %parallel_loop3A_117 = tpu.memref_squeeze %parallel_loop3A_116 : memref<1x64xf32, #tpu.memory_space<hbm>> -> memref<64xf32, #tpu.memory_space<hbm>>
      %parallel_loop3A_118 = arith.constant 0 : i32
      %parallel_loop3A_119 = tpu.memref_slice %arg11[%parallel_loop3A_111, %parallel_loop3A_118] : memref<512x64xf32, #tpu.memory_space<vmem>> -> memref<1x64xf32, #tpu.memory_space<vmem>>
      %parallel_loop3A_120 = tpu.memref_squeeze %parallel_loop3A_119 : memref<1x64xf32, #tpu.memory_space<vmem>> -> memref<64xf32, #tpu.memory_space<vmem>>
      %parallel_loop3A_121 = arith.constant 0 : i32
      %parallel_loop3A_122 = tpu.memref_slice %arg6[%parallel_loop3A_107, %parallel_loop3A_121] : memref<1000000x64xf32, #tpu.memory_space<hbm>> -> memref<1x64xf32, #tpu.memory_space<hbm>>
      %parallel_loop3A_123 = tpu.memref_squeeze %parallel_loop3A_122 : memref<1x64xf32, #tpu.memory_space<hbm>> -> memref<64xf32, #tpu.memory_space<hbm>>
      tpu.enqueue_dma source(%parallel_loop3A_123 : memref<64xf32, #tpu.memory_space<hbm>>) target(%parallel_loop3A_120 : memref<64xf32, #tpu.memory_space<vmem>>) target_semaphore(%arg12 : memref<!tpu.dma_semaphore, #tpu.memory_space<semaphore_mem>>)
      %parallel_loop3A_124 = vector.extract_strided_slice %parallel_loop3A_33 {offsets = [5], sizes = [1], strides = [1]} : vector<16xi32> to vector<1xi32>
      %parallel_loop3A_125 = vector.extract %parallel_loop3A_124[0] : i32 from vector<1xi32>
      %parallel_loop3A_126 = arith.constant 16 : i32
      %parallel_loop3A_127 = arith.muli %parallel_loop3A_28, %parallel_loop3A_126 : i32
      %parallel_loop3A_128 = arith.constant 5 : i32
      %parallel_loop3A_129 = arith.addi %parallel_loop3A_127, %parallel_loop3A_128 : i32
      %parallel_loop3A_130 = arith.constant 0 : i32
      %parallel_loop3A_131 = tpu.memref_slice %arg11[%parallel_loop3A_129, %parallel_loop3A_130] : memref<512x64xf32, #tpu.memory_space<vmem>> -> memref<1x64xf32, #tpu.memory_space<vmem>>
      %parallel_loop3A_132 = tpu.memref_squeeze %parallel_loop3A_131 : memref<1x64xf32, #tpu.memory_space<vmem>> -> memref<64xf32, #tpu.memory_space<vmem>>
      %parallel_loop3A_133 = arith.constant 0 : i32
      %parallel_loop3A_134 = tpu.memref_slice %arg6[%parallel_loop3A_125, %parallel_loop3A_133] : memref<1000000x64xf32, #tpu.memory_space<hbm>> -> memref<1x64xf32, #tpu.memory_space<hbm>>
      %parallel_loop3A_135 = tpu.memref_squeeze %parallel_loop3A_134 : memref<1x64xf32, #tpu.memory_space<hbm>> -> memref<64xf32, #tpu.memory_space<hbm>>
      %parallel_loop3A_136 = arith.constant 0 : i32
      %parallel_loop3A_137 = tpu.memref_slice %arg11[%parallel_loop3A_129, %parallel_loop3A_136] : memref<512x64xf32, #tpu.memory_space<vmem>> -> memref<1x64xf32, #tpu.memory_space<vmem>>
      %parallel_loop3A_138 = tpu.memref_squeeze %parallel_loop3A_137 : memref<1x64xf32, #tpu.memory_space<vmem>> -> memref<64xf32, #tpu.memory_space<vmem>>
      %parallel_loop3A_139 = arith.constant 0 : i32
      %parallel_loop3A_140 = tpu.memref_slice %arg6[%parallel_loop3A_125, %parallel_loop3A_139] : memref<1000000x64xf32, #tpu.memory_space<hbm>> -> memref<1x64xf32, #tpu.memory_space<hbm>>
      %parallel_loop3A_141 = tpu.memref_squeeze %parallel_loop3A_140 : memref<1x64xf32, #tpu.memory_space<hbm>> -> memref<64xf32, #tpu.memory_space<hbm>>
      tpu.enqueue_dma source(%parallel_loop3A_141 : memref<64xf32, #tpu.memory_space<hbm>>) target(%parallel_loop3A_138 : memref<64xf32, #tpu.memory_space<vmem>>) target_semaphore(%arg12 : memref<!tpu.dma_semaphore, #tpu.memory_space<semaphore_mem>>)
      %parallel_loop3A_142 = vector.extract_strided_slice %parallel_loop3A_33 {offsets = [6], sizes = [1], strides = [1]} : vector<16xi32> to vector<1xi32>
      %parallel_loop3A_143 = vector.extract %parallel_loop3A_142[0] : i32 from vector<1xi32>
      %parallel_loop3A_144 = arith.constant 16 : i32
      %parallel_loop3A_145 = arith.muli %parallel_loop3A_28, %parallel_loop3A_144 : i32
      %parallel_loop3A_146 = arith.constant 6 : i32
      %parallel_loop3A_147 = arith.addi %parallel_loop3A_145, %parallel_loop3A_146 : i32
      %parallel_loop3A_148 = arith.constant 0 : i32
      %parallel_loop3A_149 = tpu.memref_slice %arg11[%parallel_loop3A_147, %parallel_loop3A_148] : memref<512x64xf32, #tpu.memory_space<vmem>> -> memref<1x64xf32, #tpu.memory_space<vmem>>
      %parallel_loop3A_150 = tpu.memref_squeeze %parallel_loop3A_149 : memref<1x64xf32, #tpu.memory_space<vmem>> -> memref<64xf32, #tpu.memory_space<vmem>>
      %parallel_loop3A_151 = arith.constant 0 : i32
      %parallel_loop3A_152 = tpu.memref_slice %arg6[%parallel_loop3A_143, %parallel_loop3A_151] : memref<1000000x64xf32, #tpu.memory_space<hbm>> -> memref<1x64xf32, #tpu.memory_space<hbm>>
      %parallel_loop3A_153 = tpu.memref_squeeze %parallel_loop3A_152 : memref<1x64xf32, #tpu.memory_space<hbm>> -> memref<64xf32, #tpu.memory_space<hbm>>
      %parallel_loop3A_154 = arith.constant 0 : i32
      %parallel_loop3A_155 = tpu.memref_slice %arg11[%parallel_loop3A_147, %parallel_loop3A_154] : memref<512x64xf32, #tpu.memory_space<vmem>> -> memref<1x64xf32, #tpu.memory_space<vmem>>
      %parallel_loop3A_156 = tpu.memref_squeeze %parallel_loop3A_155 : memref<1x64xf32, #tpu.memory_space<vmem>> -> memref<64xf32, #tpu.memory_space<vmem>>
      %parallel_loop3A_157 = arith.constant 0 : i32
      %parallel_loop3A_158 = tpu.memref_slice %arg6[%parallel_loop3A_143, %parallel_loop3A_157] : memref<1000000x64xf32, #tpu.memory_space<hbm>> -> memref<1x64xf32, #tpu.memory_space<hbm>>
      %parallel_loop3A_159 = tpu.memref_squeeze %parallel_loop3A_158 : memref<1x64xf32, #tpu.memory_space<hbm>> -> memref<64xf32, #tpu.memory_space<hbm>>
      tpu.enqueue_dma source(%parallel_loop3A_159 : memref<64xf32, #tpu.memory_space<hbm>>) target(%parallel_loop3A_156 : memref<64xf32, #tpu.memory_space<vmem>>) target_semaphore(%arg12 : memref<!tpu.dma_semaphore, #tpu.memory_space<semaphore_mem>>)
      %parallel_loop3A_160 = vector.extract_strided_slice %parallel_loop3A_33 {offsets = [7], sizes = [1], strides = [1]} : vector<16xi32> to vector<1xi32>
      %parallel_loop3A_161 = vector.extract %parallel_loop3A_160[0] : i32 from vector<1xi32>
      %parallel_loop3A_162 = arith.constant 16 : i32
      %parallel_loop3A_163 = arith.muli %parallel_loop3A_28, %parallel_loop3A_162 : i32
      %parallel_loop3A_164 = arith.constant 7 : i32
      %parallel_loop3A_165 = arith.addi %parallel_loop3A_163, %parallel_loop3A_164 : i32
      %parallel_loop3A_166 = arith.constant 0 : i32
      %parallel_loop3A_167 = tpu.memref_slice %arg11[%parallel_loop3A_165, %parallel_loop3A_166] : memref<512x64xf32, #tpu.memory_space<vmem>> -> memref<1x64xf32, #tpu.memory_space<vmem>>
      %parallel_loop3A_168 = tpu.memref_squeeze %parallel_loop3A_167 : memref<1x64xf32, #tpu.memory_space<vmem>> -> memref<64xf32, #tpu.memory_space<vmem>>
      %parallel_loop3A_169 = arith.constant 0 : i32
      %parallel_loop3A_170 = tpu.memref_slice %arg6[%parallel_loop3A_161, %parallel_loop3A_169] : memref<1000000x64xf32, #tpu.memory_space<hbm>> -> memref<1x64xf32, #tpu.memory_space<hbm>>
      %parallel_loop3A_171 = tpu.memref_squeeze %parallel_loop3A_170 : memref<1x64xf32, #tpu.memory_space<hbm>> -> memref<64xf32, #tpu.memory_space<hbm>>
      %parallel_loop3A_172 = arith.constant 0 : i32
      %parallel_loop3A_173 = tpu.memref_slice %arg11[%parallel_loop3A_165, %parallel_loop3A_172] : memref<512x64xf32, #tpu.memory_space<vmem>> -> memref<1x64xf32, #tpu.memory_space<vmem>>
      %parallel_loop3A_174 = tpu.memref_squeeze %parallel_loop3A_173 : memref<1x64xf32, #tpu.memory_space<vmem>> -> memref<64xf32, #tpu.memory_space<vmem>>
      %parallel_loop3A_175 = arith.constant 0 : i32
      %parallel_loop3A_176 = tpu.memref_slice %arg6[%parallel_loop3A_161, %parallel_loop3A_175] : memref<1000000x64xf32, #tpu.memory_space<hbm>> -> memref<1x64xf32, #tpu.memory_space<hbm>>
      %parallel_loop3A_177 = tpu.memref_squeeze %parallel_loop3A_176 : memref<1x64xf32, #tpu.memory_space<hbm>> -> memref<64xf32, #tpu.memory_space<hbm>>
      tpu.enqueue_dma source(%parallel_loop3A_177 : memref<64xf32, #tpu.memory_space<hbm>>) target(%parallel_loop3A_174 : memref<64xf32, #tpu.memory_space<vmem>>) target_semaphore(%arg12 : memref<!tpu.dma_semaphore, #tpu.memory_space<semaphore_mem>>)
      %parallel_loop3A_178 = vector.extract_strided_slice %parallel_loop3A_33 {offsets = [8], sizes = [1], strides = [1]} : vector<16xi32> to vector<1xi32>
      %parallel_loop3A_179 = vector.extract %parallel_loop3A_178[0] : i32 from vector<1xi32>
      %parallel_loop3A_180 = arith.constant 16 : i32
      %parallel_loop3A_181 = arith.muli %parallel_loop3A_28, %parallel_loop3A_180 : i32
      %parallel_loop3A_182 = arith.constant 8 : i32
      %parallel_loop3A_183 = arith.addi %parallel_loop3A_181, %parallel_loop3A_182 : i32
      %parallel_loop3A_184 = arith.constant 0 : i32
      %parallel_loop3A_185 = tpu.memref_slice %arg11[%parallel_loop3A_183, %parallel_loop3A_184] : memref<512x64xf32, #tpu.memory_space<vmem>> -> memref<1x64xf32, #tpu.memory_space<vmem>>
      %parallel_loop3A_186 = tpu.memref_squeeze %parallel_loop3A_185 : memref<1x64xf32, #tpu.memory_space<vmem>> -> memref<64xf32, #tpu.memory_space<vmem>>
      %parallel_loop3A_187 = arith.constant 0 : i32
      %parallel_loop3A_188 = tpu.memref_slice %arg6[%parallel_loop3A_179, %parallel_loop3A_187] : memref<1000000x64xf32, #tpu.memory_space<hbm>> -> memref<1x64xf32, #tpu.memory_space<hbm>>
      %parallel_loop3A_189 = tpu.memref_squeeze %parallel_loop3A_188 : memref<1x64xf32, #tpu.memory_space<hbm>> -> memref<64xf32, #tpu.memory_space<hbm>>
      %parallel_loop3A_190 = arith.constant 0 : i32
      %parallel_loop3A_191 = tpu.memref_slice %arg11[%parallel_loop3A_183, %parallel_loop3A_190] : memref<512x64xf32, #tpu.memory_space<vmem>> -> memref<1x64xf32, #tpu.memory_space<vmem>>
      %parallel_loop3A_192 = tpu.memref_squeeze %parallel_loop3A_191 : memref<1x64xf32, #tpu.memory_space<vmem>> -> memref<64xf32, #tpu.memory_space<vmem>>
      %parallel_loop3A_193 = arith.constant 0 : i32
      %parallel_loop3A_194 = tpu.memref_slice %arg6[%parallel_loop3A_179, %parallel_loop3A_193] : memref<1000000x64xf32, #tpu.memory_space<hbm>> -> memref<1x64xf32, #tpu.memory_space<hbm>>
      %parallel_loop3A_195 = tpu.memref_squeeze %parallel_loop3A_194 : memref<1x64xf32, #tpu.memory_space<hbm>> -> memref<64xf32, #tpu.memory_space<hbm>>
      tpu.enqueue_dma source(%parallel_loop3A_195 : memref<64xf32, #tpu.memory_space<hbm>>) target(%parallel_loop3A_192 : memref<64xf32, #tpu.memory_space<vmem>>) target_semaphore(%arg12 : memref<!tpu.dma_semaphore, #tpu.memory_space<semaphore_mem>>)
      %parallel_loop3A_196 = vector.extract_strided_slice %parallel_loop3A_33 {offsets = [9], sizes = [1], strides = [1]} : vector<16xi32> to vector<1xi32>
      %parallel_loop3A_197 = vector.extract %parallel_loop3A_196[0] : i32 from vector<1xi32>
      %parallel_loop3A_198 = arith.constant 16 : i32
      %parallel_loop3A_199 = arith.muli %parallel_loop3A_28, %parallel_loop3A_198 : i32
      %parallel_loop3A_200 = arith.constant 9 : i32
      %parallel_loop3A_201 = arith.addi %parallel_loop3A_199, %parallel_loop3A_200 : i32
      %parallel_loop3A_202 = arith.constant 0 : i32
      %parallel_loop3A_203 = tpu.memref_slice %arg11[%parallel_loop3A_201, %parallel_loop3A_202] : memref<512x64xf32, #tpu.memory_space<vmem>> -> memref<1x64xf32, #tpu.memory_space<vmem>>
      %parallel_loop3A_204 = tpu.memref_squeeze %parallel_loop3A_203 : memref<1x64xf32, #tpu.memory_space<vmem>> -> memref<64xf32, #tpu.memory_space<vmem>>
      %parallel_loop3A_205 = arith.constant 0 : i32
      %parallel_loop3A_206 = tpu.memref_slice %arg6[%parallel_loop3A_197, %parallel_loop3A_205] : memref<1000000x64xf32, #tpu.memory_space<hbm>> -> memref<1x64xf32, #tpu.memory_space<hbm>>
      %parallel_loop3A_207 = tpu.memref_squeeze %parallel_loop3A_206 : memref<1x64xf32, #tpu.memory_space<hbm>> -> memref<64xf32, #tpu.memory_space<hbm>>
      %parallel_loop3A_208 = arith.constant 0 : i32
      %parallel_loop3A_209 = tpu.memref_slice %arg11[%parallel_loop3A_201, %parallel_loop3A_208] : memref<512x64xf32, #tpu.memory_space<vmem>> -> memref<1x64xf32, #tpu.memory_space<vmem>>
      %parallel_loop3A_210 = tpu.memref_squeeze %parallel_loop3A_209 : memref<1x64xf32, #tpu.memory_space<vmem>> -> memref<64xf32, #tpu.memory_space<vmem>>
      %parallel_loop3A_211 = arith.constant 0 : i32
      %parallel_loop3A_212 = tpu.memref_slice %arg6[%parallel_loop3A_197, %parallel_loop3A_211] : memref<1000000x64xf32, #tpu.memory_space<hbm>> -> memref<1x64xf32, #tpu.memory_space<hbm>>
      %parallel_loop3A_213 = tpu.memref_squeeze %parallel_loop3A_212 : memref<1x64xf32, #tpu.memory_space<hbm>> -> memref<64xf32, #tpu.memory_space<hbm>>
      tpu.enqueue_dma source(%parallel_loop3A_213 : memref<64xf32, #tpu.memory_space<hbm>>) target(%parallel_loop3A_210 : memref<64xf32, #tpu.memory_space<vmem>>) target_semaphore(%arg12 : memref<!tpu.dma_semaphore, #tpu.memory_space<semaphore_mem>>)
      %parallel_loop3A_214 = vector.extract_strided_slice %parallel_loop3A_33 {offsets = [10], sizes = [1], strides = [1]} : vector<16xi32> to vector<1xi32>
      %parallel_loop3A_215 = vector.extract %parallel_loop3A_214[0] : i32 from vector<1xi32>
      %parallel_loop3A_216 = arith.constant 16 : i32
      %parallel_loop3A_217 = arith.muli %parallel_loop3A_28, %parallel_loop3A_216 : i32
      %parallel_loop3A_218 = arith.constant 10 : i32
      %parallel_loop3A_219 = arith.addi %parallel_loop3A_217, %parallel_loop3A_218 : i32
      %parallel_loop3A_220 = arith.constant 0 : i32
      %parallel_loop3A_221 = tpu.memref_slice %arg11[%parallel_loop3A_219, %parallel_loop3A_220] : memref<512x64xf32, #tpu.memory_space<vmem>> -> memref<1x64xf32, #tpu.memory_space<vmem>>
      %parallel_loop3A_222 = tpu.memref_squeeze %parallel_loop3A_221 : memref<1x64xf32, #tpu.memory_space<vmem>> -> memref<64xf32, #tpu.memory_space<vmem>>
      %parallel_loop3A_223 = arith.constant 0 : i32
      %parallel_loop3A_224 = tpu.memref_slice %arg6[%parallel_loop3A_215, %parallel_loop3A_223] : memref<1000000x64xf32, #tpu.memory_space<hbm>> -> memref<1x64xf32, #tpu.memory_space<hbm>>
      %parallel_loop3A_225 = tpu.memref_squeeze %parallel_loop3A_224 : memref<1x64xf32, #tpu.memory_space<hbm>> -> memref<64xf32, #tpu.memory_space<hbm>>
      %parallel_loop3A_226 = arith.constant 0 : i32
      %parallel_loop3A_227 = tpu.memref_slice %arg11[%parallel_loop3A_219, %parallel_loop3A_226] : memref<512x64xf32, #tpu.memory_space<vmem>> -> memref<1x64xf32, #tpu.memory_space<vmem>>
      %parallel_loop3A_228 = tpu.memref_squeeze %parallel_loop3A_227 : memref<1x64xf32, #tpu.memory_space<vmem>> -> memref<64xf32, #tpu.memory_space<vmem>>
      %parallel_loop3A_229 = arith.constant 0 : i32
      %parallel_loop3A_230 = tpu.memref_slice %arg6[%parallel_loop3A_215, %parallel_loop3A_229] : memref<1000000x64xf32, #tpu.memory_space<hbm>> -> memref<1x64xf32, #tpu.memory_space<hbm>>
      %parallel_loop3A_231 = tpu.memref_squeeze %parallel_loop3A_230 : memref<1x64xf32, #tpu.memory_space<hbm>> -> memref<64xf32, #tpu.memory_space<hbm>>
      tpu.enqueue_dma source(%parallel_loop3A_231 : memref<64xf32, #tpu.memory_space<hbm>>) target(%parallel_loop3A_228 : memref<64xf32, #tpu.memory_space<vmem>>) target_semaphore(%arg12 : memref<!tpu.dma_semaphore, #tpu.memory_space<semaphore_mem>>)
      %parallel_loop3A_232 = vector.extract_strided_slice %parallel_loop3A_33 {offsets = [11], sizes = [1], strides = [1]} : vector<16xi32> to vector<1xi32>
      %parallel_loop3A_233 = vector.extract %parallel_loop3A_232[0] : i32 from vector<1xi32>
      %parallel_loop3A_234 = arith.constant 16 : i32
      %parallel_loop3A_235 = arith.muli %parallel_loop3A_28, %parallel_loop3A_234 : i32
      %parallel_loop3A_236 = arith.constant 11 : i32
      %parallel_loop3A_237 = arith.addi %parallel_loop3A_235, %parallel_loop3A_236 : i32
      %parallel_loop3A_238 = arith.constant 0 : i32
      %parallel_loop3A_239 = tpu.memref_slice %arg11[%parallel_loop3A_237, %parallel_loop3A_238] : memref<512x64xf32, #tpu.memory_space<vmem>> -> memref<1x64xf32, #tpu.memory_space<vmem>>
      %parallel_loop3A_240 = tpu.memref_squeeze %parallel_loop3A_239 : memref<1x64xf32, #tpu.memory_space<vmem>> -> memref<64xf32, #tpu.memory_space<vmem>>
      %parallel_loop3A_241 = arith.constant 0 : i32
      %parallel_loop3A_242 = tpu.memref_slice %arg6[%parallel_loop3A_233, %parallel_loop3A_241] : memref<1000000x64xf32, #tpu.memory_space<hbm>> -> memref<1x64xf32, #tpu.memory_space<hbm>>
      %parallel_loop3A_243 = tpu.memref_squeeze %parallel_loop3A_242 : memref<1x64xf32, #tpu.memory_space<hbm>> -> memref<64xf32, #tpu.memory_space<hbm>>
      %parallel_loop3A_244 = arith.constant 0 : i32
      %parallel_loop3A_245 = tpu.memref_slice %arg11[%parallel_loop3A_237, %parallel_loop3A_244] : memref<512x64xf32, #tpu.memory_space<vmem>> -> memref<1x64xf32, #tpu.memory_space<vmem>>
      %parallel_loop3A_246 = tpu.memref_squeeze %parallel_loop3A_245 : memref<1x64xf32, #tpu.memory_space<vmem>> -> memref<64xf32, #tpu.memory_space<vmem>>
      %parallel_loop3A_247 = arith.constant 0 : i32
      %parallel_loop3A_248 = tpu.memref_slice %arg6[%parallel_loop3A_233, %parallel_loop3A_247] : memref<1000000x64xf32, #tpu.memory_space<hbm>> -> memref<1x64xf32, #tpu.memory_space<hbm>>
      %parallel_loop3A_249 = tpu.memref_squeeze %parallel_loop3A_248 : memref<1x64xf32, #tpu.memory_space<hbm>> -> memref<64xf32, #tpu.memory_space<hbm>>
      tpu.enqueue_dma source(%parallel_loop3A_249 : memref<64xf32, #tpu.memory_space<hbm>>) target(%parallel_loop3A_246 : memref<64xf32, #tpu.memory_space<vmem>>) target_semaphore(%arg12 : memref<!tpu.dma_semaphore, #tpu.memory_space<semaphore_mem>>)
      %parallel_loop3A_250 = vector.extract_strided_slice %parallel_loop3A_33 {offsets = [12], sizes = [1], strides = [1]} : vector<16xi32> to vector<1xi32>
      %parallel_loop3A_251 = vector.extract %parallel_loop3A_250[0] : i32 from vector<1xi32>
      %parallel_loop3A_252 = arith.constant 16 : i32
      %parallel_loop3A_253 = arith.muli %parallel_loop3A_28, %parallel_loop3A_252 : i32
      %parallel_loop3A_254 = arith.constant 12 : i32
      %parallel_loop3A_255 = arith.addi %parallel_loop3A_253, %parallel_loop3A_254 : i32
      %parallel_loop3A_256 = arith.constant 0 : i32
      %parallel_loop3A_257 = tpu.memref_slice %arg11[%parallel_loop3A_255, %parallel_loop3A_256] : memref<512x64xf32, #tpu.memory_space<vmem>> -> memref<1x64xf32, #tpu.memory_space<vmem>>
      %parallel_loop3A_258 = tpu.memref_squeeze %parallel_loop3A_257 : memref<1x64xf32, #tpu.memory_space<vmem>> -> memref<64xf32, #tpu.memory_space<vmem>>
      %parallel_loop3A_259 = arith.constant 0 : i32
      %parallel_loop3A_260 = tpu.memref_slice %arg6[%parallel_loop3A_251, %parallel_loop3A_259] : memref<1000000x64xf32, #tpu.memory_space<hbm>> -> memref<1x64xf32, #tpu.memory_space<hbm>>
      %parallel_loop3A_261 = tpu.memref_squeeze %parallel_loop3A_260 : memref<1x64xf32, #tpu.memory_space<hbm>> -> memref<64xf32, #tpu.memory_space<hbm>>
      %parallel_loop3A_262 = arith.constant 0 : i32
      %parallel_loop3A_263 = tpu.memref_slice %arg11[%parallel_loop3A_255, %parallel_loop3A_262] : memref<512x64xf32, #tpu.memory_space<vmem>> -> memref<1x64xf32, #tpu.memory_space<vmem>>
      %parallel_loop3A_264 = tpu.memref_squeeze %parallel_loop3A_263 : memref<1x64xf32, #tpu.memory_space<vmem>> -> memref<64xf32, #tpu.memory_space<vmem>>
      %parallel_loop3A_265 = arith.constant 0 : i32
      %parallel_loop3A_266 = tpu.memref_slice %arg6[%parallel_loop3A_251, %parallel_loop3A_265] : memref<1000000x64xf32, #tpu.memory_space<hbm>> -> memref<1x64xf32, #tpu.memory_space<hbm>>
      %parallel_loop3A_267 = tpu.memref_squeeze %parallel_loop3A_266 : memref<1x64xf32, #tpu.memory_space<hbm>> -> memref<64xf32, #tpu.memory_space<hbm>>
      tpu.enqueue_dma source(%parallel_loop3A_267 : memref<64xf32, #tpu.memory_space<hbm>>) target(%parallel_loop3A_264 : memref<64xf32, #tpu.memory_space<vmem>>) target_semaphore(%arg12 : memref<!tpu.dma_semaphore, #tpu.memory_space<semaphore_mem>>)
      %parallel_loop3A_268 = vector.extract_strided_slice %parallel_loop3A_33 {offsets = [13], sizes = [1], strides = [1]} : vector<16xi32> to vector<1xi32>
      %parallel_loop3A_269 = vector.extract %parallel_loop3A_268[0] : i32 from vector<1xi32>
      %parallel_loop3A_270 = arith.constant 16 : i32
      %parallel_loop3A_271 = arith.muli %parallel_loop3A_28, %parallel_loop3A_270 : i32
      %parallel_loop3A_272 = arith.constant 13 : i32
      %parallel_loop3A_273 = arith.addi %parallel_loop3A_271, %parallel_loop3A_272 : i32
      %parallel_loop3A_274 = arith.constant 0 : i32
      %parallel_loop3A_275 = tpu.memref_slice %arg11[%parallel_loop3A_273, %parallel_loop3A_274] : memref<512x64xf32, #tpu.memory_space<vmem>> -> memref<1x64xf32, #tpu.memory_space<vmem>>
      %parallel_loop3A_276 = tpu.memref_squeeze %parallel_loop3A_275 : memref<1x64xf32, #tpu.memory_space<vmem>> -> memref<64xf32, #tpu.memory_space<vmem>>
      %parallel_loop3A_277 = arith.constant 0 : i32
      %parallel_loop3A_278 = tpu.memref_slice %arg6[%parallel_loop3A_269, %parallel_loop3A_277] : memref<1000000x64xf32, #tpu.memory_space<hbm>> -> memref<1x64xf32, #tpu.memory_space<hbm>>
      %parallel_loop3A_279 = tpu.memref_squeeze %parallel_loop3A_278 : memref<1x64xf32, #tpu.memory_space<hbm>> -> memref<64xf32, #tpu.memory_space<hbm>>
      %parallel_loop3A_280 = arith.constant 0 : i32
      %parallel_loop3A_281 = tpu.memref_slice %arg11[%parallel_loop3A_273, %parallel_loop3A_280] : memref<512x64xf32, #tpu.memory_space<vmem>> -> memref<1x64xf32, #tpu.memory_space<vmem>>
      %parallel_loop3A_282 = tpu.memref_squeeze %parallel_loop3A_281 : memref<1x64xf32, #tpu.memory_space<vmem>> -> memref<64xf32, #tpu.memory_space<vmem>>
      %parallel_loop3A_283 = arith.constant 0 : i32
      %parallel_loop3A_284 = tpu.memref_slice %arg6[%parallel_loop3A_269, %parallel_loop3A_283] : memref<1000000x64xf32, #tpu.memory_space<hbm>> -> memref<1x64xf32, #tpu.memory_space<hbm>>
      %parallel_loop3A_285 = tpu.memref_squeeze %parallel_loop3A_284 : memref<1x64xf32, #tpu.memory_space<hbm>> -> memref<64xf32, #tpu.memory_space<hbm>>
      tpu.enqueue_dma source(%parallel_loop3A_285 : memref<64xf32, #tpu.memory_space<hbm>>) target(%parallel_loop3A_282 : memref<64xf32, #tpu.memory_space<vmem>>) target_semaphore(%arg12 : memref<!tpu.dma_semaphore, #tpu.memory_space<semaphore_mem>>)
      %parallel_loop3A_286 = vector.extract_strided_slice %parallel_loop3A_33 {offsets = [14], sizes = [1], strides = [1]} : vector<16xi32> to vector<1xi32>
      %parallel_loop3A_287 = vector.extract %parallel_loop3A_286[0] : i32 from vector<1xi32>
      %parallel_loop3A_288 = arith.constant 16 : i32
      %parallel_loop3A_289 = arith.muli %parallel_loop3A_28, %parallel_loop3A_288 : i32
      %parallel_loop3A_290 = arith.constant 14 : i32
      %parallel_loop3A_291 = arith.addi %parallel_loop3A_289, %parallel_loop3A_290 : i32
      %parallel_loop3A_292 = arith.constant 0 : i32
      %parallel_loop3A_293 = tpu.memref_slice %arg11[%parallel_loop3A_291, %parallel_loop3A_292] : memref<512x64xf32, #tpu.memory_space<vmem>> -> memref<1x64xf32, #tpu.memory_space<vmem>>
      %parallel_loop3A_294 = tpu.memref_squeeze %parallel_loop3A_293 : memref<1x64xf32, #tpu.memory_space<vmem>> -> memref<64xf32, #tpu.memory_space<vmem>>
      %parallel_loop3A_295 = arith.constant 0 : i32
      %parallel_loop3A_296 = tpu.memref_slice %arg6[%parallel_loop3A_287, %parallel_loop3A_295] : memref<1000000x64xf32, #tpu.memory_space<hbm>> -> memref<1x64xf32, #tpu.memory_space<hbm>>
      %parallel_loop3A_297 = tpu.memref_squeeze %parallel_loop3A_296 : memref<1x64xf32, #tpu.memory_space<hbm>> -> memref<64xf32, #tpu.memory_space<hbm>>
      %parallel_loop3A_298 = arith.constant 0 : i32
      %parallel_loop3A_299 = tpu.memref_slice %arg11[%parallel_loop3A_291, %parallel_loop3A_298] : memref<512x64xf32, #tpu.memory_space<vmem>> -> memref<1x64xf32, #tpu.memory_space<vmem>>
      %parallel_loop3A_300 = tpu.memref_squeeze %parallel_loop3A_299 : memref<1x64xf32, #tpu.memory_space<vmem>> -> memref<64xf32, #tpu.memory_space<vmem>>
      %parallel_loop3A_301 = arith.constant 0 : i32
      %parallel_loop3A_302 = tpu.memref_slice %arg6[%parallel_loop3A_287, %parallel_loop3A_301] : memref<1000000x64xf32, #tpu.memory_space<hbm>> -> memref<1x64xf32, #tpu.memory_space<hbm>>
      %parallel_loop3A_303 = tpu.memref_squeeze %parallel_loop3A_302 : memref<1x64xf32, #tpu.memory_space<hbm>> -> memref<64xf32, #tpu.memory_space<hbm>>
      tpu.enqueue_dma source(%parallel_loop3A_303 : memref<64xf32, #tpu.memory_space<hbm>>) target(%parallel_loop3A_300 : memref<64xf32, #tpu.memory_space<vmem>>) target_semaphore(%arg12 : memref<!tpu.dma_semaphore, #tpu.memory_space<semaphore_mem>>)
      %parallel_loop3A_304 = vector.extract_strided_slice %parallel_loop3A_33 {offsets = [15], sizes = [1], strides = [1]} : vector<16xi32> to vector<1xi32>
      %parallel_loop3A_305 = vector.extract %parallel_loop3A_304[0] : i32 from vector<1xi32>
      %parallel_loop3A_306 = arith.constant 16 : i32
      %parallel_loop3A_307 = arith.muli %parallel_loop3A_28, %parallel_loop3A_306 : i32
      %parallel_loop3A_308 = arith.constant 15 : i32
      %parallel_loop3A_309 = arith.addi %parallel_loop3A_307, %parallel_loop3A_308 : i32
      %parallel_loop3A_310 = arith.constant 0 : i32
      %parallel_loop3A_311 = tpu.memref_slice %arg11[%parallel_loop3A_309, %parallel_loop3A_310] : memref<512x64xf32, #tpu.memory_space<vmem>> -> memref<1x64xf32, #tpu.memory_space<vmem>>
      %parallel_loop3A_312 = tpu.memref_squeeze %parallel_loop3A_311 : memref<1x64xf32, #tpu.memory_space<vmem>> -> memref<64xf32, #tpu.memory_space<vmem>>
      %parallel_loop3A_313 = arith.constant 0 : i32
      %parallel_loop3A_314 = tpu.memref_slice %arg6[%parallel_loop3A_305, %parallel_loop3A_313] : memref<1000000x64xf32, #tpu.memory_space<hbm>> -> memref<1x64xf32, #tpu.memory_space<hbm>>
      %parallel_loop3A_315 = tpu.memref_squeeze %parallel_loop3A_314 : memref<1x64xf32, #tpu.memory_space<hbm>> -> memref<64xf32, #tpu.memory_space<hbm>>
      %parallel_loop3A_316 = arith.constant 0 : i32
      %parallel_loop3A_317 = tpu.memref_slice %arg11[%parallel_loop3A_309, %parallel_loop3A_316] : memref<512x64xf32, #tpu.memory_space<vmem>> -> memref<1x64xf32, #tpu.memory_space<vmem>>
      %parallel_loop3A_318 = tpu.memref_squeeze %parallel_loop3A_317 : memref<1x64xf32, #tpu.memory_space<vmem>> -> memref<64xf32, #tpu.memory_space<vmem>>
      %parallel_loop3A_319 = arith.constant 0 : i32
      %parallel_loop3A_320 = tpu.memref_slice %arg6[%parallel_loop3A_305, %parallel_loop3A_319] : memref<1000000x64xf32, #tpu.memory_space<hbm>> -> memref<1x64xf32, #tpu.memory_space<hbm>>
      %parallel_loop3A_321 = tpu.memref_squeeze %parallel_loop3A_320 : memref<1x64xf32, #tpu.memory_space<hbm>> -> memref<64xf32, #tpu.memory_space<hbm>>
      tpu.enqueue_dma source(%parallel_loop3A_321 : memref<64xf32, #tpu.memory_space<hbm>>) target(%parallel_loop3A_318 : memref<64xf32, #tpu.memory_space<vmem>>) target_semaphore(%arg12 : memref<!tpu.dma_semaphore, #tpu.memory_space<semaphore_mem>>)
    } {sc.loop_unroll_factor = 2 : i64, sc.parallel_access}
    %dma_wait3A_13 = arith.constant 0 : i32
    %dma_wait3A_14 = arith.constant 0 : i32
    %dma_wait3A_15 = tpu.memref_slice %arg6[%dma_wait3A_13, %dma_wait3A_14] : memref<1000000x64xf32, #tpu.memory_space<hbm>> -> memref<512x64xf32, #tpu.memory_space<hbm>>
    %dma_wait3A_16 = arith.constant 0 : i32
    %dma_wait3A_17 = arith.constant 0 : i32
    %dma_wait3A_18 = tpu.memref_slice %arg6[%dma_wait3A_16, %dma_wait3A_17] : memref<1000000x64xf32, #tpu.memory_space<hbm>> -> memref<512x64xf32, #tpu.memory_space<hbm>>
    tpu.wait_dma2 semaphore(%arg12 : memref<!tpu.dma_semaphore, #tpu.memory_space<semaphore_mem>>) src(%dma_wait3A_18 : memref<512x64xf32, #tpu.memory_space<hbm>>) dst(%arg11 : memref<512x64xf32, #tpu.memory_space<vmem>>)
    "tpu.region"() ({
      %run_scoped3A = tpu.sem_alloc : memref<!tpu.dma_semaphore, #tpu.memory_space<semaphore_mem>>
      %dma_start3A = arith.constant 0 : i32
      %dma_start3A_28 = tpu.memref_slice %arg8[%mul3A_2, %dma_start3A] : memref<16384x64xf32, #tpu.memory_space<hbm>> -> memref<512x64xf32, #tpu.memory_space<hbm>>
      %dma_start3A_29 = arith.constant 0 : i32
      %dma_start3A_30 = tpu.memref_slice %arg8[%mul3A_2, %dma_start3A_29] : memref<16384x64xf32, #tpu.memory_space<hbm>> -> memref<512x64xf32, #tpu.memory_space<hbm>>
      tpu.enqueue_dma source(%arg11 : memref<512x64xf32, #tpu.memory_space<vmem>>) target(%dma_start3A_30 : memref<512x64xf32, #tpu.memory_space<hbm>>) target_semaphore(%run_scoped3A : memref<!tpu.dma_semaphore, #tpu.memory_space<semaphore_mem>>)
      %dma_wait3A_31 = arith.constant 0 : i32
      %dma_wait3A_32 = tpu.memref_slice %arg8[%mul3A_2, %dma_wait3A_31] : memref<16384x64xf32, #tpu.memory_space<hbm>> -> memref<512x64xf32, #tpu.memory_space<hbm>>
      %dma_wait3A_33 = arith.constant 0 : i32
      %dma_wait3A_34 = tpu.memref_slice %arg8[%mul3A_2, %dma_wait3A_33] : memref<16384x64xf32, #tpu.memory_space<hbm>> -> memref<512x64xf32, #tpu.memory_space<hbm>>
      tpu.wait_dma2 semaphore(%run_scoped3A : memref<!tpu.dma_semaphore, #tpu.memory_space<semaphore_mem>>) src(%arg11 : memref<512x64xf32, #tpu.memory_space<vmem>>) dst(%dma_wait3A_34 : memref<512x64xf32, #tpu.memory_space<hbm>>)
      tpu.yield
    }) : () -> ()
    "tpu.region"() ({
      %run_scoped3A = tpu.sem_alloc : memref<!tpu.dma_semaphore, #tpu.memory_space<semaphore_mem>>
      %dma_start3A = tpu.memref_slice %arg4[%mul3A_2] : memref<16384xi32, #tpu.memory_space<hbm>> -> memref<512xi32, #tpu.memory_space<hbm>>
      %dma_start3A_28 = tpu.memref_slice %arg4[%mul3A_2] : memref<16384xi32, #tpu.memory_space<hbm>> -> memref<512xi32, #tpu.memory_space<hbm>>
      tpu.enqueue_dma source(%dma_start3A_28 : memref<512xi32, #tpu.memory_space<hbm>>) target(%arg10 : memref<512xi32, #tpu.memory_space<vmem>>) target_semaphore(%run_scoped3A : memref<!tpu.dma_semaphore, #tpu.memory_space<semaphore_mem>>)
      %dma_wait3A_29 = tpu.memref_slice %arg4[%mul3A_2] : memref<16384xi32, #tpu.memory_space<hbm>> -> memref<512xi32, #tpu.memory_space<hbm>>
      %dma_wait3A_30 = tpu.memref_slice %arg4[%mul3A_2] : memref<16384xi32, #tpu.memory_space<hbm>> -> memref<512xi32, #tpu.memory_space<hbm>>
      tpu.wait_dma2 semaphore(%run_scoped3A : memref<!tpu.dma_semaphore, #tpu.memory_space<semaphore_mem>>) src(%dma_wait3A_30 : memref<512xi32, #tpu.memory_space<hbm>>) dst(%arg10 : memref<512xi32, #tpu.memory_space<vmem>>)
      tpu.yield
    }) : () -> ()
    %parallel_loop3A_19 = arith.constant 0 : i32
    %parallel_loop3A_20 = arith.constant 32 : i32
    %parallel_loop3A_21 = arith.constant 1 : i32
    scf.for %parallel_loop3A_28 = %parallel_loop3A_19 to %parallel_loop3A_20 step %parallel_loop3A_21  : i32 {
      %parallel_loop3A_29 = arith.constant 16 : i32
      %parallel_loop3A_30 = arith.muli %parallel_loop3A_28, %parallel_loop3A_29 : i32
      %parallel_loop3A_31 = arith.index_cast %parallel_loop3A_30 : i32 to index
      %parallel_loop3A_32 = tpu.vector_load %arg10[%parallel_loop3A_31] {strides = array<i32>} : memref<512xi32, #tpu.memory_space<vmem>>, vector<16xi32>,
      %parallel_loop3A_33 = vector.shape_cast %parallel_loop3A_32 : vector<16xi32> to vector<16xi32>
      %parallel_loop3A_34 = vector.extract_strided_slice %parallel_loop3A_33 {offsets = [0], sizes = [1], strides = [1]} : vector<16xi32> to vector<1xi32>
      %parallel_loop3A_35 = vector.extract %parallel_loop3A_34[0] : i32 from vector<1xi32>
      %parallel_loop3A_36 = arith.constant 16 : i32
      %parallel_loop3A_37 = arith.muli %parallel_loop3A_28, %parallel_loop3A_36 : i32
      %parallel_loop3A_38 = arith.constant 0 : i32
      %parallel_loop3A_39 = arith.addi %parallel_loop3A_37, %parallel_loop3A_38 : i32
      %parallel_loop3A_40 = arith.constant 0 : i32
      %parallel_loop3A_41 = tpu.memref_slice %arg11[%parallel_loop3A_39, %parallel_loop3A_40] : memref<512x64xf32, #tpu.memory_space<vmem>> -> memref<1x64xf32, #tpu.memory_space<vmem>>
      %parallel_loop3A_42 = tpu.memref_squeeze %parallel_loop3A_41 : memref<1x64xf32, #tpu.memory_space<vmem>> -> memref<64xf32, #tpu.memory_space<vmem>>
      %parallel_loop3A_43 = arith.constant 0 : i32
      %parallel_loop3A_44 = tpu.memref_slice %arg6[%parallel_loop3A_35, %parallel_loop3A_43] : memref<1000000x64xf32, #tpu.memory_space<hbm>> -> memref<1x64xf32, #tpu.memory_space<hbm>>
      %parallel_loop3A_45 = tpu.memref_squeeze %parallel_loop3A_44 : memref<1x64xf32, #tpu.memory_space<hbm>> -> memref<64xf32, #tpu.memory_space<hbm>>
      %parallel_loop3A_46 = arith.constant 0 : i32
      %parallel_loop3A_47 = tpu.memref_slice %arg11[%parallel_loop3A_39, %parallel_loop3A_46] : memref<512x64xf32, #tpu.memory_space<vmem>> -> memref<1x64xf32, #tpu.memory_space<vmem>>
      %parallel_loop3A_48 = tpu.memref_squeeze %parallel_loop3A_47 : memref<1x64xf32, #tpu.memory_space<vmem>> -> memref<64xf32, #tpu.memory_space<vmem>>
      %parallel_loop3A_49 = arith.constant 0 : i32
      %parallel_loop3A_50 = tpu.memref_slice %arg6[%parallel_loop3A_35, %parallel_loop3A_49] : memref<1000000x64xf32, #tpu.memory_space<hbm>> -> memref<1x64xf32, #tpu.memory_space<hbm>>
      %parallel_loop3A_51 = tpu.memref_squeeze %parallel_loop3A_50 : memref<1x64xf32, #tpu.memory_space<hbm>> -> memref<64xf32, #tpu.memory_space<hbm>>
      tpu.enqueue_dma source(%parallel_loop3A_51 : memref<64xf32, #tpu.memory_space<hbm>>) target(%parallel_loop3A_48 : memref<64xf32, #tpu.memory_space<vmem>>) target_semaphore(%arg12 : memref<!tpu.dma_semaphore, #tpu.memory_space<semaphore_mem>>)
      %parallel_loop3A_52 = vector.extract_strided_slice %parallel_loop3A_33 {offsets = [1], sizes = [1], strides = [1]} : vector<16xi32> to vector<1xi32>
      %parallel_loop3A_53 = vector.extract %parallel_loop3A_52[0] : i32 from vector<1xi32>
      %parallel_loop3A_54 = arith.constant 16 : i32
      %parallel_loop3A_55 = arith.muli %parallel_loop3A_28, %parallel_loop3A_54 : i32
      %parallel_loop3A_56 = arith.constant 1 : i32
      %parallel_loop3A_57 = arith.addi %parallel_loop3A_55, %parallel_loop3A_56 : i32
      %parallel_loop3A_58 = arith.constant 0 : i32
      %parallel_loop3A_59 = tpu.memref_slice %arg11[%parallel_loop3A_57, %parallel_loop3A_58] : memref<512x64xf32, #tpu.memory_space<vmem>> -> memref<1x64xf32, #tpu.memory_space<vmem>>
      %parallel_loop3A_60 = tpu.memref_squeeze %parallel_loop3A_59 : memref<1x64xf32, #tpu.memory_space<vmem>> -> memref<64xf32, #tpu.memory_space<vmem>>
      %parallel_loop3A_61 = arith.constant 0 : i32
      %parallel_loop3A_62 = tpu.memref_slice %arg6[%parallel_loop3A_53, %parallel_loop3A_61] : memref<1000000x64xf32, #tpu.memory_space<hbm>> -> memref<1x64xf32, #tpu.memory_space<hbm>>
      %parallel_loop3A_63 = tpu.memref_squeeze %parallel_loop3A_62 : memref<1x64xf32, #tpu.memory_space<hbm>> -> memref<64xf32, #tpu.memory_space<hbm>>
      %parallel_loop3A_64 = arith.constant 0 : i32
      %parallel_loop3A_65 = tpu.memref_slice %arg11[%parallel_loop3A_57, %parallel_loop3A_64] : memref<512x64xf32, #tpu.memory_space<vmem>> -> memref<1x64xf32, #tpu.memory_space<vmem>>
      %parallel_loop3A_66 = tpu.memref_squeeze %parallel_loop3A_65 : memref<1x64xf32, #tpu.memory_space<vmem>> -> memref<64xf32, #tpu.memory_space<vmem>>
      %parallel_loop3A_67 = arith.constant 0 : i32
      %parallel_loop3A_68 = tpu.memref_slice %arg6[%parallel_loop3A_53, %parallel_loop3A_67] : memref<1000000x64xf32, #tpu.memory_space<hbm>> -> memref<1x64xf32, #tpu.memory_space<hbm>>
      %parallel_loop3A_69 = tpu.memref_squeeze %parallel_loop3A_68 : memref<1x64xf32, #tpu.memory_space<hbm>> -> memref<64xf32, #tpu.memory_space<hbm>>
      tpu.enqueue_dma source(%parallel_loop3A_69 : memref<64xf32, #tpu.memory_space<hbm>>) target(%parallel_loop3A_66 : memref<64xf32, #tpu.memory_space<vmem>>) target_semaphore(%arg12 : memref<!tpu.dma_semaphore, #tpu.memory_space<semaphore_mem>>)
      %parallel_loop3A_70 = vector.extract_strided_slice %parallel_loop3A_33 {offsets = [2], sizes = [1], strides = [1]} : vector<16xi32> to vector<1xi32>
      %parallel_loop3A_71 = vector.extract %parallel_loop3A_70[0] : i32 from vector<1xi32>
      %parallel_loop3A_72 = arith.constant 16 : i32
      %parallel_loop3A_73 = arith.muli %parallel_loop3A_28, %parallel_loop3A_72 : i32
      %parallel_loop3A_74 = arith.constant 2 : i32
      %parallel_loop3A_75 = arith.addi %parallel_loop3A_73, %parallel_loop3A_74 : i32
      %parallel_loop3A_76 = arith.constant 0 : i32
      %parallel_loop3A_77 = tpu.memref_slice %arg11[%parallel_loop3A_75, %parallel_loop3A_76] : memref<512x64xf32, #tpu.memory_space<vmem>> -> memref<1x64xf32, #tpu.memory_space<vmem>>
      %parallel_loop3A_78 = tpu.memref_squeeze %parallel_loop3A_77 : memref<1x64xf32, #tpu.memory_space<vmem>> -> memref<64xf32, #tpu.memory_space<vmem>>
      %parallel_loop3A_79 = arith.constant 0 : i32
      %parallel_loop3A_80 = tpu.memref_slice %arg6[%parallel_loop3A_71, %parallel_loop3A_79] : memref<1000000x64xf32, #tpu.memory_space<hbm>> -> memref<1x64xf32, #tpu.memory_space<hbm>>
      %parallel_loop3A_81 = tpu.memref_squeeze %parallel_loop3A_80 : memref<1x64xf32, #tpu.memory_space<hbm>> -> memref<64xf32, #tpu.memory_space<hbm>>
      %parallel_loop3A_82 = arith.constant 0 : i32
      %parallel_loop3A_83 = tpu.memref_slice %arg11[%parallel_loop3A_75, %parallel_loop3A_82] : memref<512x64xf32, #tpu.memory_space<vmem>> -> memref<1x64xf32, #tpu.memory_space<vmem>>
      %parallel_loop3A_84 = tpu.memref_squeeze %parallel_loop3A_83 : memref<1x64xf32, #tpu.memory_space<vmem>> -> memref<64xf32, #tpu.memory_space<vmem>>
      %parallel_loop3A_85 = arith.constant 0 : i32
      %parallel_loop3A_86 = tpu.memref_slice %arg6[%parallel_loop3A_71, %parallel_loop3A_85] : memref<1000000x64xf32, #tpu.memory_space<hbm>> -> memref<1x64xf32, #tpu.memory_space<hbm>>
      %parallel_loop3A_87 = tpu.memref_squeeze %parallel_loop3A_86 : memref<1x64xf32, #tpu.memory_space<hbm>> -> memref<64xf32, #tpu.memory_space<hbm>>
      tpu.enqueue_dma source(%parallel_loop3A_87 : memref<64xf32, #tpu.memory_space<hbm>>) target(%parallel_loop3A_84 : memref<64xf32, #tpu.memory_space<vmem>>) target_semaphore(%arg12 : memref<!tpu.dma_semaphore, #tpu.memory_space<semaphore_mem>>)
      %parallel_loop3A_88 = vector.extract_strided_slice %parallel_loop3A_33 {offsets = [3], sizes = [1], strides = [1]} : vector<16xi32> to vector<1xi32>
      %parallel_loop3A_89 = vector.extract %parallel_loop3A_88[0] : i32 from vector<1xi32>
      %parallel_loop3A_90 = arith.constant 16 : i32
      %parallel_loop3A_91 = arith.muli %parallel_loop3A_28, %parallel_loop3A_90 : i32
      %parallel_loop3A_92 = arith.constant 3 : i32
      %parallel_loop3A_93 = arith.addi %parallel_loop3A_91, %parallel_loop3A_92 : i32
      %parallel_loop3A_94 = arith.constant 0 : i32
      %parallel_loop3A_95 = tpu.memref_slice %arg11[%parallel_loop3A_93, %parallel_loop3A_94] : memref<512x64xf32, #tpu.memory_space<vmem>> -> memref<1x64xf32, #tpu.memory_space<vmem>>
      %parallel_loop3A_96 = tpu.memref_squeeze %parallel_loop3A_95 : memref<1x64xf32, #tpu.memory_space<vmem>> -> memref<64xf32, #tpu.memory_space<vmem>>
      %parallel_loop3A_97 = arith.constant 0 : i32
      %parallel_loop3A_98 = tpu.memref_slice %arg6[%parallel_loop3A_89, %parallel_loop3A_97] : memref<1000000x64xf32, #tpu.memory_space<hbm>> -> memref<1x64xf32, #tpu.memory_space<hbm>>
      %parallel_loop3A_99 = tpu.memref_squeeze %parallel_loop3A_98 : memref<1x64xf32, #tpu.memory_space<hbm>> -> memref<64xf32, #tpu.memory_space<hbm>>
      %parallel_loop3A_100 = arith.constant 0 : i32
      %parallel_loop3A_101 = tpu.memref_slice %arg11[%parallel_loop3A_93, %parallel_loop3A_100] : memref<512x64xf32, #tpu.memory_space<vmem>> -> memref<1x64xf32, #tpu.memory_space<vmem>>
      %parallel_loop3A_102 = tpu.memref_squeeze %parallel_loop3A_101 : memref<1x64xf32, #tpu.memory_space<vmem>> -> memref<64xf32, #tpu.memory_space<vmem>>
      %parallel_loop3A_103 = arith.constant 0 : i32
      %parallel_loop3A_104 = tpu.memref_slice %arg6[%parallel_loop3A_89, %parallel_loop3A_103] : memref<1000000x64xf32, #tpu.memory_space<hbm>> -> memref<1x64xf32, #tpu.memory_space<hbm>>
      %parallel_loop3A_105 = tpu.memref_squeeze %parallel_loop3A_104 : memref<1x64xf32, #tpu.memory_space<hbm>> -> memref<64xf32, #tpu.memory_space<hbm>>
      tpu.enqueue_dma source(%parallel_loop3A_105 : memref<64xf32, #tpu.memory_space<hbm>>) target(%parallel_loop3A_102 : memref<64xf32, #tpu.memory_space<vmem>>) target_semaphore(%arg12 : memref<!tpu.dma_semaphore, #tpu.memory_space<semaphore_mem>>)
      %parallel_loop3A_106 = vector.extract_strided_slice %parallel_loop3A_33 {offsets = [4], sizes = [1], strides = [1]} : vector<16xi32> to vector<1xi32>
      %parallel_loop3A_107 = vector.extract %parallel_loop3A_106[0] : i32 from vector<1xi32>
      %parallel_loop3A_108 = arith.constant 16 : i32
      %parallel_loop3A_109 = arith.muli %parallel_loop3A_28, %parallel_loop3A_108 : i32
      %parallel_loop3A_110 = arith.constant 4 : i32
      %parallel_loop3A_111 = arith.addi %parallel_loop3A_109, %parallel_loop3A_110 : i32
      %parallel_loop3A_112 = arith.constant 0 : i32
      %parallel_loop3A_113 = tpu.memref_slice %arg11[%parallel_loop3A_111, %parallel_loop3A_112] : memref<512x64xf32, #tpu.memory_space<vmem>> -> memref<1x64xf32, #tpu.memory_space<vmem>>
      %parallel_loop3A_114 = tpu.memref_squeeze %parallel_loop3A_113 : memref<1x64xf32, #tpu.memory_space<vmem>> -> memref<64xf32, #tpu.memory_space<vmem>>
      %parallel_loop3A_115 = arith.constant 0 : i32
      %parallel_loop3A_116 = tpu.memref_slice %arg6[%parallel_loop3A_107, %parallel_loop3A_115] : memref<1000000x64xf32, #tpu.memory_space<hbm>> -> memref<1x64xf32, #tpu.memory_space<hbm>>
      %parallel_loop3A_117 = tpu.memref_squeeze %parallel_loop3A_116 : memref<1x64xf32, #tpu.memory_space<hbm>> -> memref<64xf32, #tpu.memory_space<hbm>>
      %parallel_loop3A_118 = arith.constant 0 : i32
      %parallel_loop3A_119 = tpu.memref_slice %arg11[%parallel_loop3A_111, %parallel_loop3A_118] : memref<512x64xf32, #tpu.memory_space<vmem>> -> memref<1x64xf32, #tpu.memory_space<vmem>>
      %parallel_loop3A_120 = tpu.memref_squeeze %parallel_loop3A_119 : memref<1x64xf32, #tpu.memory_space<vmem>> -> memref<64xf32, #tpu.memory_space<vmem>>
      %parallel_loop3A_121 = arith.constant 0 : i32
      %parallel_loop3A_122 = tpu.memref_slice %arg6[%parallel_loop3A_107, %parallel_loop3A_121] : memref<1000000x64xf32, #tpu.memory_space<hbm>> -> memref<1x64xf32, #tpu.memory_space<hbm>>
      %parallel_loop3A_123 = tpu.memref_squeeze %parallel_loop3A_122 : memref<1x64xf32, #tpu.memory_space<hbm>> -> memref<64xf32, #tpu.memory_space<hbm>>
      tpu.enqueue_dma source(%parallel_loop3A_123 : memref<64xf32, #tpu.memory_space<hbm>>) target(%parallel_loop3A_120 : memref<64xf32, #tpu.memory_space<vmem>>) target_semaphore(%arg12 : memref<!tpu.dma_semaphore, #tpu.memory_space<semaphore_mem>>)
      %parallel_loop3A_124 = vector.extract_strided_slice %parallel_loop3A_33 {offsets = [5], sizes = [1], strides = [1]} : vector<16xi32> to vector<1xi32>
      %parallel_loop3A_125 = vector.extract %parallel_loop3A_124[0] : i32 from vector<1xi32>
      %parallel_loop3A_126 = arith.constant 16 : i32
      %parallel_loop3A_127 = arith.muli %parallel_loop3A_28, %parallel_loop3A_126 : i32
      %parallel_loop3A_128 = arith.constant 5 : i32
      %parallel_loop3A_129 = arith.addi %parallel_loop3A_127, %parallel_loop3A_128 : i32
      %parallel_loop3A_130 = arith.constant 0 : i32
      %parallel_loop3A_131 = tpu.memref_slice %arg11[%parallel_loop3A_129, %parallel_loop3A_130] : memref<512x64xf32, #tpu.memory_space<vmem>> -> memref<1x64xf32, #tpu.memory_space<vmem>>
      %parallel_loop3A_132 = tpu.memref_squeeze %parallel_loop3A_131 : memref<1x64xf32, #tpu.memory_space<vmem>> -> memref<64xf32, #tpu.memory_space<vmem>>
      %parallel_loop3A_133 = arith.constant 0 : i32
      %parallel_loop3A_134 = tpu.memref_slice %arg6[%parallel_loop3A_125, %parallel_loop3A_133] : memref<1000000x64xf32, #tpu.memory_space<hbm>> -> memref<1x64xf32, #tpu.memory_space<hbm>>
      %parallel_loop3A_135 = tpu.memref_squeeze %parallel_loop3A_134 : memref<1x64xf32, #tpu.memory_space<hbm>> -> memref<64xf32, #tpu.memory_space<hbm>>
      %parallel_loop3A_136 = arith.constant 0 : i32
      %parallel_loop3A_137 = tpu.memref_slice %arg11[%parallel_loop3A_129, %parallel_loop3A_136] : memref<512x64xf32, #tpu.memory_space<vmem>> -> memref<1x64xf32, #tpu.memory_space<vmem>>
      %parallel_loop3A_138 = tpu.memref_squeeze %parallel_loop3A_137 : memref<1x64xf32, #tpu.memory_space<vmem>> -> memref<64xf32, #tpu.memory_space<vmem>>
      %parallel_loop3A_139 = arith.constant 0 : i32
      %parallel_loop3A_140 = tpu.memref_slice %arg6[%parallel_loop3A_125, %parallel_loop3A_139] : memref<1000000x64xf32, #tpu.memory_space<hbm>> -> memref<1x64xf32, #tpu.memory_space<hbm>>
      %parallel_loop3A_141 = tpu.memref_squeeze %parallel_loop3A_140 : memref<1x64xf32, #tpu.memory_space<hbm>> -> memref<64xf32, #tpu.memory_space<hbm>>
      tpu.enqueue_dma source(%parallel_loop3A_141 : memref<64xf32, #tpu.memory_space<hbm>>) target(%parallel_loop3A_138 : memref<64xf32, #tpu.memory_space<vmem>>) target_semaphore(%arg12 : memref<!tpu.dma_semaphore, #tpu.memory_space<semaphore_mem>>)
      %parallel_loop3A_142 = vector.extract_strided_slice %parallel_loop3A_33 {offsets = [6], sizes = [1], strides = [1]} : vector<16xi32> to vector<1xi32>
      %parallel_loop3A_143 = vector.extract %parallel_loop3A_142[0] : i32 from vector<1xi32>
      %parallel_loop3A_144 = arith.constant 16 : i32
      %parallel_loop3A_145 = arith.muli %parallel_loop3A_28, %parallel_loop3A_144 : i32
      %parallel_loop3A_146 = arith.constant 6 : i32
      %parallel_loop3A_147 = arith.addi %parallel_loop3A_145, %parallel_loop3A_146 : i32
      %parallel_loop3A_148 = arith.constant 0 : i32
      %parallel_loop3A_149 = tpu.memref_slice %arg11[%parallel_loop3A_147, %parallel_loop3A_148] : memref<512x64xf32, #tpu.memory_space<vmem>> -> memref<1x64xf32, #tpu.memory_space<vmem>>
      %parallel_loop3A_150 = tpu.memref_squeeze %parallel_loop3A_149 : memref<1x64xf32, #tpu.memory_space<vmem>> -> memref<64xf32, #tpu.memory_space<vmem>>
      %parallel_loop3A_151 = arith.constant 0 : i32
      %parallel_loop3A_152 = tpu.memref_slice %arg6[%parallel_loop3A_143, %parallel_loop3A_151] : memref<1000000x64xf32, #tpu.memory_space<hbm>> -> memref<1x64xf32, #tpu.memory_space<hbm>>
      %parallel_loop3A_153 = tpu.memref_squeeze %parallel_loop3A_152 : memref<1x64xf32, #tpu.memory_space<hbm>> -> memref<64xf32, #tpu.memory_space<hbm>>
      %parallel_loop3A_154 = arith.constant 0 : i32
      %parallel_loop3A_155 = tpu.memref_slice %arg11[%parallel_loop3A_147, %parallel_loop3A_154] : memref<512x64xf32, #tpu.memory_space<vmem>> -> memref<1x64xf32, #tpu.memory_space<vmem>>
      %parallel_loop3A_156 = tpu.memref_squeeze %parallel_loop3A_155 : memref<1x64xf32, #tpu.memory_space<vmem>> -> memref<64xf32, #tpu.memory_space<vmem>>
      %parallel_loop3A_157 = arith.constant 0 : i32
      %parallel_loop3A_158 = tpu.memref_slice %arg6[%parallel_loop3A_143, %parallel_loop3A_157] : memref<1000000x64xf32, #tpu.memory_space<hbm>> -> memref<1x64xf32, #tpu.memory_space<hbm>>
      %parallel_loop3A_159 = tpu.memref_squeeze %parallel_loop3A_158 : memref<1x64xf32, #tpu.memory_space<hbm>> -> memref<64xf32, #tpu.memory_space<hbm>>
      tpu.enqueue_dma source(%parallel_loop3A_159 : memref<64xf32, #tpu.memory_space<hbm>>) target(%parallel_loop3A_156 : memref<64xf32, #tpu.memory_space<vmem>>) target_semaphore(%arg12 : memref<!tpu.dma_semaphore, #tpu.memory_space<semaphore_mem>>)
      %parallel_loop3A_160 = vector.extract_strided_slice %parallel_loop3A_33 {offsets = [7], sizes = [1], strides = [1]} : vector<16xi32> to vector<1xi32>
      %parallel_loop3A_161 = vector.extract %parallel_loop3A_160[0] : i32 from vector<1xi32>
      %parallel_loop3A_162 = arith.constant 16 : i32
      %parallel_loop3A_163 = arith.muli %parallel_loop3A_28, %parallel_loop3A_162 : i32
      %parallel_loop3A_164 = arith.constant 7 : i32
      %parallel_loop3A_165 = arith.addi %parallel_loop3A_163, %parallel_loop3A_164 : i32
      %parallel_loop3A_166 = arith.constant 0 : i32
      %parallel_loop3A_167 = tpu.memref_slice %arg11[%parallel_loop3A_165, %parallel_loop3A_166] : memref<512x64xf32, #tpu.memory_space<vmem>> -> memref<1x64xf32, #tpu.memory_space<vmem>>
      %parallel_loop3A_168 = tpu.memref_squeeze %parallel_loop3A_167 : memref<1x64xf32, #tpu.memory_space<vmem>> -> memref<64xf32, #tpu.memory_space<vmem>>
      %parallel_loop3A_169 = arith.constant 0 : i32
      %parallel_loop3A_170 = tpu.memref_slice %arg6[%parallel_loop3A_161, %parallel_loop3A_169] : memref<1000000x64xf32, #tpu.memory_space<hbm>> -> memref<1x64xf32, #tpu.memory_space<hbm>>
      %parallel_loop3A_171 = tpu.memref_squeeze %parallel_loop3A_170 : memref<1x64xf32, #tpu.memory_space<hbm>> -> memref<64xf32, #tpu.memory_space<hbm>>
      %parallel_loop3A_172 = arith.constant 0 : i32
      %parallel_loop3A_173 = tpu.memref_slice %arg11[%parallel_loop3A_165, %parallel_loop3A_172] : memref<512x64xf32, #tpu.memory_space<vmem>> -> memref<1x64xf32, #tpu.memory_space<vmem>>
      %parallel_loop3A_174 = tpu.memref_squeeze %parallel_loop3A_173 : memref<1x64xf32, #tpu.memory_space<vmem>> -> memref<64xf32, #tpu.memory_space<vmem>>
      %parallel_loop3A_175 = arith.constant 0 : i32
      %parallel_loop3A_176 = tpu.memref_slice %arg6[%parallel_loop3A_161, %parallel_loop3A_175] : memref<1000000x64xf32, #tpu.memory_space<hbm>> -> memref<1x64xf32, #tpu.memory_space<hbm>>
      %parallel_loop3A_177 = tpu.memref_squeeze %parallel_loop3A_176 : memref<1x64xf32, #tpu.memory_space<hbm>> -> memref<64xf32, #tpu.memory_space<hbm>>
      tpu.enqueue_dma source(%parallel_loop3A_177 : memref<64xf32, #tpu.memory_space<hbm>>) target(%parallel_loop3A_174 : memref<64xf32, #tpu.memory_space<vmem>>) target_semaphore(%arg12 : memref<!tpu.dma_semaphore, #tpu.memory_space<semaphore_mem>>)
      %parallel_loop3A_178 = vector.extract_strided_slice %parallel_loop3A_33 {offsets = [8], sizes = [1], strides = [1]} : vector<16xi32> to vector<1xi32>
      %parallel_loop3A_179 = vector.extract %parallel_loop3A_178[0] : i32 from vector<1xi32>
      %parallel_loop3A_180 = arith.constant 16 : i32
      %parallel_loop3A_181 = arith.muli %parallel_loop3A_28, %parallel_loop3A_180 : i32
      %parallel_loop3A_182 = arith.constant 8 : i32
      %parallel_loop3A_183 = arith.addi %parallel_loop3A_181, %parallel_loop3A_182 : i32
      %parallel_loop3A_184 = arith.constant 0 : i32
      %parallel_loop3A_185 = tpu.memref_slice %arg11[%parallel_loop3A_183, %parallel_loop3A_184] : memref<512x64xf32, #tpu.memory_space<vmem>> -> memref<1x64xf32, #tpu.memory_space<vmem>>
      %parallel_loop3A_186 = tpu.memref_squeeze %parallel_loop3A_185 : memref<1x64xf32, #tpu.memory_space<vmem>> -> memref<64xf32, #tpu.memory_space<vmem>>
      %parallel_loop3A_187 = arith.constant 0 : i32
      %parallel_loop3A_188 = tpu.memref_slice %arg6[%parallel_loop3A_179, %parallel_loop3A_187] : memref<1000000x64xf32, #tpu.memory_space<hbm>> -> memref<1x64xf32, #tpu.memory_space<hbm>>
      %parallel_loop3A_189 = tpu.memref_squeeze %parallel_loop3A_188 : memref<1x64xf32, #tpu.memory_space<hbm>> -> memref<64xf32, #tpu.memory_space<hbm>>
      %parallel_loop3A_190 = arith.constant 0 : i32
      %parallel_loop3A_191 = tpu.memref_slice %arg11[%parallel_loop3A_183, %parallel_loop3A_190] : memref<512x64xf32, #tpu.memory_space<vmem>> -> memref<1x64xf32, #tpu.memory_space<vmem>>
      %parallel_loop3A_192 = tpu.memref_squeeze %parallel_loop3A_191 : memref<1x64xf32, #tpu.memory_space<vmem>> -> memref<64xf32, #tpu.memory_space<vmem>>
      %parallel_loop3A_193 = arith.constant 0 : i32
      %parallel_loop3A_194 = tpu.memref_slice %arg6[%parallel_loop3A_179, %parallel_loop3A_193] : memref<1000000x64xf32, #tpu.memory_space<hbm>> -> memref<1x64xf32, #tpu.memory_space<hbm>>
      %parallel_loop3A_195 = tpu.memref_squeeze %parallel_loop3A_194 : memref<1x64xf32, #tpu.memory_space<hbm>> -> memref<64xf32, #tpu.memory_space<hbm>>
      tpu.enqueue_dma source(%parallel_loop3A_195 : memref<64xf32, #tpu.memory_space<hbm>>) target(%parallel_loop3A_192 : memref<64xf32, #tpu.memory_space<vmem>>) target_semaphore(%arg12 : memref<!tpu.dma_semaphore, #tpu.memory_space<semaphore_mem>>)
      %parallel_loop3A_196 = vector.extract_strided_slice %parallel_loop3A_33 {offsets = [9], sizes = [1], strides = [1]} : vector<16xi32> to vector<1xi32>
      %parallel_loop3A_197 = vector.extract %parallel_loop3A_196[0] : i32 from vector<1xi32>
      %parallel_loop3A_198 = arith.constant 16 : i32
      %parallel_loop3A_199 = arith.muli %parallel_loop3A_28, %parallel_loop3A_198 : i32
      %parallel_loop3A_200 = arith.constant 9 : i32
      %parallel_loop3A_201 = arith.addi %parallel_loop3A_199, %parallel_loop3A_200 : i32
      %parallel_loop3A_202 = arith.constant 0 : i32
      %parallel_loop3A_203 = tpu.memref_slice %arg11[%parallel_loop3A_201, %parallel_loop3A_202] : memref<512x64xf32, #tpu.memory_space<vmem>> -> memref<1x64xf32, #tpu.memory_space<vmem>>
      %parallel_loop3A_204 = tpu.memref_squeeze %parallel_loop3A_203 : memref<1x64xf32, #tpu.memory_space<vmem>> -> memref<64xf32, #tpu.memory_space<vmem>>
      %parallel_loop3A_205 = arith.constant 0 : i32
      %parallel_loop3A_206 = tpu.memref_slice %arg6[%parallel_loop3A_197, %parallel_loop3A_205] : memref<1000000x64xf32, #tpu.memory_space<hbm>> -> memref<1x64xf32, #tpu.memory_space<hbm>>
      %parallel_loop3A_207 = tpu.memref_squeeze %parallel_loop3A_206 : memref<1x64xf32, #tpu.memory_space<hbm>> -> memref<64xf32, #tpu.memory_space<hbm>>
      %parallel_loop3A_208 = arith.constant 0 : i32
      %parallel_loop3A_209 = tpu.memref_slice %arg11[%parallel_loop3A_201, %parallel_loop3A_208] : memref<512x64xf32, #tpu.memory_space<vmem>> -> memref<1x64xf32, #tpu.memory_space<vmem>>
      %parallel_loop3A_210 = tpu.memref_squeeze %parallel_loop3A_209 : memref<1x64xf32, #tpu.memory_space<vmem>> -> memref<64xf32, #tpu.memory_space<vmem>>
      %parallel_loop3A_211 = arith.constant 0 : i32
      %parallel_loop3A_212 = tpu.memref_slice %arg6[%parallel_loop3A_197, %parallel_loop3A_211] : memref<1000000x64xf32, #tpu.memory_space<hbm>> -> memref<1x64xf32, #tpu.memory_space<hbm>>
      %parallel_loop3A_213 = tpu.memref_squeeze %parallel_loop3A_212 : memref<1x64xf32, #tpu.memory_space<hbm>> -> memref<64xf32, #tpu.memory_space<hbm>>
      tpu.enqueue_dma source(%parallel_loop3A_213 : memref<64xf32, #tpu.memory_space<hbm>>) target(%parallel_loop3A_210 : memref<64xf32, #tpu.memory_space<vmem>>) target_semaphore(%arg12 : memref<!tpu.dma_semaphore, #tpu.memory_space<semaphore_mem>>)
      %parallel_loop3A_214 = vector.extract_strided_slice %parallel_loop3A_33 {offsets = [10], sizes = [1], strides = [1]} : vector<16xi32> to vector<1xi32>
      %parallel_loop3A_215 = vector.extract %parallel_loop3A_214[0] : i32 from vector<1xi32>
      %parallel_loop3A_216 = arith.constant 16 : i32
      %parallel_loop3A_217 = arith.muli %parallel_loop3A_28, %parallel_loop3A_216 : i32
      %parallel_loop3A_218 = arith.constant 10 : i32
      %parallel_loop3A_219 = arith.addi %parallel_loop3A_217, %parallel_loop3A_218 : i32
      %parallel_loop3A_220 = arith.constant 0 : i32
      %parallel_loop3A_221 = tpu.memref_slice %arg11[%parallel_loop3A_219, %parallel_loop3A_220] : memref<512x64xf32, #tpu.memory_space<vmem>> -> memref<1x64xf32, #tpu.memory_space<vmem>>
      %parallel_loop3A_222 = tpu.memref_squeeze %parallel_loop3A_221 : memref<1x64xf32, #tpu.memory_space<vmem>> -> memref<64xf32, #tpu.memory_space<vmem>>
      %parallel_loop3A_223 = arith.constant 0 : i32
      %parallel_loop3A_224 = tpu.memref_slice %arg6[%parallel_loop3A_215, %parallel_loop3A_223] : memref<1000000x64xf32, #tpu.memory_space<hbm>> -> memref<1x64xf32, #tpu.memory_space<hbm>>
      %parallel_loop3A_225 = tpu.memref_squeeze %parallel_loop3A_224 : memref<1x64xf32, #tpu.memory_space<hbm>> -> memref<64xf32, #tpu.memory_space<hbm>>
      %parallel_loop3A_226 = arith.constant 0 : i32
      %parallel_loop3A_227 = tpu.memref_slice %arg11[%parallel_loop3A_219, %parallel_loop3A_226] : memref<512x64xf32, #tpu.memory_space<vmem>> -> memref<1x64xf32, #tpu.memory_space<vmem>>
      %parallel_loop3A_228 = tpu.memref_squeeze %parallel_loop3A_227 : memref<1x64xf32, #tpu.memory_space<vmem>> -> memref<64xf32, #tpu.memory_space<vmem>>
      %parallel_loop3A_229 = arith.constant 0 : i32
      %parallel_loop3A_230 = tpu.memref_slice %arg6[%parallel_loop3A_215, %parallel_loop3A_229] : memref<1000000x64xf32, #tpu.memory_space<hbm>> -> memref<1x64xf32, #tpu.memory_space<hbm>>
      %parallel_loop3A_231 = tpu.memref_squeeze %parallel_loop3A_230 : memref<1x64xf32, #tpu.memory_space<hbm>> -> memref<64xf32, #tpu.memory_space<hbm>>
      tpu.enqueue_dma source(%parallel_loop3A_231 : memref<64xf32, #tpu.memory_space<hbm>>) target(%parallel_loop3A_228 : memref<64xf32, #tpu.memory_space<vmem>>) target_semaphore(%arg12 : memref<!tpu.dma_semaphore, #tpu.memory_space<semaphore_mem>>)
      %parallel_loop3A_232 = vector.extract_strided_slice %parallel_loop3A_33 {offsets = [11], sizes = [1], strides = [1]} : vector<16xi32> to vector<1xi32>
      %parallel_loop3A_233 = vector.extract %parallel_loop3A_232[0] : i32 from vector<1xi32>
      %parallel_loop3A_234 = arith.constant 16 : i32
      %parallel_loop3A_235 = arith.muli %parallel_loop3A_28, %parallel_loop3A_234 : i32
      %parallel_loop3A_236 = arith.constant 11 : i32
      %parallel_loop3A_237 = arith.addi %parallel_loop3A_235, %parallel_loop3A_236 : i32
      %parallel_loop3A_238 = arith.constant 0 : i32
      %parallel_loop3A_239 = tpu.memref_slice %arg11[%parallel_loop3A_237, %parallel_loop3A_238] : memref<512x64xf32, #tpu.memory_space<vmem>> -> memref<1x64xf32, #tpu.memory_space<vmem>>
      %parallel_loop3A_240 = tpu.memref_squeeze %parallel_loop3A_239 : memref<1x64xf32, #tpu.memory_space<vmem>> -> memref<64xf32, #tpu.memory_space<vmem>>
      %parallel_loop3A_241 = arith.constant 0 : i32
      %parallel_loop3A_242 = tpu.memref_slice %arg6[%parallel_loop3A_233, %parallel_loop3A_241] : memref<1000000x64xf32, #tpu.memory_space<hbm>> -> memref<1x64xf32, #tpu.memory_space<hbm>>
      %parallel_loop3A_243 = tpu.memref_squeeze %parallel_loop3A_242 : memref<1x64xf32, #tpu.memory_space<hbm>> -> memref<64xf32, #tpu.memory_space<hbm>>
      %parallel_loop3A_244 = arith.constant 0 : i32
      %parallel_loop3A_245 = tpu.memref_slice %arg11[%parallel_loop3A_237, %parallel_loop3A_244] : memref<512x64xf32, #tpu.memory_space<vmem>> -> memref<1x64xf32, #tpu.memory_space<vmem>>
      %parallel_loop3A_246 = tpu.memref_squeeze %parallel_loop3A_245 : memref<1x64xf32, #tpu.memory_space<vmem>> -> memref<64xf32, #tpu.memory_space<vmem>>
      %parallel_loop3A_247 = arith.constant 0 : i32
      %parallel_loop3A_248 = tpu.memref_slice %arg6[%parallel_loop3A_233, %parallel_loop3A_247] : memref<1000000x64xf32, #tpu.memory_space<hbm>> -> memref<1x64xf32, #tpu.memory_space<hbm>>
      %parallel_loop3A_249 = tpu.memref_squeeze %parallel_loop3A_248 : memref<1x64xf32, #tpu.memory_space<hbm>> -> memref<64xf32, #tpu.memory_space<hbm>>
      tpu.enqueue_dma source(%parallel_loop3A_249 : memref<64xf32, #tpu.memory_space<hbm>>) target(%parallel_loop3A_246 : memref<64xf32, #tpu.memory_space<vmem>>) target_semaphore(%arg12 : memref<!tpu.dma_semaphore, #tpu.memory_space<semaphore_mem>>)
      %parallel_loop3A_250 = vector.extract_strided_slice %parallel_loop3A_33 {offsets = [12], sizes = [1], strides = [1]} : vector<16xi32> to vector<1xi32>
      %parallel_loop3A_251 = vector.extract %parallel_loop3A_250[0] : i32 from vector<1xi32>
      %parallel_loop3A_252 = arith.constant 16 : i32
      %parallel_loop3A_253 = arith.muli %parallel_loop3A_28, %parallel_loop3A_252 : i32
      %parallel_loop3A_254 = arith.constant 12 : i32
      %parallel_loop3A_255 = arith.addi %parallel_loop3A_253, %parallel_loop3A_254 : i32
      %parallel_loop3A_256 = arith.constant 0 : i32
      %parallel_loop3A_257 = tpu.memref_slice %arg11[%parallel_loop3A_255, %parallel_loop3A_256] : memref<512x64xf32, #tpu.memory_space<vmem>> -> memref<1x64xf32, #tpu.memory_space<vmem>>
      %parallel_loop3A_258 = tpu.memref_squeeze %parallel_loop3A_257 : memref<1x64xf32, #tpu.memory_space<vmem>> -> memref<64xf32, #tpu.memory_space<vmem>>
      %parallel_loop3A_259 = arith.constant 0 : i32
      %parallel_loop3A_260 = tpu.memref_slice %arg6[%parallel_loop3A_251, %parallel_loop3A_259] : memref<1000000x64xf32, #tpu.memory_space<hbm>> -> memref<1x64xf32, #tpu.memory_space<hbm>>
      %parallel_loop3A_261 = tpu.memref_squeeze %parallel_loop3A_260 : memref<1x64xf32, #tpu.memory_space<hbm>> -> memref<64xf32, #tpu.memory_space<hbm>>
      %parallel_loop3A_262 = arith.constant 0 : i32
      %parallel_loop3A_263 = tpu.memref_slice %arg11[%parallel_loop3A_255, %parallel_loop3A_262] : memref<512x64xf32, #tpu.memory_space<vmem>> -> memref<1x64xf32, #tpu.memory_space<vmem>>
      %parallel_loop3A_264 = tpu.memref_squeeze %parallel_loop3A_263 : memref<1x64xf32, #tpu.memory_space<vmem>> -> memref<64xf32, #tpu.memory_space<vmem>>
      %parallel_loop3A_265 = arith.constant 0 : i32
      %parallel_loop3A_266 = tpu.memref_slice %arg6[%parallel_loop3A_251, %parallel_loop3A_265] : memref<1000000x64xf32, #tpu.memory_space<hbm>> -> memref<1x64xf32, #tpu.memory_space<hbm>>
      %parallel_loop3A_267 = tpu.memref_squeeze %parallel_loop3A_266 : memref<1x64xf32, #tpu.memory_space<hbm>> -> memref<64xf32, #tpu.memory_space<hbm>>
      tpu.enqueue_dma source(%parallel_loop3A_267 : memref<64xf32, #tpu.memory_space<hbm>>) target(%parallel_loop3A_264 : memref<64xf32, #tpu.memory_space<vmem>>) target_semaphore(%arg12 : memref<!tpu.dma_semaphore, #tpu.memory_space<semaphore_mem>>)
      %parallel_loop3A_268 = vector.extract_strided_slice %parallel_loop3A_33 {offsets = [13], sizes = [1], strides = [1]} : vector<16xi32> to vector<1xi32>
      %parallel_loop3A_269 = vector.extract %parallel_loop3A_268[0] : i32 from vector<1xi32>
      %parallel_loop3A_270 = arith.constant 16 : i32
      %parallel_loop3A_271 = arith.muli %parallel_loop3A_28, %parallel_loop3A_270 : i32
      %parallel_loop3A_272 = arith.constant 13 : i32
      %parallel_loop3A_273 = arith.addi %parallel_loop3A_271, %parallel_loop3A_272 : i32
      %parallel_loop3A_274 = arith.constant 0 : i32
      %parallel_loop3A_275 = tpu.memref_slice %arg11[%parallel_loop3A_273, %parallel_loop3A_274] : memref<512x64xf32, #tpu.memory_space<vmem>> -> memref<1x64xf32, #tpu.memory_space<vmem>>
      %parallel_loop3A_276 = tpu.memref_squeeze %parallel_loop3A_275 : memref<1x64xf32, #tpu.memory_space<vmem>> -> memref<64xf32, #tpu.memory_space<vmem>>
      %parallel_loop3A_277 = arith.constant 0 : i32
      %parallel_loop3A_278 = tpu.memref_slice %arg6[%parallel_loop3A_269, %parallel_loop3A_277] : memref<1000000x64xf32, #tpu.memory_space<hbm>> -> memref<1x64xf32, #tpu.memory_space<hbm>>
      %parallel_loop3A_279 = tpu.memref_squeeze %parallel_loop3A_278 : memref<1x64xf32, #tpu.memory_space<hbm>> -> memref<64xf32, #tpu.memory_space<hbm>>
      %parallel_loop3A_280 = arith.constant 0 : i32
      %parallel_loop3A_281 = tpu.memref_slice %arg11[%parallel_loop3A_273, %parallel_loop3A_280] : memref<512x64xf32, #tpu.memory_space<vmem>> -> memref<1x64xf32, #tpu.memory_space<vmem>>
      %parallel_loop3A_282 = tpu.memref_squeeze %parallel_loop3A_281 : memref<1x64xf32, #tpu.memory_space<vmem>> -> memref<64xf32, #tpu.memory_space<vmem>>
      %parallel_loop3A_283 = arith.constant 0 : i32
      %parallel_loop3A_284 = tpu.memref_slice %arg6[%parallel_loop3A_269, %parallel_loop3A_283] : memref<1000000x64xf32, #tpu.memory_space<hbm>> -> memref<1x64xf32, #tpu.memory_space<hbm>>
      %parallel_loop3A_285 = tpu.memref_squeeze %parallel_loop3A_284 : memref<1x64xf32, #tpu.memory_space<hbm>> -> memref<64xf32, #tpu.memory_space<hbm>>
      tpu.enqueue_dma source(%parallel_loop3A_285 : memref<64xf32, #tpu.memory_space<hbm>>) target(%parallel_loop3A_282 : memref<64xf32, #tpu.memory_space<vmem>>) target_semaphore(%arg12 : memref<!tpu.dma_semaphore, #tpu.memory_space<semaphore_mem>>)
      %parallel_loop3A_286 = vector.extract_strided_slice %parallel_loop3A_33 {offsets = [14], sizes = [1], strides = [1]} : vector<16xi32> to vector<1xi32>
      %parallel_loop3A_287 = vector.extract %parallel_loop3A_286[0] : i32 from vector<1xi32>
      %parallel_loop3A_288 = arith.constant 16 : i32
      %parallel_loop3A_289 = arith.muli %parallel_loop3A_28, %parallel_loop3A_288 : i32
      %parallel_loop3A_290 = arith.constant 14 : i32
      %parallel_loop3A_291 = arith.addi %parallel_loop3A_289, %parallel_loop3A_290 : i32
      %parallel_loop3A_292 = arith.constant 0 : i32
      %parallel_loop3A_293 = tpu.memref_slice %arg11[%parallel_loop3A_291, %parallel_loop3A_292] : memref<512x64xf32, #tpu.memory_space<vmem>> -> memref<1x64xf32, #tpu.memory_space<vmem>>
      %parallel_loop3A_294 = tpu.memref_squeeze %parallel_loop3A_293 : memref<1x64xf32, #tpu.memory_space<vmem>> -> memref<64xf32, #tpu.memory_space<vmem>>
      %parallel_loop3A_295 = arith.constant 0 : i32
      %parallel_loop3A_296 = tpu.memref_slice %arg6[%parallel_loop3A_287, %parallel_loop3A_295] : memref<1000000x64xf32, #tpu.memory_space<hbm>> -> memref<1x64xf32, #tpu.memory_space<hbm>>
      %parallel_loop3A_297 = tpu.memref_squeeze %parallel_loop3A_296 : memref<1x64xf32, #tpu.memory_space<hbm>> -> memref<64xf32, #tpu.memory_space<hbm>>
      %parallel_loop3A_298 = arith.constant 0 : i32
      %parallel_loop3A_299 = tpu.memref_slice %arg11[%parallel_loop3A_291, %parallel_loop3A_298] : memref<512x64xf32, #tpu.memory_space<vmem>> -> memref<1x64xf32, #tpu.memory_space<vmem>>
      %parallel_loop3A_300 = tpu.memref_squeeze %parallel_loop3A_299 : memref<1x64xf32, #tpu.memory_space<vmem>> -> memref<64xf32, #tpu.memory_space<vmem>>
      %parallel_loop3A_301 = arith.constant 0 : i32
      %parallel_loop3A_302 = tpu.memref_slice %arg6[%parallel_loop3A_287, %parallel_loop3A_301] : memref<1000000x64xf32, #tpu.memory_space<hbm>> -> memref<1x64xf32, #tpu.memory_space<hbm>>
      %parallel_loop3A_303 = tpu.memref_squeeze %parallel_loop3A_302 : memref<1x64xf32, #tpu.memory_space<hbm>> -> memref<64xf32, #tpu.memory_space<hbm>>
      tpu.enqueue_dma source(%parallel_loop3A_303 : memref<64xf32, #tpu.memory_space<hbm>>) target(%parallel_loop3A_300 : memref<64xf32, #tpu.memory_space<vmem>>) target_semaphore(%arg12 : memref<!tpu.dma_semaphore, #tpu.memory_space<semaphore_mem>>)
      %parallel_loop3A_304 = vector.extract_strided_slice %parallel_loop3A_33 {offsets = [15], sizes = [1], strides = [1]} : vector<16xi32> to vector<1xi32>
      %parallel_loop3A_305 = vector.extract %parallel_loop3A_304[0] : i32 from vector<1xi32>
      %parallel_loop3A_306 = arith.constant 16 : i32
      %parallel_loop3A_307 = arith.muli %parallel_loop3A_28, %parallel_loop3A_306 : i32
      %parallel_loop3A_308 = arith.constant 15 : i32
      %parallel_loop3A_309 = arith.addi %parallel_loop3A_307, %parallel_loop3A_308 : i32
      %parallel_loop3A_310 = arith.constant 0 : i32
      %parallel_loop3A_311 = tpu.memref_slice %arg11[%parallel_loop3A_309, %parallel_loop3A_310] : memref<512x64xf32, #tpu.memory_space<vmem>> -> memref<1x64xf32, #tpu.memory_space<vmem>>
      %parallel_loop3A_312 = tpu.memref_squeeze %parallel_loop3A_311 : memref<1x64xf32, #tpu.memory_space<vmem>> -> memref<64xf32, #tpu.memory_space<vmem>>
      %parallel_loop3A_313 = arith.constant 0 : i32
      %parallel_loop3A_314 = tpu.memref_slice %arg6[%parallel_loop3A_305, %parallel_loop3A_313] : memref<1000000x64xf32, #tpu.memory_space<hbm>> -> memref<1x64xf32, #tpu.memory_space<hbm>>
      %parallel_loop3A_315 = tpu.memref_squeeze %parallel_loop3A_314 : memref<1x64xf32, #tpu.memory_space<hbm>> -> memref<64xf32, #tpu.memory_space<hbm>>
      %parallel_loop3A_316 = arith.constant 0 : i32
      %parallel_loop3A_317 = tpu.memref_slice %arg11[%parallel_loop3A_309, %parallel_loop3A_316] : memref<512x64xf32, #tpu.memory_space<vmem>> -> memref<1x64xf32, #tpu.memory_space<vmem>>
      %parallel_loop3A_318 = tpu.memref_squeeze %parallel_loop3A_317 : memref<1x64xf32, #tpu.memory_space<vmem>> -> memref<64xf32, #tpu.memory_space<vmem>>
      %parallel_loop3A_319 = arith.constant 0 : i32
      %parallel_loop3A_320 = tpu.memref_slice %arg6[%parallel_loop3A_305, %parallel_loop3A_319] : memref<1000000x64xf32, #tpu.memory_space<hbm>> -> memref<1x64xf32, #tpu.memory_space<hbm>>
      %parallel_loop3A_321 = tpu.memref_squeeze %parallel_loop3A_320 : memref<1x64xf32, #tpu.memory_space<hbm>> -> memref<64xf32, #tpu.memory_space<hbm>>
      tpu.enqueue_dma source(%parallel_loop3A_321 : memref<64xf32, #tpu.memory_space<hbm>>) target(%parallel_loop3A_318 : memref<64xf32, #tpu.memory_space<vmem>>) target_semaphore(%arg12 : memref<!tpu.dma_semaphore, #tpu.memory_space<semaphore_mem>>)
    } {sc.loop_unroll_factor = 2 : i64, sc.parallel_access}
    %dma_wait3A_22 = arith.constant 0 : i32
    %dma_wait3A_23 = arith.constant 0 : i32
    %dma_wait3A_24 = tpu.memref_slice %arg6[%dma_wait3A_22, %dma_wait3A_23] : memref<1000000x64xf32, #tpu.memory_space<hbm>> -> memref<512x64xf32, #tpu.memory_space<hbm>>
    %dma_wait3A_25 = arith.constant 0 : i32
    %dma_wait3A_26 = arith.constant 0 : i32
    %dma_wait3A_27 = tpu.memref_slice %arg6[%dma_wait3A_25, %dma_wait3A_26] : memref<1000000x64xf32, #tpu.memory_space<hbm>> -> memref<512x64xf32, #tpu.memory_space<hbm>>
    tpu.wait_dma2 semaphore(%arg12 : memref<!tpu.dma_semaphore, #tpu.memory_space<semaphore_mem>>) src(%dma_wait3A_27 : memref<512x64xf32, #tpu.memory_space<hbm>>) dst(%arg11 : memref<512x64xf32, #tpu.memory_space<vmem>>)
    "tpu.region"() ({
      %run_scoped3A = tpu.sem_alloc : memref<!tpu.dma_semaphore, #tpu.memory_space<semaphore_mem>>
      %dma_start3A = arith.constant 0 : i32
      %dma_start3A_28 = tpu.memref_slice %arg9[%mul3A_2, %dma_start3A] : memref<16384x64xf32, #tpu.memory_space<hbm>> -> memref<512x64xf32, #tpu.memory_space<hbm>>
      %dma_start3A_29 = arith.constant 0 : i32
      %dma_start3A_30 = tpu.memref_slice %arg9[%mul3A_2, %dma_start3A_29] : memref<16384x64xf32, #tpu.memory_space<hbm>> -> memref<512x64xf32, #tpu.memory_space<hbm>>
      tpu.enqueue_dma source(%arg11 : memref<512x64xf32, #tpu.memory_space<vmem>>) target(%dma_start3A_30 : memref<512x64xf32, #tpu.memory_space<hbm>>) target_semaphore(%run_scoped3A : memref<!tpu.dma_semaphore, #tpu.memory_space<semaphore_mem>>)
      %dma_wait3A_31 = arith.constant 0 : i32
      %dma_wait3A_32 = tpu.memref_slice %arg9[%mul3A_2, %dma_wait3A_31] : memref<16384x64xf32, #tpu.memory_space<hbm>> -> memref<512x64xf32, #tpu.memory_space<hbm>>
      %dma_wait3A_33 = arith.constant 0 : i32
      %dma_wait3A_34 = tpu.memref_slice %arg9[%mul3A_2, %dma_wait3A_33] : memref<16384x64xf32, #tpu.memory_space<hbm>> -> memref<512x64xf32, #tpu.memory_space<hbm>>
      tpu.wait_dma2 semaphore(%run_scoped3A : memref<!tpu.dma_semaphore, #tpu.memory_space<semaphore_mem>>) src(%arg11 : memref<512x64xf32, #tpu.memory_space<vmem>>) dst(%dma_wait3A_34 : memref<512x64xf32, #tpu.memory_space<hbm>>)
      tpu.yield
    }) : () -> ()
    return
  }
}

</mosaic_0001>

<sc_bundles>
// kernel: _bprmf_gather.3.cloned.1.call-start
scs
__scs_entry_jumppad:
0x0: {  	(pc) =	sbr.rel $0x88, $3  }
0x1: {  	(tag) =	ssettag $0x0;
	lr =	simm.s32 $0x1  }
0x2: {  	[smem:$0x3F9C] =	sst lr;
	_ =	strace $0xD0000000  }
0x3: {  	_ = 	snop  }
0x4: {  	_ = 	snop  }
0x5: {  	_ = 	snop  }
0x6: {  	_ = 	snop  }
0x7: {  	_ = 	snop  }
__scs_overlays_trampoline_lowered:
0x8: {  	[smem:$0x3FAB] =	sst s0  }
0x9: {  	[smem:$0x3FAC] =	sst s1  }
0xa: {  	[smem:$0x3FAD] =	sst s2  }
0xb: {  	[smem:$0x3FAE] =	sst s3  }
0xc: {  	[smem:$0x3FAF] =	sst s4  }
0xd: {  	[smem:$0x3FB0] =	sst s5  }
0xe: {  	[smem:$0x3FB1] =	sst s6  }
0xf: {  	[smem:$0x3FB2] =	sst s7  }
0x10: {  	[smem:$0x3FB3] =	sst s8  }
0x11: {  	[smem:$0x3FB4] =	sst s9;
	s0 =	simm.s32 @!p0 $0x0  }
0x12: {  	s1 =	sld [smem:$0x3F9A];
	s0 =	simm.s32 @p0 $0x1  }
0x13: {  	[smem:$0x3FB5] =	sst s0;
	s0 =	simm.s32 @!p1 $0x0  }
0x14: {  	s2 =	sld [smem:$0x3F99];
	s0 =	simm.s32 @p1 $0x1  }
0x15: {  	[smem:$0x3FB6] =	sst s0;
	s0 =	simm.s32 @!p2 $0x0  }
0x16: {  	s3 =	sld [smem:$0x3FDB];
	s0 =	simm.s32 @p2 $0x1  }
0x17: {  	s4 =	simm.s32 $0x1BF5;
	[smem:$0x3FB8] =	sst s0  }
0x18: {  	s0 =	sld [smem:$0x3F9B];
	_ =	swait.ge [sflag:s4], $0x0  }
0x19: {  	s7 =	sld [smem:$0x3F9C]  }
0x1a: {  	s8 =	sadd.s32 $0xFFFFE003, lr  }
0x1b: {  	s9 =	sadd.s32 $0xFFFFFEF7, lr;
	s5 =	simm.s32 $0xFFFFFFFF;
	p2 =	slt.u32 s8, $0xFFFFF086  }
0x1c: {  	p1 =	slt.u32 s9, $0xF7A;
	s5 =	simm.s32 @!p2 $0x0  }
0x1d: {  	s5 =	simm.s32 @p1 $0x1;
	p0 =	seq.s32 s7, s2  }
0x1e: {  	s7 =	smul.u32 @!p0 $0xF7A, s2;
	p2 =	seq.s32 @!p0 s5, $0x0  }
0x1f: {  	s9 =	smul.u32 $0xF7A, s1;
	s8 =	simm.s32 @!p0 $0x1BF5;
	p2 =	por !p2, p0  }
0x20: {  	[sflag:s8] =	ssyncset.s32 @!p0 $0xFFFFF086;
	s6 =	sadd.s32 @!p0 s3, s7;
	s7 =	simm.s32 @!p0 $0x108  }
0x21: {  	s3 =	sadd.s32 s3, s9;
	s6 =	sadd.s32 @!p0 $0x88, s6;
	s7 =	simm.s32 @p2 $0x1082  }
0x22: {  	[simem:s7], [sflag:s8] =	dma.local @!p0 [hbm:s6], $0xF7A  }
0x23: {  	s9 =	sor.u32 $0xD0000000, s2;
	s6 =	simm.s32 $0x108;
	_ =	swait.ge @!p0 [sflag:s8], $0x0  }
0x24: {  	s3 =	sadd.s32 $0x88, s3;
	s6 =	simm.s32 @!p1 $0x1082;
	[sflag:s4] =	ssyncset.s32 $0xFFFFF086  }
0x25: {  	[simem:s6], [sflag:s4] =	dma.local [hbm:s3], $0xF7A  }
0x26: {  	[smem:$0x3F9C] =	sst s1;
	(tag) =	ssettag s2;
	_ =	strace s9  }
0x27: {  	s1 =	sld [smem:$0x3FAC]  }
0x28: {  	s2 =	sld [smem:$0x3FAD]  }
0x29: {  	s4 =	sld [smem:$0x3FAF]  }
0x2a: {  	p0 =	seq.s32 s5, $0x0;
	s5 =	sld [smem:$0x3FB0]  }
0x2b: {  	s6 =	sld [smem:$0x3FB1]  }
0x2c: {  	s7 =	sld [smem:$0x3FB2]  }
0x2d: {  	s3 =	simm.s32 $0x108;
	s8 =	sld [smem:$0x3FB3]  }
0x2e: {  	s3 =	simm.s32 @!p0 $0x1082;
	s9 =	sld [smem:$0x3FB4]  }
0x2f: {  	lr =	sadd.s32 s0, s3;
	s0 =	sld [smem:$0x3FAB]  }
0x30: {  	s3 =	sld [smem:$0x3FAE]  }
0x31: {  	[smem:$0x3FB7] =	sst s10  }
0x32: {  	s10 =	sld [smem:$0x3FB5];
	_ =	sdelay $0x3  }
0x33: {  	p0 =	seq.s32 s10, $0x1;
	s10 =	sld [smem:$0x3FB7];
	_ =	sdelay $0x3  }
0x34: {  	[smem:$0x3FB7] =	sst s10  }
0x35: {  	s10 =	sld [smem:$0x3FB6];
	_ =	sdelay $0x3  }
0x36: {  	p1 =	seq.s32 s10, $0x1;
	s10 =	sld [smem:$0x3FB7];
	_ =	sdelay $0x3  }
0x37: {  	[smem:$0x3FB7] =	sst s10  }
0x38: {  	s10 =	sld [smem:$0x3FB8]  }
0x39: {  	_ = 	snop;
	(pc) =	sbr.ind lr, $3  }
0x3a: {  	_ = 	snop  }
0x3b: {  	_ = 	snop  }
0x3c: {  	p2 =	seq.s32 s10, $0x1;
	s10 =	sld [smem:$0x3FB7]  }
0x3d: {  	_ =	shalt  }
0x3e: {  	_ =	shalt  }
0x3f: {  	_ =	shalt  }
0x40: {  	_ =	shalt  }
0x41: {  	_ =	shalt  }
0x42: {  	_ =	shalt  }
0x43: {  	_ =	shalt  }
0x44: {  	_ =	shalt  }
0x45: {  	_ =	shalt  }
0x46: {  	_ =	shalt  }
0x47: {  	_ =	shalt  }
0x48: {  	_ =	shalt  }
0x49: {  	_ =	shalt  }
0x4a: {  	_ =	shalt  }
0x4b: {  	_ =	shalt  }
0x4c: {  	_ =	shalt  }
0x4d: {  	_ =	shalt  }
0x4e: {  	_ =	shalt  }
0x4f: {  	_ =	shalt  }
0x50: {  	_ =	shalt  }
0x51: {  	_ =	shalt  }
0x52: {  	_ =	shalt  }
0x53: {  	_ =	shalt  }
0x54: {  	_ =	shalt  }
0x55: {  	_ =	shalt  }
0x56: {  	_ =	shalt  }
0x57: {  	_ =	shalt  }
0x58: {  	_ =	shalt  }
0x59: {  	_ =	shalt  }
0x5a: {  	_ =	shalt  }
0x5b: {  	_ =	shalt  }
0x5c: {  	_ =	shalt  }
0x5d: {  	_ =	shalt  }
0x5e: {  	_ =	shalt  }
0x5f: {  	_ =	shalt  }
0x60: {  	_ =	shalt  }
0x61: {  	_ =	shalt  }
0x62: {  	_ =	shalt  }
0x63: {  	_ =	shalt  }
0x64: {  	_ =	shalt  }
0x65: {  	_ =	shalt  }
0x66: {  	_ =	shalt  }
0x67: {  	_ =	shalt  }
0x68: {  	_ =	shalt  }
0x69: {  	_ =	shalt  }
0x6a: {  	_ =	shalt  }
0x6b: {  	_ =	shalt  }
0x6c: {  	_ =	shalt  }
0x6d: {  	_ =	shalt  }
0x6e: {  	_ =	shalt  }
0x6f: {  	_ =	shalt  }
0x70: {  	_ =	shalt  }
0x71: {  	_ =	shalt  }
0x72: {  	_ =	shalt  }
0x73: {  	_ =	shalt  }
0x74: {  	_ =	shalt  }
0x75: {  	_ =	shalt  }
0x76: {  	_ =	shalt  }
0x77: {  	_ =	shalt  }
0x78: {  	_ =	shalt  }
0x79: {  	_ =	shalt  }
0x7a: {  	_ =	shalt  }
0x7b: {  	_ =	shalt  }
0x7c: {  	_ =	shalt  }
0x7d: {  	_ =	shalt  }
0x7e: {  	_ =	shalt  }
0x7f: {  	_ =	shalt  }
0x80: {  	_ =	shalt  }
0x81: {  	_ =	shalt  }
0x82: {  	_ =	shalt  }
0x83: {  	_ =	shalt  }
0x84: {  	_ =	shalt  }
0x85: {  	_ =	shalt  }
0x86: {  	_ =	shalt  }
0x87: {  	_ =	shalt  }
.Lfunc_end0:
.L_simem_size_0:
called_computation_lowered:
.L_overlay_start_0:
0x88: {  	s2 =	sld [smem:$0x3FD9]  }
0x89: {  	s3 =	sld [smem:$0x3FFE];
	_ =	sdelay $0x1  }
0x8a: {  	s1 =	srdreg.scid  }
0x8b: {  	s0 =	sand.u32 $0x1, s1  }
0x8c: {  	s17 =	sshll.u32 s0, $0xA;
	s2 =	sadd.s32 s3, s2  }
0x8d: {  	s2 =	sadd.s32 s2, s17  }
0x8e: {  	[smem:$0x3FC3] =	sst s2  }
0x8f: {  	_ = 	snop  }
0x90: {  	s2 =	sld [smem:$0x3FC9]  }
0x91: {  	s18 =	sld [smem:$0x3FC8]  }
0x92: {  	s4 =	sld [smem:$0x3FC7];
	(tm) =	ssettm $0x1  }
0x93: {  	s5 =	sld [smem:$0x3FFB];
	_ =	sdelay $0x3  }
0x94: {  	_ =	strace s5  }
0x95: {  	s5 =	sld [smem:$0x3FFC];
	_ =	sdelay $0x3  }
0x96: {  	_ =	strace s5  }
0x97: {  	s5 =	sld [smem:$0x3FFD];
	_ =	sdelay $0x3  }
0x98: {  	_ =	strace s5  }
0x99: {  	_ =	strace $0x8FFFFFFF  }
0x9a: {  	s19 =	sld [smem:$0x3FDB];
	_ =	sdelay $0x1  }
0x9b: {  	s6 =	simm.s32 $_scs_section_size  }
0x9c: {  	s7 =	simm.s32 $_size__tile_overlayer_lowered;
	s8 =	simm.s32 $_tile_overlayer_lowered  }
0x9d: {  	s22 =	simm.s32 $0x1BFF;
	s21 =	sshll.u32 s8, $0x1;
	s5 =	sadd.s32 s6, s19  }
0x9e: {  	s9 =	simm.s32 $0x0;
	s20 =	sshll.u32 s7, $0x1;
	s7 =	sadd.s32 s21, s5  }
0x9f: {  	[timem:s9], [sflag:s22] =	dma.local [hbm:s7], s20  }
0xa0: {  	_ =	swait.ge [sflag:s22], s20  }
0xa1: {  	s6 =	ssub.s32 $0x0, s20;
	[sflag:s22] =	ssyncset.done $0x0  }
0xa2: {  	[sflag:s22] =	ssyncadd.s32 s6;
	_ =	sdelay $0x1  }
0xa3: {  	s23 =	simm.s32 $0x1B8B  }
0xa4: {  	_ =	swait.ge [sflag:s23], $0x1  }
0xa5: {  	[sflag:s23] =	ssyncset.done $0x0  }
0xa6: {  	s25 =	simm.s32 $0x1B8E;
	s24 =	sld [smem:$0x3FFE];
	[sflag:s23] =	ssyncadd.s32 $0xFFFFFFFF  }
0xa7: {  	s26 =	simm.s32 $execute0_lowered;
	[smem:$0x3FD2] =	sst s25  }
0xa8: {  	s7 =	sshll.u32 s26, $0x1;
	_ =	strace $0x80000046;
	[dreg:$0x1] =	wrdreg $0xFFFFFFFF  }
0xa9: {  	s28 =	simm.s32 $_size_execute0_lowered;
	s5 =	sadd.s32 s5, s7;
	[dreg:$0x0] =	wrdreg $0x0  }
0xaa: {  	s7 =	sshll.u32 s28, $0x1;
	[dreg:$0x2] =	wrdreg s5  }
0xab: {  	[dreg:$0x3] =	wrdreg s7  }
0xac: {  	[dreg:$0x4] =	wrdreg $0xC0  }
0xad: {  	_ =	task [dreg:s9], $0x5FFFF  }
0xae: {  	[dreg:$0x1] =	wrdreg $0xFFFFFFFF  }
0xaf: {  	[dreg:$0x0] =	wrdreg $0x60  }
0xb0: {  	[dreg:$0x2] =	wrdreg s2  }
0xb1: {  	[dreg:$0x3] =	wrdreg s18  }
0xb2: {  	[dreg:$0x4] =	wrdreg s4  }
0xb3: {  	[dreg:$0x5] =	wrdreg s24  }
0xb4: {  	[dreg:$0x6] =	wrdreg $0x9  }
0xb5: {  	_ =	task.clear_ibuf [dreg:s9], $0x7FFFF;
	_ =	strace $0x90000046  }
0xb6: {  	s29 =	simm.s32 $0x9;
	_ =	strace $0x80000048  }
0xb7: {  	_ =	swait.ge [sflag:s29], $0x1  }
0xb8: {  	[sflag:s29] =	ssyncadd.s32 $0xFFFFFFFF  }
0xb9: {  	_ =	strace $0x90000048  }
0xba: {  	_ =	sfence  }
0xbb: {  	s30 =	sld [smem:$0x0];
	_ =	sdelay $0x2  }
0xbc: {  	s31 =	sshll.u32 s1, $0xD;
	s1 =	sshrl.u32 s1, $0x2  }
0xbd: {  	s3 =	sand.u32 $0x4000, s31;
	s1 =	sadd.s32 s1, s30  }
0xbe: {  	s0 =	sor.u32 s3, s0;
	s1 =	sshll.u32 s1, $0x11  }
0xbf: {  	s0 =	sor.u32 s1, s0  }
0xc0: {  	s0 =	sadd.s32 $0x8F2B, s0  }
0xc1: {  	[sflag:s0] =	ssyncadd.remote.s32 $0x1  }
0xc2: {  	_ =	sfence.sel $0xFFFF  }
0xc3: {  	[dreg:$0x0] =	wrdreg $0xFFFFFFFF;
	(pc) =	sbr.abs _section_cstart, $3  }
0xc4: {  	[dreg:$0x1] =	wrdreg $0xFFFFFFFF  }
0xc5: {  	_ =	task.clear_ibuf [dreg:s9], $0x2FFFF;
	_ =	strace $0x9FFFFFFF  }
0xc6: {  	(tm) =	ssettm $0x7FFFFFFF  }
0xc7: {  	_ =	shalt  }
tec
execute0_lowered:
.L_overlay_start_1:
0x0: {  	(tag) =	ssettag $0x1  }
0x1: {  	s0 =	rddreg [dreg:$0x0]  }
0x2: {  	s1 =	rddreg [dreg:$0x1]  }
0x3: {  	s5 =	rddreg [dreg:$0x2];
	s3 =	srdreg.scid  }
0x4: {  	s6 =	rddreg [dreg:$0x3];
	s4 =	stileid.u32;
	s7 =	sand.u32 $0x1, s3  }
0x5: {  	s2 =	simm.s32 $0x0;
	s4 =	sshll.u32 s4, $0xA;
	s8 =	sshll.u32 s7, $0x9  }
0x6: {  	[smem:$0x7FF] =	sst s2;
	s3 =	sadd.s32 $0x1200, s6;
	s8 =	sor.u32 s8, s4  }
0x7: {  	_ =	strace $0x80000047;
	s9 =	sshll.u32 s8, $0x4;
	s8 =	sshrl.u32 s8, $0x3  }
0x8: {  	s7 =	ssub.s32 $0x2, s7;
	s4 =	sadd.s32 $0xF43600, s6;
	s0 =	sadd.s32 s0, s8  }
0x9: {  	s24 =	sshrl.u32 s7, $0x1;
	s26 =	sadd.s32 s1, s8;
	[dreg:$0xb] =	wrdreg s0  }
0xa: {  	s7 =	ssub.s32 s7, s24;
	s29 =	sadd.s32 s5, s8;
	[dreg:$0xd] =	wrdreg s26  }
0xb: {  	s6 =	sadd.s32 s9, s6;
	s31 =	smax.u32 s7, $0x1;
	[dreg:$0xf] =	wrdreg s29  }
0xc: {  	s25 =	sadd.s32 $0x1E85A00, s6;
	[dreg:$0x11] =	wrdreg s31  }
0xd: {  	s28 =	sadd.s32 $0x1EC5A00, s6;
	[dreg:$0xc] =	wrdreg s25  }
0xe: {  	s30 =	sadd.s32 $0x1F05A00, s6;
	[dreg:$0xe] =	wrdreg s28  }
0xf: {  	s1 =	simm.s32 $0x2;
	s5 =	simm.s32 $0x0;
	[dreg:$0x10] =	wrdreg s30  }
.LBB2_1:
0x10: {  	[dreg:$0x12] =	wrdreg s5  }
0x11: {  	s0 =	rddreg [dreg:$0xb]  }
0x12: {  	[tilespmem:s2], [sflag:$0x2] =	stream.linear.gather [hbm4b:s0+s2], $0x200, $0x38;
	[tilespmem:$0x10200] =	vst v63  }
0x13: {  	_ =	swait.ge [sflag:s1], $0x200  }
0x14: {  	[sflag:s1] =	ssyncset.done $0x0  }
0x15: {  	s24 =	simm.s32 $0x10;
	[sflag:s1] =	ssyncadd.s32 $0xFFFFFE00  }
0x16: {  	v0 =	vld [tilespmem:s24+$0xFFFFFFF0];
	_ =	sdelay $0x4  }
0x17: {  	v0 =	vshll.u32 v0, $0x4  }
0x18: {  	(v2sf) =	vpush v0, $0x0  }
0x19: {  	(v2sf) =	vpush v0, $0x1  }
0x1a: {  	(v2sf) =	vpush v0, $0x2;
	_ =	sdelay $0x1  }
0x1b: {  	(v2sf) =	vpush v0, $0x3  }
0x1c: {  	(v2sf) =	vpush v0, $0x4;
	_ =	sdelay $0x1  }
0x1d: {  	(v2sf) =	vpush v0, $0x5;
	_ =	sdelay $0x3  }
0x1e: {  	(v2sf) =	vpush v0, $0x6;
	_ =	sdelay $0x1  }
0x1f: {  	s16 =	simm.s32 $0xA00;
	s20 =	simm.s32 $0x380  }
0x20: {  	s21 =	simm.s32 $0x280;
	s22 =	simm.s32 $0x300;
	s7 =	simm.s32 $0x200  }
0x21: {  	s10 =	simm.s32 $0x400;
	s18 =	simm.s32 $0x30;
	s6 =	spop (v2sf);
	(v2sf) =	vpush v0, $0x7  }
0x22: {  	s13 =	simm.s32 $0x480;
	s6 =	sand.u32 $0x1FFFFFF0, s6;
	s8 =	spop (v2sf)  }
0x23: {  	s19 =	simm.s32 $0x880;
	(v2sf) =	vpush v0, $0x8;
	s6 =	sadd.s32 s3, s6;
	s9 =	spop (v2sf)  }
0x24: {  	[tilespmem:s7], [sflag:$0x1] =	stream.linear.gather [hbm4b:s6+s2], $0x80, $0x38;
	[tilespmem:$0x10200] =	vst v63  }
0x25: {  	s17 =	simm.s32 $0x500;
	s8 =	sand.u32 $0x1FFFFFF0, s8;
	s26 =	spop (v2sf)  }
0x26: {  	(v2sf) =	vpush v0, $0x9;
	s23 =	sadd.s32 s3, s8;
	s25 =	sand.u32 $0x1FFFFFF0, s9;
	s31 =	spop (v2sf)  }
0x27: {  	[tilespmem:s21], [sflag:$0x1] =	stream.linear.gather [hbm4b:s23+s2], $0x80, $0x38;
	[tilespmem:$0x10200] =	vst v63  }
0x28: {  	s28 =	sadd.s32 s3, s25;
	s30 =	sand.u32 $0x1FFFFFF0, s26;
	s9 =	spop (v2sf);
	(v2sf) =	vpush v0, $0xA  }
0x29: {  	[tilespmem:s22], [sflag:$0x1] =	stream.linear.gather [hbm4b:s28+s2], $0x80, $0x38;
	[tilespmem:$0x10200] =	vst v63  }
0x2a: {  	s29 =	simm.s32 $0x680;
	s6 =	sadd.s32 s3, s30;
	s8 =	sand.u32 $0x1FFFFFF0, s31  }
0x2b: {  	[tilespmem:s20], [sflag:$0x1] =	stream.linear.gather [hbm4b:s6+s2], $0x80, $0x38;
	[tilespmem:$0x10200] =	vst v63  }
0x2c: {  	s11 =	sadd.s32 s3, s8;
	s12 =	sand.u32 $0x1FFFFFF0, s9;
	s15 =	spop (v2sf)  }
0x2d: {  	[tilespmem:s10], [sflag:$0x1] =	stream.linear.gather [hbm4b:s11+s2], $0x80, $0x38;
	[tilespmem:$0x10200] =	vst v63  }
0x2e: {  	s21 =	simm.s32 $0x780;
	s14 =	sadd.s32 s3, s12;
	s0 =	sand.u32 $0x1FFFFFF0, s15  }
0x2f: {  	[tilespmem:s13], [sflag:$0x1] =	stream.linear.gather [hbm4b:s14+s2], $0x80, $0x38;
	[tilespmem:$0x10200] =	vst v63  }
0x30: {  	s23 =	simm.s32 $0x580;
	s0 =	sadd.s32 s3, s0;
	s20 =	spop (v2sf)  }
0x31: {  	[tilespmem:s17], [sflag:$0x1] =	stream.linear.gather [hbm4b:s0+s2], $0x80, $0x38;
	[tilespmem:$0x10200] =	vst v63  }
0x32: {  	s28 =	simm.s32 $0x600;
	s5 =	sand.u32 $0x1FFFFFF0, s20;
	s22 =	spop (v2sf)  }
0x33: {  	(v2sf) =	vpush v0, $0xB;
	s20 =	simm.s32 $0x0;
	s25 =	sadd.s32 s3, s5;
	s26 =	sand.u32 $0x1FFFFFF0, s22  }
0x34: {  	(v2sf) =	vpush v0, $0xC;
	[tilespmem:s23], [sflag:$0x1] =	stream.linear.gather [hbm4b:s25+s2], $0x80, $0x38;
	[tilespmem:$0x10200] =	vst v63  }
0x35: {  	(v2sf) =	vpush v0, $0xD;
	s22 =	simm.s32 $0x800;
	s31 =	spop (v2sf);
	s30 =	sadd.s32 s3, s26  }
0x36: {  	(v2sf) =	vpush v0, $0xE;
	[tilespmem:s28], [sflag:$0x1] =	stream.linear.gather [hbm4b:s30+s2], $0x80, $0x38;
	[tilespmem:$0x10200] =	vst v63  }
0x37: {  	s26 =	simm.s32 $0x700;
	(v2sf) =	vpush v0, $0xF;
	s0 =	sand.u32 $0x1FFFFFF0, s31;
	s1 =	spop (v2sf)  }
.LBB2_2:
0x38: {  	_ =	sdelay $0x5  }
0x39: {  	s0 =	sadd.s32 s3, s0;
	s5 =	sand.u32 $0x1FFFFFF0, s1  }
0x3a: {  	v0 =	vld [tilespmem:s18+$0xFFFFFFF0];
	[tilespmem:s29], [sflag:$0x1] =	stream.linear.gather [hbm4b:s0+s2], $0x80, $0x38  }
0x3b: {  	s7 =	smov.u32 s24;
	s14 =	sadd.s32 s3, s5  }
0x3c: {  	[tilespmem:s26], [sflag:$0x1] =	stream.linear.gather [hbm4b:s14+s2], $0x80, $0x38;
	[tilespmem:$0x10200] =	vst v63  }
0x3d: {  	s24 =	smov.u32 s18;
	s1 =	smov.u32 s16;
	s6 =	spop (v2sf)  }
0x3e: {  	s10 =	sadd.s32 $0xFFFFFF00, s16;
	s15 =	sand.u32 $0x1FFFFFF0, s6;
	s17 =	spop (v2sf)  }
0x3f: {  	s23 =	sadd.s32 s3, s15;
	s25 =	sand.u32 $0x1FFFFFF0, s17;
	s26 =	spop (v2sf)  }
0x40: {  	v0 =	vshll.u32 v0, $0x4;
	[tilespmem:s21], [sflag:$0x1] =	stream.linear.gather [hbm4b:s23+s2], $0x80, $0x38;
	[tilespmem:$0x10200] =	vst v63  }
0x41: {  	(v2sf) =	vpush v0, $0x0;
	s28 =	sadd.s32 s3, s25;
	s30 =	sand.u32 $0x1FFFFFF0, s26;
	s31 =	spop (v2sf)  }
0x42: {  	(v2sf) =	vpush v0, $0x1;
	[tilespmem:s22], [sflag:$0x1] =	stream.linear.gather [hbm4b:s28+s2], $0x80, $0x38;
	[tilespmem:$0x10200] =	vst v63  }
0x43: {  	(v2sf) =	vpush v0, $0x2;
	s5 =	sadd.s32 s3, s30;
	s8 =	sand.u32 $0x1FFFFFF0, s31;
	s9 =	spop (v2sf)  }
0x44: {  	[tilespmem:s19], [sflag:$0x1] =	stream.linear.gather [hbm4b:s5+s2], $0x80, $0x38;
	[tilespmem:$0x10200] =	vst v63  }
0x45: {  	s11 =	sadd.s32 $0xFFFFFF80, s16;
	(v2sf) =	vpush v0, $0x3;
	s6 =	sand.u32 $0x1FFFFFF0, s9;
	s5 =	sadd.s32 s3, s8  }
0x46: {  	[tilespmem:s10], [sflag:$0x1] =	stream.linear.gather [hbm4b:s5+s2], $0x80, $0x38;
	[tilespmem:$0x10200] =	vst v63  }
0x47: {  	s18 =	sadd.s32 $0x20, s18;
	s16 =	sadd.s32 $0x1000, s16;
	(v2sf) =	vpush v0, $0x4;
	s12 =	sadd.s32 s3, s6  }
0x48: {  	[tilespmem:s11], [sflag:$0x1] =	stream.linear.gather [hbm4b:s12+s2], $0x80, $0x38;
	[tilespmem:$0x10200] =	vst v63  }
0x49: {  	s20 =	sadd.s32 $0x2, s20;
	s13 =	sadd.s32 $0x780, s1;
	s0 =	sadd.s32 $0x480, s1;
	(v2sf) =	vpush v0, $0x5;
	v1 =	vld [tilespmem:s7+$0x0]  }
0x4a: {  	s29 =	sadd.s32 $0xFFFFF880, s16;
	[dreg:$0x5] =	wrdreg s13;
	s14 =	sadd.s32 $0x700, s1  }
0x4b: {  	p0 =	slt.u32 s20, $0x1E;
	s13 =	sadd.s32 $0xFFFFF900, s16;
	[dreg:$0x8] =	wrdreg s14  }
0x4c: {  	s14 =	sadd.s32 $0x80, s1;
	s25 =	sadd.s32 $0x680, s1;
	s26 =	sadd.s32 $0xFFFFF980, s16  }
0x4d: {  	s21 =	sadd.s32 $0xFFFFFD80, s16;
	s31 =	sadd.s32 $0x500, s1;
	s30 =	sadd.s32 $0x580, s1  }
0x4e: {  	s28 =	sadd.s32 $0x600, s1;
	s9 =	sadd.s32 $0x200, s1;
	s22 =	sadd.s32 $0xFFFFFE00, s16;
	v1 =	vshll.u32 v1, $0x4  }
0x4f: {  	s6 =	sadd.s32 $0x380, s1;
	s8 =	sadd.s32 $0x280, s1;
	s19 =	sadd.s32 $0xFFFFFE80, s16;
	(v2sf) =	vpush v1, $0x0  }
0x50: {  	s5 =	sadd.s32 $0x400, s1;
	s10 =	sadd.s32 $0x180, s1;
	s15 =	spop (v2sf);
	(v2sf) =	vpush v1, $0x1  }
0x51: {  	s12 =	sadd.s32 $0xFFFFF800, s16;
	s15 =	sand.u32 $0x1FFFFFF0, s15;
	s17 =	spop (v2sf);
	(v2sf) =	vpush v1, $0x2  }
0x52: {  	s15 =	sadd.s32 s3, s15;
	s17 =	sand.u32 $0x1FFFFFF0, s17;
	s23 =	spop (v2sf)  }
0x53: {  	[tilespmem:s12], [sflag:$0x1] =	stream.linear.gather [hbm4b:s15+s2], $0x80, $0x38;
	(v2sf) =	vpush v1, $0x3;
	[tilespmem:$0x10200] =	vst v63  }
0x54: {  	s15 =	sadd.s32 s3, s17;
	s17 =	sand.u32 $0x1FFFFFF0, s23;
	s23 =	spop (v2sf)  }
0x55: {  	[tilespmem:s29], [sflag:$0x1] =	stream.linear.gather [hbm4b:s15+s2], $0x80, $0x38;
	(v2sf) =	vpush v1, $0x4;
	[tilespmem:$0x10200] =	vst v63  }
0x56: {  	s15 =	sadd.s32 s3, s17;
	s17 =	sand.u32 $0x1FFFFFF0, s23;
	s23 =	spop (v2sf)  }
0x57: {  	(v2sf) =	vpush v1, $0x5;
	[tilespmem:s13], [sflag:$0x1] =	stream.linear.gather [hbm4b:s15+s2], $0x80, $0x38;
	[tilespmem:$0x10200] =	vst v63  }
0x58: {  	s15 =	sadd.s32 s3, s17;
	s17 =	sand.u32 $0x1FFFFFF0, s23;
	s23 =	spop (v2sf)  }
0x59: {  	(v2sf) =	vpush v1, $0x6;
	[tilespmem:s26], [sflag:$0x1] =	stream.linear.gather [hbm4b:s15+s2], $0x80, $0x38;
	[tilespmem:$0x10200] =	vst v63  }
0x5a: {  	s13 =	sadd.s32 s3, s17;
	s26 =	sadd.s32 $0xFFFFFA00, s16;
	s15 =	sand.u32 $0x1FFFFFF0, s23  }
0x5b: {  	(v2sf) =	vpush v1, $0x7;
	[tilespmem:s26], [sflag:$0x1] =	stream.linear.gather [hbm4b:s13+s2], $0x80, $0x38;
	[tilespmem:$0x10200] =	vst v63  }
0x5c: {  	s11 =	sadd.s32 $0x100, s1;
	s17 =	sadd.s32 $0xFFFFFA80, s16;
	s23 =	sadd.s32 s3, s15  }
0x5d: {  	(v2sf) =	vpush v1, $0x8;
	[tilespmem:s17], [sflag:$0x1] =	stream.linear.gather [hbm4b:s23+s2], $0x80, $0x38;
	[tilespmem:$0x10200] =	vst v63  }
0x5e: {  	s7 =	sadd.s32 $0x300, s1;
	s29 =	sadd.s32 $0xFFFFFC80, s16;
	s15 =	spop (v2sf)  }
0x5f: {  	s26 =	sadd.s32 $0xFFFFFD00, s16;
	s12 =	sand.u32 $0x1FFFFFF0, s15;
	s17 =	spop (v2sf);
	(v2sf) =	vpush v1, $0x9  }
0x60: {  	s12 =	sadd.s32 s3, s12;
	s13 =	sand.u32 $0x1FFFFFF0, s17;
	s23 =	spop (v2sf)  }
0x61: {  	(v2sf) =	vpush v1, $0xA;
	[tilespmem:s1], [sflag:$0x1] =	stream.linear.gather [hbm4b:s12+s2], $0x80, $0x38;
	[tilespmem:$0x10200] =	vst v63  }
0x62: {  	s13 =	sadd.s32 s3, s13;
	s17 =	sand.u32 $0x1FFFFFF0, s23;
	s23 =	spop (v2sf)  }
0x63: {  	(v2sf) =	vpush v1, $0xB;
	[tilespmem:s14], [sflag:$0x1] =	stream.linear.gather [hbm4b:s13+s2], $0x80, $0x38;
	[tilespmem:$0x10200] =	vst v63  }
0x64: {  	s12 =	sadd.s32 s3, s17;
	s13 =	sand.u32 $0x1FFFFFF0, s23;
	s14 =	spop (v2sf)  }
0x65: {  	(v2sf) =	vpush v1, $0xC;
	[tilespmem:s11], [sflag:$0x1] =	stream.linear.gather [hbm4b:s12+s2], $0x80, $0x38;
	[tilespmem:$0x10200] =	vst v63  }
0x66: {  	s15 =	sadd.s32 s3, s13;
	s17 =	sand.u32 $0x1FFFFFF0, s14;
	s23 =	spop (v2sf)  }
0x67: {  	(v2sf) =	vpush v1, $0xD;
	[tilespmem:s10], [sflag:$0x1] =	stream.linear.gather [hbm4b:s15+s2], $0x80, $0x38;
	[tilespmem:$0x10200] =	vst v63  }
0x68: {  	s11 =	sadd.s32 s3, s17;
	s13 =	sand.u32 $0x1FFFFFF0, s23;
	s14 =	spop (v2sf)  }
0x69: {  	(v2sf) =	vpush v1, $0xE;
	[tilespmem:s9], [sflag:$0x1] =	stream.linear.gather [hbm4b:s11+s2], $0x80, $0x38;
	[tilespmem:$0x10200] =	vst v63  }
0x6a: {  	s17 =	sand.u32 $0x1FFFFFF0, s14;
	s23 =	spop (v2sf);
	s15 =	sadd.s32 s3, s13  }
0x6b: {  	[tilespmem:s8], [sflag:$0x1] =	stream.linear.gather [hbm4b:s15+s2], $0x80, $0x38;
	[tilespmem:$0x10200] =	vst v63  }
0x6c: {  	s10 =	sand.u32 $0x1FFFFFF0, s23;
	s9 =	sadd.s32 s3, s17;
	s11 =	spop (v2sf)  }
0x6d: {  	(v2sf) =	vpush v1, $0xF;
	[tilespmem:s7], [sflag:$0x1] =	stream.linear.gather [hbm4b:s9+s2], $0x80, $0x38;
	[tilespmem:$0x10200] =	vst v63  }
0x6e: {  	s12 =	sadd.s32 s3, s10;
	s13 =	sand.u32 $0x1FFFFFF0, s11;
	s14 =	spop (v2sf)  }
0x6f: {  	(v2sf) =	vpush v0, $0x6;
	[tilespmem:s6], [sflag:$0x1] =	stream.linear.gather [hbm4b:s12+s2], $0x80, $0x38;
	[tilespmem:$0x10200] =	vst v63  }
0x70: {  	s15 =	sadd.s32 s3, s13;
	s17 =	sand.u32 $0x1FFFFFF0, s14;
	s23 =	spop (v2sf)  }
0x71: {  	[tilespmem:s5], [sflag:$0x1] =	stream.linear.gather [hbm4b:s15+s2], $0x80, $0x38;
	[tilespmem:$0x10200] =	vst v63  }
0x72: {  	(v2sf) =	vpush v0, $0x7;
	s8 =	sadd.s32 s3, s17;
	s9 =	sand.u32 $0x1FFFFFF0, s23;
	s10 =	spop (v2sf)  }
0x73: {  	[tilespmem:s0], [sflag:$0x1] =	stream.linear.gather [hbm4b:s8+s2], $0x80, $0x38;
	[tilespmem:$0x10200] =	vst v63  }
0x74: {  	(v2sf) =	vpush v0, $0x8;
	s11 =	sadd.s32 s3, s9;
	s12 =	sand.u32 $0x1FFFFFF0, s10;
	s13 =	spop (v2sf)  }
0x75: {  	(v2sf) =	vpush v0, $0x9;
	[tilespmem:s31], [sflag:$0x1] =	stream.linear.gather [hbm4b:s11+s2], $0x80, $0x38;
	[tilespmem:$0x10200] =	vst v63  }
0x76: {  	s14 =	sadd.s32 s3, s12;
	s15 =	sand.u32 $0x1FFFFFF0, s13;
	s17 =	spop (v2sf)  }
0x77: {  	(v2sf) =	vpush v0, $0xA;
	[tilespmem:s30], [sflag:$0x1] =	stream.linear.gather [hbm4b:s14+s2], $0x80, $0x38;
	[tilespmem:$0x10200] =	vst v63  }
0x78: {  	s23 =	sadd.s32 s3, s15;
	s31 =	spop (v2sf);
	s30 =	sand.u32 $0x1FFFFFF0, s17  }
0x79: {  	[tilespmem:s28], [sflag:$0x1] =	stream.linear.gather [hbm4b:s23+s2], $0x80, $0x38;
	[tilespmem:$0x10200] =	vst v63  }
0x7a: {  	s9 =	sadd.s32 $0xFFFFFC00, s16;
	s7 =	sand.u32 $0x1FFFFFF0, s31;
	s6 =	sadd.s32 s3, s30  }
0x7b: {  	[tilespmem:s25], [sflag:$0x1] =	stream.linear.gather [hbm4b:s6+s2], $0x80, $0x38;
	[tilespmem:$0x10200] =	vst v63  }
0x7c: {  	s12 =	rddreg [dreg:$0x8];
	s8 =	spop (v2sf);
	s10 =	sadd.s32 s3, s7  }
0x7d: {  	[tilespmem:s12], [sflag:$0x1] =	stream.linear.gather [hbm4b:s10+s2], $0x80, $0x38;
	[tilespmem:$0x10200] =	vst v63  }
0x7e: {  	s13 =	sadd.s32 $0xFFFFFB80, s16;
	s11 =	sand.u32 $0x1FFFFFF0, s8;
	s14 =	spop (v2sf)  }
0x7f: {  	s15 =	rddreg [dreg:$0x5];
	s1 =	sadd.s32 s3, s11;
	s5 =	sand.u32 $0x1FFFFFF0, s14  }
0x80: {  	[tilespmem:s15], [sflag:$0x1] =	stream.linear.gather [hbm4b:s1+s2], $0x80, $0x38;
	[tilespmem:$0x10200] =	vst v63  }
0x81: {  	s17 =	sadd.s32 $0xFFFFFB00, s16;
	s23 =	spop (v2sf);
	s5 =	sadd.s32 s3, s5  }
0x82: {  	[tilespmem:s17], [sflag:$0x1] =	stream.linear.gather [hbm4b:s5+s2], $0x80, $0x38;
	[tilespmem:$0x10200] =	vst v63  }
.Ltmp0:
0x83: {  	(v2sf) =	vpush v0, $0xB;
	s7 =	sand.u32 $0x1FFFFFF0, s23;
	s25 =	spop (v2sf);
	(pc) =	sbr.rel @p0 .LBB2_2-.Ltmp0, $4  }
0x84: {  	(v2sf) =	vpush v0, $0xC;
	s28 =	sadd.s32 s3, s7;
	s30 =	sand.u32 $0x1FFFFFF0, s25;
	s31 =	spop (v2sf)  }
0x85: {  	(v2sf) =	vpush v0, $0xD;
	[tilespmem:s13], [sflag:$0x1] =	stream.linear.gather [hbm4b:s28+s2], $0x80, $0x38;
	[tilespmem:$0x10200] =	vst v63  }
0x86: {  	(v2sf) =	vpush v0, $0xE;
	s5 =	sadd.s32 s3, s30;
	s0 =	sand.u32 $0x1FFFFFF0, s31;
	s1 =	spop (v2sf)  }
0x87: {  	(v2sf) =	vpush v0, $0xF;
	[tilespmem:s9], [sflag:$0x1] =	stream.linear.gather [hbm4b:s5+s2], $0x80, $0x38;
	[tilespmem:$0x10200] =	vst v63  }
0x88: {  	_ =	sdelay $0x5  }
0x89: {  	s0 =	sadd.s32 s3, s0;
	s1 =	sand.u32 $0x1FFFFFF0, s1  }
0x8a: {  	[tilespmem:s29], [sflag:$0x1] =	stream.linear.gather [hbm4b:s0+s2], $0x80, $0x38;
	[tilespmem:$0x10200] =	vst v63  }
0x8b: {  	s9 =	sadd.s32 s3, s1  }
0x8c: {  	[tilespmem:s26], [sflag:$0x1] =	stream.linear.gather [hbm4b:s9+s2], $0x80, $0x38;
	[tilespmem:$0x10200] =	vst v63  }
0x8d: {  	s5 =	spop (v2sf)  }
0x8e: {  	s10 =	sand.u32 $0x1FFFFFF0, s5;
	s11 =	spop (v2sf)  }
0x8f: {  	s12 =	sadd.s32 s3, s10;
	s13 =	sand.u32 $0x1FFFFFF0, s11;
	s14 =	spop (v2sf)  }
0x90: {  	[tilespmem:s21], [sflag:$0x1] =	stream.linear.gather [hbm4b:s12+s2], $0x80, $0x38;
	[tilespmem:$0x10200] =	vst v63  }
0x91: {  	s15 =	sadd.s32 s3, s13;
	s17 =	sand.u32 $0x1FFFFFF0, s14;
	s18 =	spop (v2sf)  }
0x92: {  	[tilespmem:s22], [sflag:$0x1] =	stream.linear.gather [hbm4b:s15+s2], $0x80, $0x38;
	[tilespmem:$0x10200] =	vst v63  }
0x93: {  	s20 =	sadd.s32 s3, s17;
	s21 =	sand.u32 $0x1FFFFFF0, s18;
	s22 =	spop (v2sf)  }
0x94: {  	[tilespmem:s19], [sflag:$0x1] =	stream.linear.gather [hbm4b:s20+s2], $0x80, $0x38;
	[tilespmem:$0x10200] =	vst v63  }
0x95: {  	s23 =	sadd.s32 $0xFFFFFF00, s16;
	s1 =	sadd.s32 s3, s21;
	s5 =	sand.u32 $0x1FFFFFF0, s22  }
0x96: {  	[tilespmem:s23], [sflag:$0x1] =	stream.linear.gather [hbm4b:s1+s2], $0x80, $0x38;
	[tilespmem:$0x10200] =	vst v63  }
0x97: {  	s25 =	sadd.s32 $0xFFFFFF80, s16;
	s26 =	sadd.s32 s3, s5  }
0x98: {  	[tilespmem:s25], [sflag:$0x1] =	stream.linear.gather [hbm4b:s26+s2], $0x80, $0x38;
	[tilespmem:$0x10200] =	vst v63  }
0x99: {  	v0 =	vld [tilespmem:s24+$0x0];
	_ =	sdelay $0x4  }
0x9a: {  	v0 =	vshll.u32 v0, $0x4  }
0x9b: {  	(v2sf) =	vpush v0, $0x0  }
0x9c: {  	(v2sf) =	vpush v0, $0x1  }
0x9d: {  	(v2sf) =	vpush v0, $0x2;
	_ =	sdelay $0x1  }
0x9e: {  	(v2sf) =	vpush v0, $0x3;
	_ =	sdelay $0x1  }
0x9f: {  	(v2sf) =	vpush v0, $0x4;
	_ =	sdelay $0x1  }
0xa0: {  	(v2sf) =	vpush v0, $0x5;
	_ =	sdelay $0x1  }
0xa1: {  	(v2sf) =	vpush v0, $0x6;
	_ =	sdelay $0x1  }
0xa2: {  	s7 =	sadd.s32 $0x480, s16  }
0xa3: {  	s6 =	sadd.s32 $0x500, s16;
	s8 =	sadd.s32 $0x300, s16;
	s0 =	sadd.s32 $0x680, s16  }
0xa4: {  	s10 =	sadd.s32 $0x80, s16;
	s13 =	sadd.s32 $0x100, s16;
	s17 =	sadd.s32 $0x180, s16;
	(v2sf) =	vpush v0, $0x7  }
0xa5: {  	s22 =	sadd.s32 $0x280, s16;
	s5 =	sadd.s32 $0x580, s16;
	s9 =	spop (v2sf)  }
0xa6: {  	s19 =	sadd.s32 $0x200, s16;
	(v2sf) =	vpush v0, $0x8;
	s9 =	sand.u32 $0x1FFFFFF0, s9;
	s11 =	spop (v2sf)  }
0xa7: {  	(v2sf) =	vpush v0, $0x9;
	s9 =	sadd.s32 s3, s9;
	s11 =	sand.u32 $0x1FFFFFF0, s11;
	s12 =	spop (v2sf)  }
0xa8: {  	[tilespmem:s16], [sflag:$0x1] =	stream.linear.gather [hbm4b:s9+s2], $0x80, $0x38;
	[tilespmem:$0x10200] =	vst v63  }
0xa9: {  	(v2sf) =	vpush v0, $0xA;
	s28 =	sadd.s32 s3, s11;
	s30 =	sand.u32 $0x1FFFFFF0, s12;
	s31 =	spop (v2sf)  }
0xaa: {  	[tilespmem:s10], [sflag:$0x1] =	stream.linear.gather [hbm4b:s28+s2], $0x80, $0x38;
	[tilespmem:$0x10200] =	vst v63  }
0xab: {  	(v2sf) =	vpush v0, $0xB;
	s14 =	sadd.s32 s3, s30;
	s15 =	sand.u32 $0x1FFFFFF0, s31;
	s18 =	spop (v2sf)  }
0xac: {  	[tilespmem:s13], [sflag:$0x1] =	stream.linear.gather [hbm4b:s14+s2], $0x80, $0x38;
	[tilespmem:$0x10200] =	vst v63  }
0xad: {  	(v2sf) =	vpush v0, $0xC;
	s11 =	sadd.s32 s3, s15;
	s10 =	sand.u32 $0x1FFFFFF0, s18;
	s20 =	spop (v2sf)  }
0xae: {  	[tilespmem:s17], [sflag:$0x1] =	stream.linear.gather [hbm4b:s11+s2], $0x80, $0x38;
	[tilespmem:$0x10200] =	vst v63  }
0xaf: {  	(v2sf) =	vpush v0, $0xD;
	s10 =	sadd.s32 s3, s10;
	s21 =	spop (v2sf);
	s11 =	sand.u32 $0x1FFFFFF0, s20  }
0xb0: {  	[tilespmem:s19], [sflag:$0x1] =	stream.linear.gather [hbm4b:s10+s2], $0x80, $0x38;
	[tilespmem:$0x10200] =	vst v63  }
0xb1: {  	s1 =	sadd.s32 $0x600, s16;
	(v2sf) =	vpush v0, $0xE;
	s24 =	sand.u32 $0x1FFFFFF0, s21;
	s23 =	sadd.s32 s3, s11  }
0xb2: {  	[tilespmem:s22], [sflag:$0x1] =	stream.linear.gather [hbm4b:s23+s2], $0x80, $0x38;
	[tilespmem:$0x10200] =	vst v63  }
0xb3: {  	s25 =	sadd.s32 $0x380, s16;
	s26 =	spop (v2sf);
	(v2sf) =	vpush v0, $0xF;
	s11 =	sadd.s32 s3, s24  }
0xb4: {  	[tilespmem:s8], [sflag:$0x1] =	stream.linear.gather [hbm4b:s11+s2], $0x80, $0x38;
	[tilespmem:$0x10200] =	vst v63  }
0xb5: {  	s28 =	sadd.s32 $0x400, s16;
	s10 =	sand.u32 $0x1FFFFFF0, s26;
	s30 =	spop (v2sf)  }
0xb6: {  	s10 =	sadd.s32 s3, s10;
	s11 =	sand.u32 $0x1FFFFFF0, s30;
	s31 =	spop (v2sf)  }
0xb7: {  	[tilespmem:s25], [sflag:$0x1] =	stream.linear.gather [hbm4b:s10+s2], $0x80, $0x38;
	[tilespmem:$0x10200] =	vst v63  }
0xb8: {  	s11 =	sadd.s32 s3, s11;
	s12 =	sand.u32 $0x1FFFFFF0, s31;
	s13 =	spop (v2sf)  }
0xb9: {  	[tilespmem:s28], [sflag:$0x1] =	stream.linear.gather [hbm4b:s11+s2], $0x80, $0x38;
	[tilespmem:$0x10200] =	vst v63  }
0xba: {  	s14 =	sadd.s32 s3, s12;
	s15 =	sand.u32 $0x1FFFFFF0, s13;
	s17 =	spop (v2sf)  }
0xbb: {  	[tilespmem:s7], [sflag:$0x1] =	stream.linear.gather [hbm4b:s14+s2], $0x80, $0x38;
	[tilespmem:$0x10200] =	vst v63  }
0xbc: {  	s18 =	sadd.s32 s3, s15;
	s19 =	sand.u32 $0x1FFFFFF0, s17;
	s20 =	spop (v2sf)  }
0xbd: {  	[tilespmem:s6], [sflag:$0x1] =	stream.linear.gather [hbm4b:s18+s2], $0x80, $0x38;
	[tilespmem:$0x10200] =	vst v63  }
0xbe: {  	s21 =	sadd.s32 s3, s19;
	s22 =	sand.u32 $0x1FFFFFF0, s20;
	s23 =	spop (v2sf)  }
0xbf: {  	[tilespmem:s5], [sflag:$0x1] =	stream.linear.gather [hbm4b:s21+s2], $0x80, $0x38;
	[tilespmem:$0x10200] =	vst v63  }
0xc0: {  	s24 =	sadd.s32 s3, s22;
	s25 =	sand.u32 $0x1FFFFFF0, s23;
	s26 =	spop (v2sf)  }
0xc1: {  	[tilespmem:s1], [sflag:$0x1] =	stream.linear.gather [hbm4b:s24+s2], $0x80, $0x38;
	[tilespmem:$0x10200] =	vst v63  }
0xc2: {  	s28 =	sadd.s32 s3, s25;
	s30 =	sand.u32 $0x1FFFFFF0, s26;
	s31 =	spop (v2sf)  }
0xc3: {  	[tilespmem:s0], [sflag:$0x1] =	stream.linear.gather [hbm4b:s28+s2], $0x80, $0x38;
	[tilespmem:$0x10200] =	vst v63  }
0xc4: {  	s7 =	sand.u32 $0x1FFFFFF0, s31;
	s5 =	sadd.s32 s3, s30;
	s1 =	sadd.s32 $0x700, s16  }
0xc5: {  	[tilespmem:s1], [sflag:$0x1] =	stream.linear.gather [hbm4b:s5+s2], $0x80, $0x38;
	[tilespmem:$0x10200] =	vst v63  }
0xc6: {  	s8 =	sadd.s32 $0x780, s16;
	s10 =	simm.s32 $0x1;
	s9 =	sadd.s32 s3, s7  }
0xc7: {  	[tilespmem:s8], [sflag:$0x1] =	stream.linear.gather [hbm4b:s9+s2], $0x80, $0x38;
	[tilespmem:$0x10200] =	vst v63  }
0xc8: {  	_ =	swait.ge [sflag:s10], $0x10000  }
0xc9: {  	s12 =	simm.s32 $0x200;
	[sflag:s10] =	ssyncset.done $0x0  }
0xca: {  	s13 =	simm.s32 $0x2;
	s11 =	rddreg [dreg:$0xc];
	[sflag:s10] =	ssyncadd.s32 $0xFFFF0000  }
0xcb: {  	[hbm4b:s11+s2] =	stream.linear.scatter [tilespmem:s12], [sflag:$0x2], $0x10000, $0x38;
	[tilespmem:$0x10200] =	vst v63  }
0xcc: {  	_ =	swait.ge [sflag:s13], $0x10000  }
0xcd: {  	[sflag:s13] =	ssyncset.done $0x0  }
0xce: {  	s14 =	rddreg [dreg:$0xd];
	[sflag:s13] =	ssyncadd.s32 $0xFFFF0000  }
0xcf: {  	[tilespmem:s2], [sflag:$0x2] =	stream.linear.gather [hbm4b:s14+s2], $0x200, $0x38;
	[tilespmem:$0x10200] =	vst v63  }
0xd0: {  	_ =	swait.ge [sflag:s13], $0x200  }
0xd1: {  	[sflag:s13] =	ssyncset.done $0x0  }
0xd2: {  	s24 =	simm.s32 $0x10;
	[sflag:s13] =	ssyncadd.s32 $0xFFFFFE00  }
0xd3: {  	v63 =	vld [tilespmem:s24+$0xFFFFFFF0];
	_ =	sdelay $0x4  }
0xd4: {  	v0 =	vshll.u32 v63, $0x4  }
0xd5: {  	(v2sf) =	vpush v0, $0x0  }
0xd6: {  	(v2sf) =	vpush v0, $0x1  }
0xd7: {  	(v2sf) =	vpush v0, $0x2;
	_ =	sdelay $0x1  }
0xd8: {  	(v2sf) =	vpush v0, $0x3  }
0xd9: {  	(v2sf) =	vpush v0, $0x4;
	_ =	sdelay $0x1  }
0xda: {  	(v2sf) =	vpush v0, $0x5;
	_ =	sdelay $0x3  }
0xdb: {  	(v2sf) =	vpush v0, $0x6;
	_ =	sdelay $0x1  }
0xdc: {  	s29 =	simm.s32 $0x680;
	s15 =	simm.s32 $0x380;
	(v2sf) =	vpush v0, $0x7  }
0xdd: {  	s17 =	simm.s32 $0x280;
	s20 =	simm.s32 $0x200;
	s18 =	simm.s32 $0x300  }
0xde: {  	s16 =	simm.s32 $0xA00;
	s10 =	simm.s32 $0x400;
	s19 =	spop (v2sf);
	(v2sf) =	vpush v0, $0x8  }
0xdf: {  	s13 =	simm.s32 $0x480;
	s6 =	sand.u32 $0x1FFFFFF0, s19;
	s21 =	spop (v2sf)  }
0xe0: {  	s19 =	simm.s32 $0x880;
	s6 =	sadd.s32 s4, s6;
	s22 =	spop (v2sf)  }
0xe1: {  	[tilespmem:s20], [sflag:$0x1] =	stream.linear.gather [hbm4b:s6+s2], $0x80, $0x38;
	[tilespmem:$0x10200] =	vst v63  }
0xe2: {  	s8 =	sand.u32 $0x1FFFFFF0, s21;
	s21 =	simm.s32 $0x780;
	s26 =	spop (v2sf)  }
0xe3: {  	s23 =	sadd.s32 s4, s8;
	s25 =	sand.u32 $0x1FFFFFF0, s22;
	s31 =	spop (v2sf)  }
0xe4: {  	(v2sf) =	vpush v0, $0x9;
	[tilespmem:s17], [sflag:$0x1] =	stream.linear.gather [hbm4b:s23+s2], $0x80, $0x38;
	[tilespmem:$0x10200] =	vst v63  }
0xe5: {  	s28 =	sadd.s32 s4, s25;
	s30 =	sand.u32 $0x1FFFFFF0, s26;
	s9 =	spop (v2sf);
	(v2sf) =	vpush v0, $0xA  }
0xe6: {  	[tilespmem:s18], [sflag:$0x1] =	stream.linear.gather [hbm4b:s28+s2], $0x80, $0x38;
	[tilespmem:$0x10200] =	vst v63  }
0xe7: {  	s6 =	sadd.s32 s4, s30;
	s8 =	sand.u32 $0x1FFFFFF0, s31;
	s17 =	simm.s32 $0x500  }
0xe8: {  	[tilespmem:s15], [sflag:$0x1] =	stream.linear.gather [hbm4b:s6+s2], $0x80, $0x38;
	[tilespmem:$0x10200] =	vst v63  }
0xe9: {  	s11 =	sadd.s32 s4, s8;
	s12 =	sand.u32 $0x1FFFFFF0, s9;
	s15 =	spop (v2sf)  }
0xea: {  	[tilespmem:s10], [sflag:$0x1] =	stream.linear.gather [hbm4b:s11+s2], $0x80, $0x38;
	[tilespmem:$0x10200] =	vst v63  }
0xeb: {  	s14 =	sadd.s32 s4, s12;
	s0 =	sand.u32 $0x1FFFFFF0, s15;
	s20 =	spop (v2sf)  }
0xec: {  	[tilespmem:s13], [sflag:$0x1] =	stream.linear.gather [hbm4b:s14+s2], $0x80, $0x38;
	[tilespmem:$0x10200] =	vst v63  }
0xed: {  	s0 =	sadd.s32 s4, s0;
	s5 =	sand.u32 $0x1FFFFFF0, s20;
	s22 =	spop (v2sf)  }
0xee: {  	[tilespmem:s17], [sflag:$0x1] =	stream.linear.gather [hbm4b:s0+s2], $0x80, $0x38;
	[tilespmem:$0x10200] =	vst v63  }
0xef: {  	s23 =	simm.s32 $0x580;
	s25 =	sadd.s32 s4, s5;
	s26 =	sand.u32 $0x1FFFFFF0, s22  }
0xf0: {  	(v2sf) =	vpush v0, $0xB;
	[tilespmem:s23], [sflag:$0x1] =	stream.linear.gather [hbm4b:s25+s2], $0x80, $0x38;
	[tilespmem:$0x10200] =	vst v63  }
0xf1: {  	s18 =	simm.s32 $0x30;
	s28 =	simm.s32 $0x600;
	(v2sf) =	vpush v0, $0xC;
	s30 =	sadd.s32 s4, s26  }
0xf2: {  	(v2sf) =	vpush v0, $0xD;
	[tilespmem:s28], [sflag:$0x1] =	stream.linear.gather [hbm4b:s30+s2], $0x80, $0x38;
	[tilespmem:$0x10200] =	vst v63  }
0xf3: {  	s20 =	simm.s32 $0x0;
	(v2sf) =	vpush v0, $0xE;
	s22 =	simm.s32 $0x800;
	s31 =	spop (v2sf)  }
0xf4: {  	(v2sf) =	vpush v0, $0xF;
	s26 =	simm.s32 $0x700;
	s0 =	sand.u32 $0x1FFFFFF0, s31;
	s1 =	spop (v2sf)  }
.LBB2_4:
0xf5: {  	_ =	sdelay $0x5  }
0xf6: {  	s0 =	sadd.s32 s4, s0;
	s5 =	sand.u32 $0x1FFFFFF0, s1  }
0xf7: {  	v0 =	vld [tilespmem:s18+$0xFFFFFFF0];
	[tilespmem:s29], [sflag:$0x1] =	stream.linear.gather [hbm4b:s0+s2], $0x80, $0x38  }
0xf8: {  	s7 =	smov.u32 s24;
	s28 =	sadd.s32 s4, s5  }
0xf9: {  	[tilespmem:s26], [sflag:$0x1] =	stream.linear.gather [hbm4b:s28+s2], $0x80, $0x38;
	[tilespmem:$0x10200] =	vst v63  }
0xfa: {  	s24 =	smov.u32 s18;
	s1 =	smov.u32 s16;
	s6 =	spop (v2sf)  }
0xfb: {  	s15 =	sadd.s32 $0xFFFFFF00, s16;
	s30 =	sand.u32 $0x1FFFFFF0, s6;
	s31 =	spop (v2sf)  }
0xfc: {  	s5 =	sadd.s32 s4, s30;
	s6 =	sand.u32 $0x1FFFFFF0, s31;
	s8 =	spop (v2sf)  }
0xfd: {  	v0 =	vshll.u32 v0, $0x4;
	[tilespmem:s21], [sflag:$0x1] =	stream.linear.gather [hbm4b:s5+s2], $0x80, $0x38;
	[tilespmem:$0x10200] =	vst v63  }
0xfe: {  	(v2sf) =	vpush v0, $0x0;
	s9 =	sadd.s32 s4, s6;
	s10 =	sand.u32 $0x1FFFFFF0, s8;
	s11 =	spop (v2sf)  }
0xff: {  	(v2sf) =	vpush v0, $0x1;
	[tilespmem:s22], [sflag:$0x1] =	stream.linear.gather [hbm4b:s9+s2], $0x80, $0x38;
	[tilespmem:$0x10200] =	vst v63  }
0x100: {  	(v2sf) =	vpush v0, $0x2;
	s12 =	sadd.s32 s4, s10;
	s13 =	sand.u32 $0x1FFFFFF0, s11;
	s14 =	spop (v2sf)  }
0x101: {  	[tilespmem:s19], [sflag:$0x1] =	stream.linear.gather [hbm4b:s12+s2], $0x80, $0x38;
	[tilespmem:$0x10200] =	vst v63  }
0x102: {  	s17 =	sadd.s32 $0xFFFFFF80, s16;
	(v2sf) =	vpush v0, $0x3;
	s5 =	sadd.s32 s4, s13;
	s6 =	sand.u32 $0x1FFFFFF0, s14  }
0x103: {  	[tilespmem:s15], [sflag:$0x1] =	stream.linear.gather [hbm4b:s5+s2], $0x80, $0x38;
	[tilespmem:$0x10200] =	vst v63  }
0x104: {  	s18 =	sadd.s32 $0x20, s18;
	s16 =	sadd.s32 $0x1000, s16;
	(v2sf) =	vpush v0, $0x4;
	s19 =	sadd.s32 s4, s6  }
0x105: {  	[tilespmem:s17], [sflag:$0x1] =	stream.linear.gather [hbm4b:s19+s2], $0x80, $0x38;
	[tilespmem:$0x10200] =	vst v63  }
0x106: {  	s20 =	sadd.s32 $0x2, s20;
	s25 =	sadd.s32 $0x680, s1;
	s0 =	sadd.s32 $0x480, s1;
	(v2sf) =	vpush v0, $0x5;
	v1 =	vld [tilespmem:s7+$0x0]  }
0x107: {  	s29 =	sadd.s32 $0xFFFFF800, s16;
	p0 =	slt.u32 s20, $0x1E;
	s28 =	sadd.s32 $0x600, s1  }
0x108: {  	s31 =	sadd.s32 $0x500, s1;
	s30 =	sadd.s32 $0x580, s1;
	s21 =	sadd.s32 $0x780, s1  }
0x109: {  	s8 =	sadd.s32 $0x280, s1;
	[dreg:$0x6] =	wrdreg s21;
	s10 =	sadd.s32 $0x180, s1  }
0x10a: {  	s11 =	sadd.s32 $0x100, s1;
	s21 =	sadd.s32 $0xFFFFFD80, s16;
	s22 =	sadd.s32 $0x700, s1  }
0x10b: {  	s9 =	sadd.s32 $0x200, s1;
	s14 =	sadd.s32 $0x80, s1;
	s13 =	sadd.s32 $0xFFFFF880, s16;
	v1 =	vshll.u32 v1, $0x4  }
0x10c: {  	[dreg:$0x9] =	wrdreg s22;
	s22 =	sadd.s32 $0xFFFFFE00, s16;
	s6 =	sadd.s32 $0x380, s1;
	(v2sf) =	vpush v1, $0x0  }
0x10d: {  	s12 =	sadd.s32 $0xFFFFF980, s16;
	s5 =	sadd.s32 $0x400, s1;
	s23 =	spop (v2sf);
	(v2sf) =	vpush v1, $0x1  }
0x10e: {  	s15 =	sadd.s32 $0xFFFFF900, s16;
	s26 =	sand.u32 $0x1FFFFFF0, s23;
	s17 =	spop (v2sf);
	(v2sf) =	vpush v1, $0x2  }
0x10f: {  	s26 =	sadd.s32 s4, s26;
	s17 =	sand.u32 $0x1FFFFFF0, s17;
	s23 =	spop (v2sf)  }
0x110: {  	[tilespmem:s29], [sflag:$0x1] =	stream.linear.gather [hbm4b:s26+s2], $0x80, $0x38;
	(v2sf) =	vpush v1, $0x3;
	[tilespmem:$0x10200] =	vst v63  }
0x111: {  	s17 =	sadd.s32 s4, s17;
	s23 =	sand.u32 $0x1FFFFFF0, s23;
	s26 =	spop (v2sf)  }
0x112: {  	[tilespmem:s13], [sflag:$0x1] =	stream.linear.gather [hbm4b:s17+s2], $0x80, $0x38;
	(v2sf) =	vpush v1, $0x4;
	[tilespmem:$0x10200] =	vst v63  }
0x113: {  	s17 =	sadd.s32 s4, s23;
	s23 =	sand.u32 $0x1FFFFFF0, s26;
	s26 =	spop (v2sf)  }
0x114: {  	(v2sf) =	vpush v1, $0x5;
	[tilespmem:s15], [sflag:$0x1] =	stream.linear.gather [hbm4b:s17+s2], $0x80, $0x38;
	[tilespmem:$0x10200] =	vst v63  }
0x115: {  	s17 =	sadd.s32 s4, s23;
	s23 =	sand.u32 $0x1FFFFFF0, s26;
	s26 =	spop (v2sf)  }
0x116: {  	(v2sf) =	vpush v1, $0x6;
	[tilespmem:s12], [sflag:$0x1] =	stream.linear.gather [hbm4b:s17+s2], $0x80, $0x38;
	[tilespmem:$0x10200] =	vst v63  }
0x117: {  	s13 =	sadd.s32 $0xFFFFFA00, s16;
	s23 =	sadd.s32 s4, s23;
	s26 =	sand.u32 $0x1FFFFFF0, s26  }
0x118: {  	(v2sf) =	vpush v1, $0x7;
	[tilespmem:s13], [sflag:$0x1] =	stream.linear.gather [hbm4b:s23+s2], $0x80, $0x38;
	[tilespmem:$0x10200] =	vst v63  }
0x119: {  	s19 =	sadd.s32 $0xFFFFFE80, s16;
	s17 =	sadd.s32 $0xFFFFFA80, s16;
	s23 =	sadd.s32 s4, s26  }
0x11a: {  	(v2sf) =	vpush v1, $0x8;
	[tilespmem:s17], [sflag:$0x1] =	stream.linear.gather [hbm4b:s23+s2], $0x80, $0x38;
	[tilespmem:$0x10200] =	vst v63  }
0x11b: {  	s7 =	sadd.s32 $0x300, s1;
	s29 =	sadd.s32 $0xFFFFFC80, s16;
	s15 =	spop (v2sf)  }
0x11c: {  	s26 =	sadd.s32 $0xFFFFFD00, s16;
	s12 =	sand.u32 $0x1FFFFFF0, s15;
	s17 =	spop (v2sf);
	(v2sf) =	vpush v1, $0x9  }
0x11d: {  	s12 =	sadd.s32 s4, s12;
	s13 =	sand.u32 $0x1FFFFFF0, s17;
	s23 =	spop (v2sf)  }
0x11e: {  	(v2sf) =	vpush v1, $0xA;
	[tilespmem:s1], [sflag:$0x1] =	stream.linear.gather [hbm4b:s12+s2], $0x80, $0x38;
	[tilespmem:$0x10200] =	vst v63  }
0x11f: {  	s13 =	sadd.s32 s4, s13;
	s17 =	sand.u32 $0x1FFFFFF0, s23;
	s23 =	spop (v2sf)  }
0x120: {  	(v2sf) =	vpush v1, $0xB;
	[tilespmem:s14], [sflag:$0x1] =	stream.linear.gather [hbm4b:s13+s2], $0x80, $0x38;
	[tilespmem:$0x10200] =	vst v63  }
0x121: {  	s12 =	sadd.s32 s4, s17;
	s13 =	sand.u32 $0x1FFFFFF0, s23;
	s14 =	spop (v2sf)  }
0x122: {  	(v2sf) =	vpush v1, $0xC;
	[tilespmem:s11], [sflag:$0x1] =	stream.linear.gather [hbm4b:s12+s2], $0x80, $0x38;
	[tilespmem:$0x10200] =	vst v63  }
0x123: {  	s15 =	sadd.s32 s4, s13;
	s17 =	sand.u32 $0x1FFFFFF0, s14;
	s23 =	spop (v2sf)  }
0x124: {  	(v2sf) =	vpush v1, $0xD;
	[tilespmem:s10], [sflag:$0x1] =	stream.linear.gather [hbm4b:s15+s2], $0x80, $0x38;
	[tilespmem:$0x10200] =	vst v63  }
0x125: {  	s11 =	sadd.s32 s4, s17;
	s13 =	sand.u32 $0x1FFFFFF0, s23;
	s14 =	spop (v2sf)  }
0x126: {  	(v2sf) =	vpush v1, $0xE;
	[tilespmem:s9], [sflag:$0x1] =	stream.linear.gather [hbm4b:s11+s2], $0x80, $0x38;
	[tilespmem:$0x10200] =	vst v63  }
0x127: {  	s17 =	sand.u32 $0x1FFFFFF0, s14;
	s23 =	spop (v2sf);
	s15 =	sadd.s32 s4, s13  }
0x128: {  	[tilespmem:s8], [sflag:$0x1] =	stream.linear.gather [hbm4b:s15+s2], $0x80, $0x38;
	[tilespmem:$0x10200] =	vst v63  }
0x129: {  	s10 =	sand.u32 $0x1FFFFFF0, s23;
	s9 =	sadd.s32 s4, s17;
	s11 =	spop (v2sf)  }
0x12a: {  	(v2sf) =	vpush v1, $0xF;
	[tilespmem:s7], [sflag:$0x1] =	stream.linear.gather [hbm4b:s9+s2], $0x80, $0x38;
	[tilespmem:$0x10200] =	vst v63  }
0x12b: {  	s12 =	sadd.s32 s4, s10;
	s13 =	sand.u32 $0x1FFFFFF0, s11;
	s14 =	spop (v2sf)  }
0x12c: {  	(v2sf) =	vpush v0, $0x6;
	[tilespmem:s6], [sflag:$0x1] =	stream.linear.gather [hbm4b:s12+s2], $0x80, $0x38;
	[tilespmem:$0x10200] =	vst v63  }
0x12d: {  	s15 =	sadd.s32 s4, s13;
	s17 =	sand.u32 $0x1FFFFFF0, s14;
	s23 =	spop (v2sf)  }
0x12e: {  	[tilespmem:s5], [sflag:$0x1] =	stream.linear.gather [hbm4b:s15+s2], $0x80, $0x38;
	[tilespmem:$0x10200] =	vst v63  }
0x12f: {  	(v2sf) =	vpush v0, $0x7;
	s8 =	sadd.s32 s4, s17;
	s9 =	sand.u32 $0x1FFFFFF0, s23;
	s10 =	spop (v2sf)  }
0x130: {  	[tilespmem:s0], [sflag:$0x1] =	stream.linear.gather [hbm4b:s8+s2], $0x80, $0x38;
	[tilespmem:$0x10200] =	vst v63  }
0x131: {  	(v2sf) =	vpush v0, $0x8;
	s11 =	sadd.s32 s4, s9;
	s12 =	sand.u32 $0x1FFFFFF0, s10;
	s13 =	spop (v2sf)  }
0x132: {  	(v2sf) =	vpush v0, $0x9;
	[tilespmem:s31], [sflag:$0x1] =	stream.linear.gather [hbm4b:s11+s2], $0x80, $0x38;
	[tilespmem:$0x10200] =	vst v63  }
0x133: {  	s14 =	sadd.s32 s4, s12;
	s15 =	sand.u32 $0x1FFFFFF0, s13;
	s17 =	spop (v2sf)  }
0x134: {  	(v2sf) =	vpush v0, $0xA;
	[tilespmem:s30], [sflag:$0x1] =	stream.linear.gather [hbm4b:s14+s2], $0x80, $0x38;
	[tilespmem:$0x10200] =	vst v63  }
0x135: {  	s23 =	sadd.s32 s4, s15;
	s31 =	spop (v2sf);
	s30 =	sand.u32 $0x1FFFFFF0, s17  }
0x136: {  	[tilespmem:s28], [sflag:$0x1] =	stream.linear.gather [hbm4b:s23+s2], $0x80, $0x38;
	[tilespmem:$0x10200] =	vst v63  }
0x137: {  	s9 =	sadd.s32 $0xFFFFFC00, s16;
	s7 =	sand.u32 $0x1FFFFFF0, s31;
	s6 =	sadd.s32 s4, s30  }
0x138: {  	[tilespmem:s25], [sflag:$0x1] =	stream.linear.gather [hbm4b:s6+s2], $0x80, $0x38;
	[tilespmem:$0x10200] =	vst v63  }
0x139: {  	s12 =	rddreg [dreg:$0x9];
	s8 =	spop (v2sf);
	s10 =	sadd.s32 s4, s7  }
0x13a: {  	[tilespmem:s12], [sflag:$0x1] =	stream.linear.gather [hbm4b:s10+s2], $0x80, $0x38;
	[tilespmem:$0x10200] =	vst v63  }
0x13b: {  	s13 =	sadd.s32 $0xFFFFFB80, s16;
	s11 =	sand.u32 $0x1FFFFFF0, s8;
	s14 =	spop (v2sf)  }
0x13c: {  	s15 =	rddreg [dreg:$0x6];
	s1 =	sadd.s32 s4, s11;
	s5 =	sand.u32 $0x1FFFFFF0, s14  }
0x13d: {  	[tilespmem:s15], [sflag:$0x1] =	stream.linear.gather [hbm4b:s1+s2], $0x80, $0x38;
	[tilespmem:$0x10200] =	vst v63  }
0x13e: {  	s17 =	sadd.s32 $0xFFFFFB00, s16;
	s23 =	spop (v2sf);
	s5 =	sadd.s32 s4, s5  }
0x13f: {  	[tilespmem:s17], [sflag:$0x1] =	stream.linear.gather [hbm4b:s5+s2], $0x80, $0x38;
	[tilespmem:$0x10200] =	vst v63  }
.Ltmp1:
0x140: {  	(v2sf) =	vpush v0, $0xB;
	s7 =	sand.u32 $0x1FFFFFF0, s23;
	s25 =	spop (v2sf);
	(pc) =	sbr.rel @p0 .LBB2_4-.Ltmp1, $4  }
0x141: {  	(v2sf) =	vpush v0, $0xC;
	s28 =	sadd.s32 s4, s7;
	s30 =	sand.u32 $0x1FFFFFF0, s25;
	s31 =	spop (v2sf)  }
0x142: {  	(v2sf) =	vpush v0, $0xD;
	[tilespmem:s13], [sflag:$0x1] =	stream.linear.gather [hbm4b:s28+s2], $0x80, $0x38;
	[tilespmem:$0x10200] =	vst v63  }
0x143: {  	(v2sf) =	vpush v0, $0xE;
	s5 =	sadd.s32 s4, s30;
	s0 =	sand.u32 $0x1FFFFFF0, s31;
	s1 =	spop (v2sf)  }
0x144: {  	(v2sf) =	vpush v0, $0xF;
	[tilespmem:s9], [sflag:$0x1] =	stream.linear.gather [hbm4b:s5+s2], $0x80, $0x38;
	[tilespmem:$0x10200] =	vst v63  }
0x145: {  	_ =	sdelay $0x5  }
0x146: {  	s0 =	sadd.s32 s4, s0;
	s1 =	sand.u32 $0x1FFFFFF0, s1  }
0x147: {  	[tilespmem:s29], [sflag:$0x1] =	stream.linear.gather [hbm4b:s0+s2], $0x80, $0x38;
	[tilespmem:$0x10200] =	vst v63  }
0x148: {  	s1 =	sadd.s32 s4, s1  }
0x149: {  	[tilespmem:s26], [sflag:$0x1] =	stream.linear.gather [hbm4b:s1+s2], $0x80, $0x38;
	[tilespmem:$0x10200] =	vst v63  }
0x14a: {  	s5 =	spop (v2sf)  }
0x14b: {  	s5 =	sand.u32 $0x1FFFFFF0, s5;
	s6 =	spop (v2sf)  }
0x14c: {  	s7 =	sadd.s32 s4, s5;
	s8 =	sand.u32 $0x1FFFFFF0, s6;
	s9 =	spop (v2sf)  }
0x14d: {  	[tilespmem:s21], [sflag:$0x1] =	stream.linear.gather [hbm4b:s7+s2], $0x80, $0x38;
	[tilespmem:$0x10200] =	vst v63  }
0x14e: {  	s10 =	sadd.s32 s4, s8;
	s11 =	sand.u32 $0x1FFFFFF0, s9;
	s12 =	spop (v2sf)  }
0x14f: {  	[tilespmem:s22], [sflag:$0x1] =	stream.linear.gather [hbm4b:s10+s2], $0x80, $0x38;
	[tilespmem:$0x10200] =	vst v63  }
0x150: {  	s13 =	sadd.s32 s4, s11;
	s14 =	sand.u32 $0x1FFFFFF0, s12;
	s15 =	spop (v2sf)  }
0x151: {  	[tilespmem:s19], [sflag:$0x1] =	stream.linear.gather [hbm4b:s13+s2], $0x80, $0x38;
	[tilespmem:$0x10200] =	vst v63  }
0x152: {  	s17 =	sadd.s32 $0xFFFFFF00, s16;
	s1 =	sadd.s32 s4, s14;
	s5 =	sand.u32 $0x1FFFFFF0, s15  }
0x153: {  	[tilespmem:s17], [sflag:$0x1] =	stream.linear.gather [hbm4b:s1+s2], $0x80, $0x38;
	[tilespmem:$0x10200] =	vst v63  }
0x154: {  	s18 =	sadd.s32 $0xFFFFFF80, s16;
	s19 =	sadd.s32 s4, s5  }
0x155: {  	[tilespmem:s18], [sflag:$0x1] =	stream.linear.gather [hbm4b:s19+s2], $0x80, $0x38;
	[tilespmem:$0x10200] =	vst v63  }
0x156: {  	v0 =	vld [tilespmem:s24+$0x0];
	_ =	sdelay $0x4  }
0x157: {  	v0 =	vshll.u32 v0, $0x4  }
0x158: {  	(v2sf) =	vpush v0, $0x0  }
0x159: {  	(v2sf) =	vpush v0, $0x1  }
0x15a: {  	(v2sf) =	vpush v0, $0x2;
	_ =	sdelay $0x1  }
0x15b: {  	(v2sf) =	vpush v0, $0x3;
	_ =	sdelay $0x1  }
0x15c: {  	(v2sf) =	vpush v0, $0x4;
	_ =	sdelay $0x1  }
0x15d: {  	(v2sf) =	vpush v0, $0x5;
	_ =	sdelay $0x1  }
0x15e: {  	(v2sf) =	vpush v0, $0x6  }
0x15f: {  	s0 =	sadd.s32 $0x680, s16  }
0x160: {  	s6 =	sadd.s32 $0x500, s16;
	s7 =	sadd.s32 $0x480, s16;
	s8 =	sadd.s32 $0x300, s16;
	(v2sf) =	vpush v0, $0x7  }
0x161: {  	s9 =	sadd.s32 $0x380, s16;
	s11 =	sadd.s32 $0x180, s16;
	s12 =	sadd.s32 $0x200, s16  }
0x162: {  	s10 =	sadd.s32 $0x400, s16;
	s14 =	sadd.s32 $0x80, s16;
	s5 =	sadd.s32 $0x580, s16;
	(v2sf) =	vpush v0, $0x8  }
0x163: {  	s13 =	sadd.s32 $0x280, s16;
	s1 =	sadd.s32 $0x600, s16;
	s15 =	spop (v2sf)  }
0x164: {  	s17 =	sadd.s32 $0x100, s16;
	s15 =	sand.u32 $0x1FFFFFF0, s15;
	s18 =	spop (v2sf);
	(v2sf) =	vpush v0, $0x9  }
0x165: {  	s15 =	sadd.s32 s4, s15;
	s18 =	sand.u32 $0x1FFFFFF0, s18;
	s20 =	spop (v2sf)  }
0x166: {  	(v2sf) =	vpush v0, $0xA;
	[tilespmem:s16], [sflag:$0x1] =	stream.linear.gather [hbm4b:s15+s2], $0x80, $0x38;
	[tilespmem:$0x10200] =	vst v63  }
0x167: {  	s21 =	sadd.s32 s4, s18;
	s22 =	sand.u32 $0x1FFFFFF0, s20;
	s23 =	spop (v2sf)  }
0x168: {  	(v2sf) =	vpush v0, $0xB;
	[tilespmem:s14], [sflag:$0x1] =	stream.linear.gather [hbm4b:s21+s2], $0x80, $0x38;
	[tilespmem:$0x10200] =	vst v63  }
0x169: {  	s24 =	sadd.s32 s4, s22;
	s25 =	sand.u32 $0x1FFFFFF0, s23;
	s26 =	spop (v2sf)  }
0x16a: {  	(v2sf) =	vpush v0, $0xC;
	[tilespmem:s17], [sflag:$0x1] =	stream.linear.gather [hbm4b:s24+s2], $0x80, $0x38;
	[tilespmem:$0x10200] =	vst v63  }
0x16b: {  	s28 =	sadd.s32 s4, s25;
	s30 =	sand.u32 $0x1FFFFFF0, s26;
	s31 =	spop (v2sf)  }
0x16c: {  	(v2sf) =	vpush v0, $0xD;
	[tilespmem:s11], [sflag:$0x1] =	stream.linear.gather [hbm4b:s28+s2], $0x80, $0x38;
	[tilespmem:$0x10200] =	vst v63  }
0x16d: {  	s18 =	sadd.s32 s4, s30;
	s19 =	sand.u32 $0x1FFFFFF0, s31;
	s20 =	spop (v2sf)  }
0x16e: {  	(v2sf) =	vpush v0, $0xE;
	[tilespmem:s12], [sflag:$0x1] =	stream.linear.gather [hbm4b:s18+s2], $0x80, $0x38;
	[tilespmem:$0x10200] =	vst v63  }
0x16f: {  	s21 =	sadd.s32 s4, s19;
	s22 =	sand.u32 $0x1FFFFFF0, s20;
	s23 =	spop (v2sf)  }
0x170: {  	(v2sf) =	vpush v0, $0xF;
	[tilespmem:s13], [sflag:$0x1] =	stream.linear.gather [hbm4b:s21+s2], $0x80, $0x38;
	[tilespmem:$0x10200] =	vst v63  }
0x171: {  	s24 =	sadd.s32 s4, s22;
	s25 =	sand.u32 $0x1FFFFFF0, s23;
	s26 =	spop (v2sf)  }
0x172: {  	[tilespmem:s8], [sflag:$0x1] =	stream.linear.gather [hbm4b:s24+s2], $0x80, $0x38;
	[tilespmem:$0x10200] =	vst v63  }
0x173: {  	s28 =	sadd.s32 s4, s25;
	s30 =	sand.u32 $0x1FFFFFF0, s26;
	s31 =	spop (v2sf)  }
0x174: {  	[tilespmem:s9], [sflag:$0x1] =	stream.linear.gather [hbm4b:s28+s2], $0x80, $0x38;
	[tilespmem:$0x10200] =	vst v63  }
0x175: {  	s11 =	sadd.s32 s4, s30;
	s12 =	sand.u32 $0x1FFFFFF0, s31;
	s13 =	spop (v2sf)  }
0x176: {  	[tilespmem:s10], [sflag:$0x1] =	stream.linear.gather [hbm4b:s11+s2], $0x80, $0x38;
	[tilespmem:$0x10200] =	vst v63  }
0x177: {  	s14 =	sadd.s32 s4, s12;
	s15 =	sand.u32 $0x1FFFFFF0, s13;
	s17 =	spop (v2sf)  }
0x178: {  	[tilespmem:s7], [sflag:$0x1] =	stream.linear.gather [hbm4b:s14+s2], $0x80, $0x38;
	[tilespmem:$0x10200] =	vst v63  }
0x179: {  	s18 =	sadd.s32 s4, s15;
	s19 =	sand.u32 $0x1FFFFFF0, s17;
	s20 =	spop (v2sf)  }
0x17a: {  	[tilespmem:s6], [sflag:$0x1] =	stream.linear.gather [hbm4b:s18+s2], $0x80, $0x38;
	[tilespmem:$0x10200] =	vst v63  }
0x17b: {  	s21 =	sadd.s32 s4, s19;
	s22 =	sand.u32 $0x1FFFFFF0, s20;
	s23 =	spop (v2sf)  }
0x17c: {  	[tilespmem:s5], [sflag:$0x1] =	stream.linear.gather [hbm4b:s21+s2], $0x80, $0x38;
	[tilespmem:$0x10200] =	vst v63  }
0x17d: {  	s24 =	sadd.s32 s4, s22;
	s25 =	sand.u32 $0x1FFFFFF0, s23;
	s26 =	spop (v2sf)  }
0x17e: {  	[tilespmem:s1], [sflag:$0x1] =	stream.linear.gather [hbm4b:s24+s2], $0x80, $0x38;
	[tilespmem:$0x10200] =	vst v63  }
0x17f: {  	s28 =	sadd.s32 s4, s25;
	s30 =	sand.u32 $0x1FFFFFF0, s26;
	s31 =	spop (v2sf)  }
0x180: {  	[tilespmem:s0], [sflag:$0x1] =	stream.linear.gather [hbm4b:s28+s2], $0x80, $0x38;
	[tilespmem:$0x10200] =	vst v63  }
0x181: {  	s7 =	sand.u32 $0x1FFFFFF0, s31;
	s5 =	sadd.s32 s4, s30;
	s1 =	sadd.s32 $0x700, s16  }
0x182: {  	[tilespmem:s1], [sflag:$0x1] =	stream.linear.gather [hbm4b:s5+s2], $0x80, $0x38;
	[tilespmem:$0x10200] =	vst v63  }
0x183: {  	s8 =	sadd.s32 $0x780, s16;
	s10 =	simm.s32 $0x1;
	s9 =	sadd.s32 s4, s7  }
0x184: {  	[tilespmem:s8], [sflag:$0x1] =	stream.linear.gather [hbm4b:s9+s2], $0x80, $0x38;
	[tilespmem:$0x10200] =	vst v63  }
0x185: {  	_ =	swait.ge [sflag:s10], $0x10000  }
0x186: {  	s12 =	simm.s32 $0x200;
	[sflag:s10] =	ssyncset.done $0x0  }
0x187: {  	s13 =	simm.s32 $0x2;
	s11 =	rddreg [dreg:$0xe];
	[sflag:s10] =	ssyncadd.s32 $0xFFFF0000  }
0x188: {  	[hbm4b:s11+s2] =	stream.linear.scatter [tilespmem:s12], [sflag:$0x2], $0x10000, $0x38;
	[tilespmem:$0x10200] =	vst v63  }
0x189: {  	_ =	swait.ge [sflag:s13], $0x10000  }
0x18a: {  	[sflag:s13] =	ssyncset.done $0x0  }
0x18b: {  	s14 =	rddreg [dreg:$0xf];
	[sflag:s13] =	ssyncadd.s32 $0xFFFF0000  }
0x18c: {  	[tilespmem:s2], [sflag:$0x2] =	stream.linear.gather [hbm4b:s14+s2], $0x200, $0x38;
	[tilespmem:$0x10200] =	vst v63  }
0x18d: {  	_ =	swait.ge [sflag:s13], $0x200  }
0x18e: {  	[sflag:s13] =	ssyncset.done $0x0  }
0x18f: {  	s24 =	simm.s32 $0x10;
	[sflag:s13] =	ssyncadd.s32 $0xFFFFFE00  }
0x190: {  	v63 =	vld [tilespmem:s24+$0xFFFFFFF0];
	_ =	sdelay $0x4  }
0x191: {  	v0 =	vshll.u32 v63, $0x4  }
0x192: {  	(v2sf) =	vpush v0, $0x0  }
0x193: {  	(v2sf) =	vpush v0, $0x1  }
0x194: {  	(v2sf) =	vpush v0, $0x2;
	_ =	sdelay $0x1  }
0x195: {  	(v2sf) =	vpush v0, $0x3  }
0x196: {  	(v2sf) =	vpush v0, $0x4;
	_ =	sdelay $0x1  }
0x197: {  	(v2sf) =	vpush v0, $0x5;
	_ =	sdelay $0x3  }
0x198: {  	(v2sf) =	vpush v0, $0x6;
	_ =	sdelay $0x1  }
0x199: {  	s29 =	simm.s32 $0x680;
	s15 =	simm.s32 $0x380;
	(v2sf) =	vpush v0, $0x7  }
0x19a: {  	s17 =	simm.s32 $0x280;
	s20 =	simm.s32 $0x200;
	s18 =	simm.s32 $0x300  }
0x19b: {  	s16 =	simm.s32 $0xA00;
	s10 =	simm.s32 $0x400;
	s19 =	spop (v2sf);
	(v2sf) =	vpush v0, $0x8  }
0x19c: {  	s13 =	simm.s32 $0x480;
	s6 =	sand.u32 $0x1FFFFFF0, s19;
	s21 =	spop (v2sf)  }
0x19d: {  	s19 =	simm.s32 $0x880;
	s6 =	sadd.s32 s4, s6;
	s22 =	spop (v2sf)  }
0x19e: {  	[tilespmem:s20], [sflag:$0x1] =	stream.linear.gather [hbm4b:s6+s2], $0x80, $0x38;
	[tilespmem:$0x10200] =	vst v63  }
0x19f: {  	s8 =	sand.u32 $0x1FFFFFF0, s21;
	s21 =	simm.s32 $0x780;
	s26 =	spop (v2sf)  }
0x1a0: {  	s23 =	sadd.s32 s4, s8;
	s25 =	sand.u32 $0x1FFFFFF0, s22;
	s31 =	spop (v2sf)  }
0x1a1: {  	(v2sf) =	vpush v0, $0x9;
	[tilespmem:s17], [sflag:$0x1] =	stream.linear.gather [hbm4b:s23+s2], $0x80, $0x38;
	[tilespmem:$0x10200] =	vst v63  }
0x1a2: {  	s28 =	sadd.s32 s4, s25;
	s30 =	sand.u32 $0x1FFFFFF0, s26;
	s9 =	spop (v2sf);
	(v2sf) =	vpush v0, $0xA  }
0x1a3: {  	[tilespmem:s18], [sflag:$0x1] =	stream.linear.gather [hbm4b:s28+s2], $0x80, $0x38;
	[tilespmem:$0x10200] =	vst v63  }
0x1a4: {  	s6 =	sadd.s32 s4, s30;
	s8 =	sand.u32 $0x1FFFFFF0, s31;
	s17 =	simm.s32 $0x500  }
0x1a5: {  	[tilespmem:s15], [sflag:$0x1] =	stream.linear.gather [hbm4b:s6+s2], $0x80, $0x38;
	[tilespmem:$0x10200] =	vst v63  }
0x1a6: {  	s11 =	sadd.s32 s4, s8;
	s12 =	sand.u32 $0x1FFFFFF0, s9;
	s15 =	spop (v2sf)  }
0x1a7: {  	[tilespmem:s10], [sflag:$0x1] =	stream.linear.gather [hbm4b:s11+s2], $0x80, $0x38;
	[tilespmem:$0x10200] =	vst v63  }
0x1a8: {  	s14 =	sadd.s32 s4, s12;
	s0 =	sand.u32 $0x1FFFFFF0, s15;
	s20 =	spop (v2sf)  }
0x1a9: {  	[tilespmem:s13], [sflag:$0x1] =	stream.linear.gather [hbm4b:s14+s2], $0x80, $0x38;
	[tilespmem:$0x10200] =	vst v63  }
0x1aa: {  	s0 =	sadd.s32 s4, s0;
	s5 =	sand.u32 $0x1FFFFFF0, s20;
	s22 =	spop (v2sf)  }
0x1ab: {  	[tilespmem:s17], [sflag:$0x1] =	stream.linear.gather [hbm4b:s0+s2], $0x80, $0x38;
	[tilespmem:$0x10200] =	vst v63  }
0x1ac: {  	s23 =	simm.s32 $0x580;
	s25 =	sadd.s32 s4, s5;
	s26 =	sand.u32 $0x1FFFFFF0, s22  }
0x1ad: {  	(v2sf) =	vpush v0, $0xB;
	[tilespmem:s23], [sflag:$0x1] =	stream.linear.gather [hbm4b:s25+s2], $0x80, $0x38;
	[tilespmem:$0x10200] =	vst v63  }
0x1ae: {  	s18 =	simm.s32 $0x30;
	s28 =	simm.s32 $0x600;
	(v2sf) =	vpush v0, $0xC;
	s30 =	sadd.s32 s4, s26  }
0x1af: {  	(v2sf) =	vpush v0, $0xD;
	[tilespmem:s28], [sflag:$0x1] =	stream.linear.gather [hbm4b:s30+s2], $0x80, $0x38;
	[tilespmem:$0x10200] =	vst v63  }
0x1b0: {  	s20 =	simm.s32 $0x0;
	s22 =	simm.s32 $0x800;
	(v2sf) =	vpush v0, $0xE;
	s31 =	spop (v2sf)  }
0x1b1: {  	s26 =	simm.s32 $0x700;
	(v2sf) =	vpush v0, $0xF;
	s1 =	sand.u32 $0x1FFFFFF0, s31;
	s0 =	spop (v2sf)  }
.LBB2_6:
0x1b2: {  	_ =	sdelay $0x5  }
0x1b3: {  	s5 =	sadd.s32 s4, s1;
	s0 =	sand.u32 $0x1FFFFFF0, s0  }
0x1b4: {  	v0 =	vld [tilespmem:s18+$0xFFFFFFF0];
	[tilespmem:s29], [sflag:$0x1] =	stream.linear.gather [hbm4b:s5+s2], $0x80, $0x38  }
0x1b5: {  	s7 =	smov.u32 s24;
	s0 =	sadd.s32 s4, s0  }
0x1b6: {  	[tilespmem:s26], [sflag:$0x1] =	stream.linear.gather [hbm4b:s0+s2], $0x80, $0x38;
	[tilespmem:$0x10200] =	vst v63  }
0x1b7: {  	s24 =	smov.u32 s18;
	s1 =	smov.u32 s16;
	s6 =	spop (v2sf)  }
0x1b8: {  	s15 =	sadd.s32 $0xFFFFFF00, s16;
	s30 =	sand.u32 $0x1FFFFFF0, s6;
	s31 =	spop (v2sf)  }
0x1b9: {  	s5 =	sadd.s32 s4, s30;
	s6 =	sand.u32 $0x1FFFFFF0, s31;
	s8 =	spop (v2sf)  }
0x1ba: {  	v0 =	vshll.u32 v0, $0x4;
	[tilespmem:s21], [sflag:$0x1] =	stream.linear.gather [hbm4b:s5+s2], $0x80, $0x38;
	[tilespmem:$0x10200] =	vst v63  }
0x1bb: {  	(v2sf) =	vpush v0, $0x0;
	s9 =	sadd.s32 s4, s6;
	s10 =	sand.u32 $0x1FFFFFF0, s8;
	s11 =	spop (v2sf)  }
0x1bc: {  	(v2sf) =	vpush v0, $0x1;
	[tilespmem:s22], [sflag:$0x1] =	stream.linear.gather [hbm4b:s9+s2], $0x80, $0x38;
	[tilespmem:$0x10200] =	vst v63  }
0x1bd: {  	(v2sf) =	vpush v0, $0x2;
	s12 =	sadd.s32 s4, s10;
	s13 =	sand.u32 $0x1FFFFFF0, s11;
	s14 =	spop (v2sf)  }
0x1be: {  	[tilespmem:s19], [sflag:$0x1] =	stream.linear.gather [hbm4b:s12+s2], $0x80, $0x38;
	[tilespmem:$0x10200] =	vst v63  }
0x1bf: {  	s17 =	sadd.s32 $0xFFFFFF80, s16;
	(v2sf) =	vpush v0, $0x3;
	s5 =	sadd.s32 s4, s13;
	s6 =	sand.u32 $0x1FFFFFF0, s14  }
0x1c0: {  	[tilespmem:s15], [sflag:$0x1] =	stream.linear.gather [hbm4b:s5+s2], $0x80, $0x38;
	[tilespmem:$0x10200] =	vst v63  }
0x1c1: {  	s18 =	sadd.s32 $0x20, s18;
	s16 =	sadd.s32 $0x1000, s16;
	(v2sf) =	vpush v0, $0x4;
	s19 =	sadd.s32 s4, s6  }
0x1c2: {  	[tilespmem:s17], [sflag:$0x1] =	stream.linear.gather [hbm4b:s19+s2], $0x80, $0x38;
	[tilespmem:$0x10200] =	vst v63  }
0x1c3: {  	s20 =	sadd.s32 $0x2, s20;
	s28 =	sadd.s32 $0x600, s1;
	s25 =	sadd.s32 $0x680, s1;
	(v2sf) =	vpush v0, $0x5;
	v1 =	vld [tilespmem:s7+$0x0]  }
0x1c4: {  	s29 =	sadd.s32 $0xFFFFF800, s16;
	p0 =	slt.u32 s20, $0x1E;
	s0 =	sadd.s32 $0x480, s1  }
0x1c5: {  	s31 =	sadd.s32 $0x500, s1;
	s30 =	sadd.s32 $0x580, s1;
	s21 =	sadd.s32 $0x780, s1  }
0x1c6: {  	s8 =	sadd.s32 $0x280, s1;
	[dreg:$0x7] =	wrdreg s21;
	s10 =	sadd.s32 $0x180, s1  }
0x1c7: {  	s11 =	sadd.s32 $0x100, s1;
	s21 =	sadd.s32 $0xFFFFFD80, s16;
	s22 =	sadd.s32 $0x700, s1  }
0x1c8: {  	s9 =	sadd.s32 $0x200, s1;
	s14 =	sadd.s32 $0x80, s1;
	s13 =	sadd.s32 $0xFFFFF880, s16;
	v1 =	vshll.u32 v1, $0x4  }
0x1c9: {  	[dreg:$0xa] =	wrdreg s22;
	s22 =	sadd.s32 $0xFFFFFE00, s16;
	s6 =	sadd.s32 $0x380, s1;
	(v2sf) =	vpush v1, $0x0  }
0x1ca: {  	s12 =	sadd.s32 $0xFFFFF980, s16;
	s5 =	sadd.s32 $0x400, s1;
	s23 =	spop (v2sf);
	(v2sf) =	vpush v1, $0x1  }
0x1cb: {  	s15 =	sadd.s32 $0xFFFFF900, s16;
	s26 =	sand.u32 $0x1FFFFFF0, s23;
	s17 =	spop (v2sf);
	(v2sf) =	vpush v1, $0x2  }
0x1cc: {  	s26 =	sadd.s32 s4, s26;
	s17 =	sand.u32 $0x1FFFFFF0, s17;
	s23 =	spop (v2sf)  }
0x1cd: {  	[tilespmem:s29], [sflag:$0x1] =	stream.linear.gather [hbm4b:s26+s2], $0x80, $0x38;
	(v2sf) =	vpush v1, $0x3;
	[tilespmem:$0x10200] =	vst v63  }
0x1ce: {  	s17 =	sadd.s32 s4, s17;
	s23 =	sand.u32 $0x1FFFFFF0, s23;
	s26 =	spop (v2sf)  }
0x1cf: {  	[tilespmem:s13], [sflag:$0x1] =	stream.linear.gather [hbm4b:s17+s2], $0x80, $0x38;
	(v2sf) =	vpush v1, $0x4;
	[tilespmem:$0x10200] =	vst v63  }
0x1d0: {  	s17 =	sadd.s32 s4, s23;
	s23 =	sand.u32 $0x1FFFFFF0, s26;
	s26 =	spop (v2sf)  }
0x1d1: {  	(v2sf) =	vpush v1, $0x5;
	[tilespmem:s15], [sflag:$0x1] =	stream.linear.gather [hbm4b:s17+s2], $0x80, $0x38;
	[tilespmem:$0x10200] =	vst v63  }
0x1d2: {  	s17 =	sadd.s32 s4, s23;
	s23 =	sand.u32 $0x1FFFFFF0, s26;
	s26 =	spop (v2sf)  }
0x1d3: {  	(v2sf) =	vpush v1, $0x6;
	[tilespmem:s12], [sflag:$0x1] =	stream.linear.gather [hbm4b:s17+s2], $0x80, $0x38;
	[tilespmem:$0x10200] =	vst v63  }
0x1d4: {  	s13 =	sadd.s32 $0xFFFFFA00, s16;
	s23 =	sadd.s32 s4, s23;
	s26 =	sand.u32 $0x1FFFFFF0, s26  }
0x1d5: {  	(v2sf) =	vpush v1, $0x7;
	[tilespmem:s13], [sflag:$0x1] =	stream.linear.gather [hbm4b:s23+s2], $0x80, $0x38;
	[tilespmem:$0x10200] =	vst v63  }
0x1d6: {  	s19 =	sadd.s32 $0xFFFFFE80, s16;
	s17 =	sadd.s32 $0xFFFFFA80, s16;
	s23 =	sadd.s32 s4, s26  }
0x1d7: {  	(v2sf) =	vpush v1, $0x8;
	[tilespmem:s17], [sflag:$0x1] =	stream.linear.gather [hbm4b:s23+s2], $0x80, $0x38;
	[tilespmem:$0x10200] =	vst v63  }
0x1d8: {  	s7 =	sadd.s32 $0x300, s1;
	s29 =	sadd.s32 $0xFFFFFC80, s16;
	s15 =	spop (v2sf)  }
0x1d9: {  	s26 =	sadd.s32 $0xFFFFFD00, s16;
	s12 =	sand.u32 $0x1FFFFFF0, s15;
	s17 =	spop (v2sf);
	(v2sf) =	vpush v1, $0x9  }
0x1da: {  	s12 =	sadd.s32 s4, s12;
	s13 =	sand.u32 $0x1FFFFFF0, s17;
	s23 =	spop (v2sf)  }
0x1db: {  	(v2sf) =	vpush v1, $0xA;
	[tilespmem:s1], [sflag:$0x1] =	stream.linear.gather [hbm4b:s12+s2], $0x80, $0x38;
	[tilespmem:$0x10200] =	vst v63  }
0x1dc: {  	s13 =	sadd.s32 s4, s13;
	s17 =	sand.u32 $0x1FFFFFF0, s23;
	s23 =	spop (v2sf)  }
0x1dd: {  	(v2sf) =	vpush v1, $0xB;
	[tilespmem:s14], [sflag:$0x1] =	stream.linear.gather [hbm4b:s13+s2], $0x80, $0x38;
	[tilespmem:$0x10200] =	vst v63  }
0x1de: {  	s12 =	sadd.s32 s4, s17;
	s13 =	sand.u32 $0x1FFFFFF0, s23;
	s14 =	spop (v2sf)  }
0x1df: {  	(v2sf) =	vpush v1, $0xC;
	[tilespmem:s11], [sflag:$0x1] =	stream.linear.gather [hbm4b:s12+s2], $0x80, $0x38;
	[tilespmem:$0x10200] =	vst v63  }
0x1e0: {  	s15 =	sadd.s32 s4, s13;
	s17 =	sand.u32 $0x1FFFFFF0, s14;
	s23 =	spop (v2sf)  }
0x1e1: {  	(v2sf) =	vpush v1, $0xD;
	[tilespmem:s10], [sflag:$0x1] =	stream.linear.gather [hbm4b:s15+s2], $0x80, $0x38;
	[tilespmem:$0x10200] =	vst v63  }
0x1e2: {  	s11 =	sadd.s32 s4, s17;
	s13 =	sand.u32 $0x1FFFFFF0, s23;
	s14 =	spop (v2sf)  }
0x1e3: {  	(v2sf) =	vpush v1, $0xE;
	[tilespmem:s9], [sflag:$0x1] =	stream.linear.gather [hbm4b:s11+s2], $0x80, $0x38;
	[tilespmem:$0x10200] =	vst v63  }
0x1e4: {  	s17 =	sand.u32 $0x1FFFFFF0, s14;
	s23 =	spop (v2sf);
	s15 =	sadd.s32 s4, s13  }
0x1e5: {  	[tilespmem:s8], [sflag:$0x1] =	stream.linear.gather [hbm4b:s15+s2], $0x80, $0x38;
	[tilespmem:$0x10200] =	vst v63  }
0x1e6: {  	s10 =	sand.u32 $0x1FFFFFF0, s23;
	s9 =	sadd.s32 s4, s17;
	s11 =	spop (v2sf)  }
0x1e7: {  	(v2sf) =	vpush v1, $0xF;
	[tilespmem:s7], [sflag:$0x1] =	stream.linear.gather [hbm4b:s9+s2], $0x80, $0x38;
	[tilespmem:$0x10200] =	vst v63  }
0x1e8: {  	s12 =	sadd.s32 s4, s10;
	s13 =	sand.u32 $0x1FFFFFF0, s11;
	s14 =	spop (v2sf)  }
0x1e9: {  	(v2sf) =	vpush v0, $0x6;
	[tilespmem:s6], [sflag:$0x1] =	stream.linear.gather [hbm4b:s12+s2], $0x80, $0x38;
	[tilespmem:$0x10200] =	vst v63  }
0x1ea: {  	s15 =	sadd.s32 s4, s13;
	s17 =	sand.u32 $0x1FFFFFF0, s14;
	s23 =	spop (v2sf)  }
0x1eb: {  	[tilespmem:s5], [sflag:$0x1] =	stream.linear.gather [hbm4b:s15+s2], $0x80, $0x38;
	[tilespmem:$0x10200] =	vst v63  }
0x1ec: {  	(v2sf) =	vpush v0, $0x7;
	s8 =	sadd.s32 s4, s17;
	s9 =	sand.u32 $0x1FFFFFF0, s23;
	s10 =	spop (v2sf)  }
0x1ed: {  	[tilespmem:s0], [sflag:$0x1] =	stream.linear.gather [hbm4b:s8+s2], $0x80, $0x38;
	[tilespmem:$0x10200] =	vst v63  }
0x1ee: {  	(v2sf) =	vpush v0, $0x8;
	s11 =	sadd.s32 s4, s9;
	s12 =	sand.u32 $0x1FFFFFF0, s10;
	s13 =	spop (v2sf)  }
0x1ef: {  	(v2sf) =	vpush v0, $0x9;
	[tilespmem:s31], [sflag:$0x1] =	stream.linear.gather [hbm4b:s11+s2], $0x80, $0x38;
	[tilespmem:$0x10200] =	vst v63  }
0x1f0: {  	s14 =	sadd.s32 s4, s12;
	s15 =	sand.u32 $0x1FFFFFF0, s13;
	s17 =	spop (v2sf)  }
0x1f1: {  	(v2sf) =	vpush v0, $0xA;
	[tilespmem:s30], [sflag:$0x1] =	stream.linear.gather [hbm4b:s14+s2], $0x80, $0x38;
	[tilespmem:$0x10200] =	vst v63  }
0x1f2: {  	s23 =	sadd.s32 s4, s15;
	s31 =	spop (v2sf);
	s30 =	sand.u32 $0x1FFFFFF0, s17  }
0x1f3: {  	[tilespmem:s28], [sflag:$0x1] =	stream.linear.gather [hbm4b:s23+s2], $0x80, $0x38;
	[tilespmem:$0x10200] =	vst v63  }
0x1f4: {  	s9 =	sadd.s32 $0xFFFFFC00, s16;
	s7 =	sand.u32 $0x1FFFFFF0, s31;
	s6 =	sadd.s32 s4, s30  }
0x1f5: {  	[tilespmem:s25], [sflag:$0x1] =	stream.linear.gather [hbm4b:s6+s2], $0x80, $0x38;
	[tilespmem:$0x10200] =	vst v63  }
0x1f6: {  	s12 =	rddreg [dreg:$0xa];
	s8 =	spop (v2sf);
	s10 =	sadd.s32 s4, s7  }
0x1f7: {  	[tilespmem:s12], [sflag:$0x1] =	stream.linear.gather [hbm4b:s10+s2], $0x80, $0x38;
	[tilespmem:$0x10200] =	vst v63  }
0x1f8: {  	s13 =	sadd.s32 $0xFFFFFB80, s16;
	s11 =	sand.u32 $0x1FFFFFF0, s8;
	s14 =	spop (v2sf)  }
0x1f9: {  	s15 =	rddreg [dreg:$0x7];
	s1 =	sadd.s32 s4, s11;
	s5 =	sand.u32 $0x1FFFFFF0, s14  }
0x1fa: {  	[tilespmem:s15], [sflag:$0x1] =	stream.linear.gather [hbm4b:s1+s2], $0x80, $0x38;
	[tilespmem:$0x10200] =	vst v63  }
0x1fb: {  	s17 =	sadd.s32 $0xFFFFFB00, s16;
	s23 =	spop (v2sf);
	s5 =	sadd.s32 s4, s5  }
0x1fc: {  	[tilespmem:s17], [sflag:$0x1] =	stream.linear.gather [hbm4b:s5+s2], $0x80, $0x38;
	[tilespmem:$0x10200] =	vst v63  }
.Ltmp2:
0x1fd: {  	(v2sf) =	vpush v0, $0xB;
	s7 =	sand.u32 $0x1FFFFFF0, s23;
	s25 =	spop (v2sf);
	(pc) =	sbr.rel @p0 .LBB2_6-.Ltmp2, $4  }
0x1fe: {  	(v2sf) =	vpush v0, $0xC;
	s28 =	sadd.s32 s4, s7;
	s30 =	sand.u32 $0x1FFFFFF0, s25;
	s31 =	spop (v2sf)  }
0x1ff: {  	(v2sf) =	vpush v0, $0xD;
	[tilespmem:s13], [sflag:$0x1] =	stream.linear.gather [hbm4b:s28+s2], $0x80, $0x38;
	[tilespmem:$0x10200] =	vst v63  }
0x200: {  	(v2sf) =	vpush v0, $0xE;
	s5 =	sadd.s32 s4, s30;
	s1 =	sand.u32 $0x1FFFFFF0, s31;
	s0 =	spop (v2sf)  }
0x201: {  	(v2sf) =	vpush v0, $0xF;
	[tilespmem:s9], [sflag:$0x1] =	stream.linear.gather [hbm4b:s5+s2], $0x80, $0x38;
	[tilespmem:$0x10200] =	vst v63  }
0x202: {  	_ =	sdelay $0x5  }
0x203: {  	s1 =	sadd.s32 s4, s1;
	s0 =	sand.u32 $0x1FFFFFF0, s0  }
0x204: {  	[tilespmem:s29], [sflag:$0x1] =	stream.linear.gather [hbm4b:s1+s2], $0x80, $0x38;
	[tilespmem:$0x10200] =	vst v63  }
0x205: {  	s0 =	sadd.s32 s4, s0  }
0x206: {  	[tilespmem:s26], [sflag:$0x1] =	stream.linear.gather [hbm4b:s0+s2], $0x80, $0x38;
	[tilespmem:$0x10200] =	vst v63  }
0x207: {  	s14 =	spop (v2sf)  }
0x208: {  	s0 =	sand.u32 $0x1FFFFFF0, s14  }
0x209: {  	s15 =	spop (v2sf);
	s0 =	sadd.s32 s4, s0  }
0x20a: {  	[tilespmem:s21], [sflag:$0x1] =	stream.linear.gather [hbm4b:s0+s2], $0x80, $0x38;
	[tilespmem:$0x10200] =	vst v63  }
0x20b: {  	s0 =	sand.u32 $0x1FFFFFF0, s15  }
0x20c: {  	s17 =	spop (v2sf);
	s0 =	sadd.s32 s4, s0  }
0x20d: {  	[tilespmem:s22], [sflag:$0x1] =	stream.linear.gather [hbm4b:s0+s2], $0x80, $0x38;
	[tilespmem:$0x10200] =	vst v63  }
0x20e: {  	s0 =	sand.u32 $0x1FFFFFF0, s17  }
0x20f: {  	s18 =	spop (v2sf);
	s0 =	sadd.s32 s4, s0  }
0x210: {  	[tilespmem:s19], [sflag:$0x1] =	stream.linear.gather [hbm4b:s0+s2], $0x80, $0x38;
	[tilespmem:$0x10200] =	vst v63  }
0x211: {  	s0 =	sand.u32 $0x1FFFFFF0, s18  }
0x212: {  	s20 =	spop (v2sf);
	s19 =	sadd.s32 $0xFFFFFF00, s16;
	s0 =	sadd.s32 s4, s0  }
0x213: {  	[tilespmem:s19], [sflag:$0x1] =	stream.linear.gather [hbm4b:s0+s2], $0x80, $0x38;
	[tilespmem:$0x10200] =	vst v63  }
0x214: {  	s0 =	sand.u32 $0x1FFFFFF0, s20  }
0x215: {  	s21 =	sadd.s32 $0xFFFFFF80, s16;
	s0 =	sadd.s32 s4, s0  }
0x216: {  	[tilespmem:s21], [sflag:$0x1] =	stream.linear.gather [hbm4b:s0+s2], $0x80, $0x38;
	[tilespmem:$0x10200] =	vst v63  }
0x217: {  	v0 =	vld [tilespmem:s24+$0x0];
	_ =	sdelay $0x4  }
0x218: {  	v0 =	vshll.u32 v0, $0x4  }
0x219: {  	(v2sf) =	vpush v0, $0x0;
	_ =	sdelay $0x1  }
0x21a: {  	(v2sf) =	vpush v0, $0x1;
	_ =	sdelay $0x1  }
0x21b: {  	(v2sf) =	vpush v0, $0x2;
	_ =	sdelay $0x3  }
0x21c: {  	(v2sf) =	vpush v0, $0x3;
	_ =	sdelay $0x4  }
0x21d: {  	(v2sf) =	vpush v0, $0x4;
	_ =	sdelay $0x1  }
0x21e: {  	s22 =	spop (v2sf);
	(v2sf) =	vpush v0, $0x5;
	_ =	sdelay $0x1  }
0x21f: {  	s23 =	spop (v2sf);
	(v2sf) =	vpush v0, $0x6;
	_ =	sdelay $0x1  }
0x220: {  	s25 =	spop (v2sf);
	(v2sf) =	vpush v0, $0x7  }
0x221: {  	s0 =	sand.u32 $0x1FFFFFF0, s22  }
0x222: {  	s24 =	sadd.s32 $0x80, s16;
	s0 =	sadd.s32 s4, s0;
	s1 =	sand.u32 $0x1FFFFFF0, s23  }
0x223: {  	[tilespmem:s16], [sflag:$0x1] =	stream.linear.gather [hbm4b:s0+s2], $0x80, $0x38;
	[tilespmem:$0x10200] =	vst v63  }
0x224: {  	s1 =	sadd.s32 s4, s1;
	s0 =	sand.u32 $0x1FFFFFF0, s25;
	s28 =	spop (v2sf)  }
0x225: {  	(v2sf) =	vpush v0, $0x8;
	[tilespmem:s24], [sflag:$0x1] =	stream.linear.gather [hbm4b:s1+s2], $0x80, $0x38;
	[tilespmem:$0x10200] =	vst v63  }
0x226: {  	s26 =	sadd.s32 $0x100, s16;
	s0 =	sadd.s32 s4, s0  }
0x227: {  	[tilespmem:s26], [sflag:$0x1] =	stream.linear.gather [hbm4b:s0+s2], $0x80, $0x38;
	[tilespmem:$0x10200] =	vst v63  }
0x228: {  	s0 =	sand.u32 $0x1FFFFFF0, s28  }
0x229: {  	s29 =	sadd.s32 $0x180, s16;
	s30 =	spop (v2sf);
	s0 =	sadd.s32 s4, s0  }
0x22a: {  	[tilespmem:s29], [sflag:$0x1] =	stream.linear.gather [hbm4b:s0+s2], $0x80, $0x38;
	[tilespmem:$0x10200] =	vst v63  }
0x22b: {  	s1 =	spop (v2sf);
	(v2sf) =	vpush v0, $0x9  }
0x22c: {  	s0 =	sand.u32 $0x1FFFFFF0, s30  }
0x22d: {  	s31 =	sadd.s32 $0x200, s16;
	s0 =	sadd.s32 s4, s0;
	s6 =	spop (v2sf);
	(v2sf) =	vpush v0, $0xA  }
0x22e: {  	[tilespmem:s31], [sflag:$0x1] =	stream.linear.gather [hbm4b:s0+s2], $0x80, $0x38;
	[tilespmem:$0x10200] =	vst v63  }
0x22f: {  	s8 =	spop (v2sf);
	(v2sf) =	vpush v0, $0xB  }
0x230: {  	s0 =	sand.u32 $0x1FFFFFF0, s1  }
0x231: {  	s5 =	sadd.s32 $0x280, s16;
	s0 =	sadd.s32 s4, s0  }
0x232: {  	[tilespmem:s5], [sflag:$0x1] =	stream.linear.gather [hbm4b:s0+s2], $0x80, $0x38;
	[tilespmem:$0x10200] =	vst v63  }
0x233: {  	s0 =	sand.u32 $0x1FFFFFF0, s6  }
0x234: {  	s7 =	sadd.s32 $0x300, s16;
	s10 =	spop (v2sf);
	s0 =	sadd.s32 s4, s0  }
0x235: {  	(v2sf) =	vpush v0, $0xC;
	[tilespmem:s7], [sflag:$0x1] =	stream.linear.gather [hbm4b:s0+s2], $0x80, $0x38;
	[tilespmem:$0x10200] =	vst v63  }
0x236: {  	s0 =	sand.u32 $0x1FFFFFF0, s8  }
0x237: {  	s9 =	sadd.s32 $0x380, s16;
	s0 =	sadd.s32 s4, s0  }
0x238: {  	[tilespmem:s9], [sflag:$0x1] =	stream.linear.gather [hbm4b:s0+s2], $0x80, $0x38;
	[tilespmem:$0x10200] =	vst v63  }
0x239: {  	s0 =	sand.u32 $0x1FFFFFF0, s10  }
0x23a: {  	s11 =	sadd.s32 $0x400, s16;
	s0 =	sadd.s32 s4, s0;
	s12 =	spop (v2sf);
	(v2sf) =	vpush v0, $0xD  }
0x23b: {  	[tilespmem:s11], [sflag:$0x1] =	stream.linear.gather [hbm4b:s0+s2], $0x80, $0x38;
	[tilespmem:$0x10200] =	vst v63  }
0x23c: {  	s14 =	spop (v2sf);
	(v2sf) =	vpush v0, $0xE  }
0x23d: {  	s0 =	sand.u32 $0x1FFFFFF0, s12  }
0x23e: {  	s13 =	sadd.s32 $0x480, s16;
	s0 =	sadd.s32 s4, s0;
	s17 =	spop (v2sf)  }
0x23f: {  	(v2sf) =	vpush v0, $0xF;
	[tilespmem:s13], [sflag:$0x1] =	stream.linear.gather [hbm4b:s0+s2], $0x80, $0x38;
	[tilespmem:$0x10200] =	vst v63  }
0x240: {  	s0 =	sand.u32 $0x1FFFFFF0, s14  }
0x241: {  	s15 =	sadd.s32 $0x500, s16;
	s0 =	sadd.s32 s4, s0  }
0x242: {  	[tilespmem:s15], [sflag:$0x1] =	stream.linear.gather [hbm4b:s0+s2], $0x80, $0x38;
	[tilespmem:$0x10200] =	vst v63  }
0x243: {  	s0 =	sand.u32 $0x1FFFFFF0, s17  }
0x244: {  	s18 =	sadd.s32 $0x580, s16;
	s19 =	spop (v2sf);
	s0 =	sadd.s32 s4, s0  }
0x245: {  	[tilespmem:s18], [sflag:$0x1] =	stream.linear.gather [hbm4b:s0+s2], $0x80, $0x38;
	[tilespmem:$0x10200] =	vst v63  }
0x246: {  	s0 =	sand.u32 $0x1FFFFFF0, s19  }
0x247: {  	s20 =	sadd.s32 $0x600, s16;
	s0 =	sadd.s32 s4, s0  }
0x248: {  	[tilespmem:s20], [sflag:$0x1] =	stream.linear.gather [hbm4b:s0+s2], $0x80, $0x38;
	[tilespmem:$0x10200] =	vst v63  }
0x249: {  	s21 =	spop (v2sf)  }
0x24a: {  	s0 =	sand.u32 $0x1FFFFFF0, s21  }
0x24b: {  	s22 =	sadd.s32 $0x680, s16;
	s23 =	spop (v2sf);
	s0 =	sadd.s32 s4, s0  }
0x24c: {  	[tilespmem:s22], [sflag:$0x1] =	stream.linear.gather [hbm4b:s0+s2], $0x80, $0x38;
	[tilespmem:$0x10200] =	vst v63  }
0x24d: {  	s0 =	sand.u32 $0x1FFFFFF0, s23  }
0x24e: {  	s24 =	sadd.s32 $0x700, s16;
	s25 =	spop (v2sf);
	s0 =	sadd.s32 s4, s0  }
0x24f: {  	[tilespmem:s24], [sflag:$0x1] =	stream.linear.gather [hbm4b:s0+s2], $0x80, $0x38;
	[tilespmem:$0x10200] =	vst v63  }
0x250: {  	s0 =	sand.u32 $0x1FFFFFF0, s25  }
0x251: {  	s26 =	sadd.s32 $0x780, s16;
	s28 =	simm.s32 $0x1;
	s0 =	sadd.s32 s4, s0  }
0x252: {  	[tilespmem:s26], [sflag:$0x1] =	stream.linear.gather [hbm4b:s0+s2], $0x80, $0x38;
	[tilespmem:$0x10200] =	vst v63  }
0x253: {  	_ =	swait.ge [sflag:s28], $0x10000  }
0x254: {  	s30 =	simm.s32 $0x200;
	[sflag:s28] =	ssyncset.done $0x0  }
0x255: {  	s1 =	simm.s32 $0x2;
	s29 =	rddreg [dreg:$0x10];
	[sflag:s28] =	ssyncadd.s32 $0xFFFF0000  }
0x256: {  	[hbm4b:s29+s2] =	stream.linear.scatter [tilespmem:s30], [sflag:$0x2], $0x10000, $0x38;
	[tilespmem:$0x10200] =	vst v63  }
0x257: {  	_ =	swait.ge [sflag:s1], $0x10000  }
0x258: {  	s5 =	rddreg [dreg:$0x12]  }
0x259: {  	s31 =	rddreg [dreg:$0x11];
	s5 =	sadd.s32 $0x1, s5  }
0x25a: {  	p0 =	sne.s32 s5, s31  }
.Ltmp3:
0x25b: {  	_ = 	snop;
	(pc) =	sbr.rel @p0 .LBB2_1-.Ltmp3, $3  }
0x25c: {  	_ =	sdelay $0x1  }
0x25d: {  	[sflag:s1] =	ssyncset.done $0x0  }
0x25e: {  	[sflag:s1] =	ssyncadd.s32 $0xFFFF0000  }
0x25f: {  	_ =	sfence.sel $0x180000  }
0x260: {  	[bflag:$0x0] =	sbarrier.arrive $0xFFFF  }
0x261: {  	_ =	strace $0x90000047  }
0x262: {  	s0 =	stileid.u32;
	[bflag:$0x2] =	sbarrier.arrive $0xFFFF  }
0x263: {  	p0 =	sne.s32 s0, $0x0;
	s0 =	rddreg [dreg:$0x4]  }
0x264: {  	s0 =	sadd.s32 @!p0 $0x100000, s0  }
0x265: {  	[sflag:s0] =	ssyncadd.tile.s32 @!p0 $0x1;
	_ =	shalt  }
.Lfunc_end2:
_tile_overlayer_lowered:
.L_overlay_start_2:
0x266: {  	(tag) =	ssettag $0x2  }
0x267: {  	s0 =	rddreg [dreg:$0x0];
	s2 =	stileid.u32  }
0x268: {  	s1 =	rddreg [dreg:$0x1];
	p0 =	sne.s32 s2, $0x0  }
0x269: {  	s3 =	rddreg [dreg:$0x2];
	[bflag:$0x3] =	sbarrier.arrive $0xFFFF;
	s2 =	simm.s32 @!p0 $0x1C02  }
0x26a: {  	[timem:s3], [sflag:s2] =	dma.local @!p0 [hbm:s0], s1  }
0x26b: {  	s0 =	simm.s32 @!p0 $0x2  }
0x26c: {  	_ =	swait.ge @!p0 [sflag:s0], s1  }
0x26d: {  	s1 =	ssub.s32 @!p0 $0x0, s1;
	[sflag:s0] =	ssyncset.done @!p0 $0x0  }
0x26e: {  	[sflag:s0] =	ssyncadd.s32 @!p0 s1  }
0x26f: {  	[bflag:$0x3] =	sbarrier.arrive $0xFFFF  }
0x270: {  	_ =	shalt  }

</sc_bundles>
